<compile_context>
chip_gen: v7x
topology: tpu7x:2x2x1
jax: 0.10.2.dev20260603
libtpu: 0.0.44.dev20260713+nightly
codegen_flags: <defaults>
</compile_context>

<pallas_src>
import functools
import jax
import jax.numpy as jnp
from jax import lax
from jax.experimental import pallas as pl
from jax.experimental.pallas import tpu as pltpu
from jax.experimental.pallas import tpu_sc as plsc

NF = 320000
BME = 10000
B = 8
NR = 200
D = 128
NREL = B * NR

NS = 16
K = 40
FPS = NF // NS
NCHUNK = FPS // K
AC = 40
NEC = BME // AC
NRC = NREL // AC

_mesh = plsc.VectorSubcoreMesh(core_axis_name="c", subcore_axis_name="s")


@functools.partial(
    pl.kernel,
    mesh=_mesh,
    out_type=jax.ShapeDtypeStruct((2 * NF + 2 * BME + NREL, D), jnp.float32),
    scratch_types=(
        [pltpu.VMEM_SHARED((BME, D), jnp.float32),
         pltpu.VMEM_SHARED((NREL, D), jnp.float32)]
        + 2 * [pltpu.VMEM((K,), jnp.int32)]
        + 2 * [pltpu.VMEM((K,), jnp.int32)]
        + 2 * [pltpu.VMEM((K,), jnp.int32)]
        + 2 * [pltpu.VMEM((K,), jnp.int32)]
        + 2 * [pltpu.VMEM((K + 16,), jnp.float32)]
        + 2 * [pltpu.VMEM((K, D), jnp.float32)]
        + 2 * [pltpu.VMEM((K, D), jnp.float32)]
        + [pltpu.VMEM((AC, D), jnp.float32)]
        + 8 * [pltpu.SemaphoreType.DMA]
    ),
)
def _gnn_sc(heads, rels, tails, ids, w, ent, ff, out,
            accum, rel_accum,
            idx0, idx1, ridx0, ridx1, rl0, rl1, id0, id1,
            w0, w1, f0, f1, e0, e1, zb,
            insem0, insem1, gsem0, gsem1, osem0, osem1, asem0, asem1):
    idx_v = [idx0, idx1]
    ridx_v = [ridx0, ridx1]
    rels_v = [rl0, rl1]
    ids_v = [id0, id1]
    w_v = [w0, w1]
    ff_v = [f0, f1]
    ent_v = [e0, e1]
    insem = [insem0, insem1]
    gsem = [gsem0, gsem1]
    osem = [osem0, osem1]
    asem = [asem0, asem1]
    cid = lax.axis_index("c")
    sid = lax.axis_index("s")

    def _zrow(j, _):
        for r in range(D // 16):
            zb[j, pl.ds(r * 16, 16)] = jnp.zeros((16,), jnp.float32)
        return 0
    lax.fori_loop(0, AC, _zrow, 0)
    for k in range(-(-NEC // NS)):
        i = k * NS + sid

        @pl.when(i < NEC)
        def _():
            pltpu.sync_copy(zb, accum.at[pl.ds(i * AC, AC)])
    for k in range(-(-NRC // NS)):
        i = k * NS + sid

        @pl.when(i < NRC)
        def _():
            pltpu.sync_copy(zb, rel_accum.at[pl.ds(i * AC, AC)])
    plsc.subcore_barrier()

    def run(idx_hbm, gather_base, do_rel):
        def in_copies(g, b):
            base = sid * FPS + g * K
            cs = [
                pltpu.make_async_copy(w.at[pl.ds(base, K)],
                                      w_v[b].at[pl.ds(0, K)], insem[b]),
                pltpu.make_async_copy(idx_hbm.at[pl.ds(base, K)],
                                      idx_v[b], insem[b]),
                pltpu.make_async_copy(ff.at[pl.ds(base, K)], ff_v[b],
                                      insem[b]),
            ]
            if do_rel:
                cs += [
                    pltpu.make_async_copy(rels.at[pl.ds(base, K)],
                                          rels_v[b], insem[b]),
                    pltpu.make_async_copy(ids.at[pl.ds(base, K)],
                                          ids_v[b], insem[b]),
                ]
            return cs

        def issue_in(g, b):
            @pl.when(g < NCHUNK)
            def _():
                for c in in_copies(g, b):
                    c.start()

        def wait_out(g, b):
            @pl.when(g >= 0)
            def _():
                base = sid * FPS + g * K
                pltpu.make_async_copy(
                    ent_v[b], out.at[pl.ds(gather_base + base, K)],
                    osem[b]).wait()
                pltpu.make_async_copy(ff_v[b], accum.at[idx_v[b]],
                                      osem[b]).wait()
                if do_rel:
                    pltpu.make_async_copy(ff_v[b], rel_accum.at[ridx_v[b]],
                                          osem[b]).wait()

        def wait_out_lin(g, b):
            @pl.when(g >= 0)
            def _():
                base = sid * FPS + g * K
                pltpu.make_async_copy(
                    ent_v[b], out.at[pl.ds(gather_base + base, K)],
                    osem[b]).wait()

        def wait_adds(g, b):
            @pl.when(g >= 0)
            def _():
                pltpu.make_async_copy(ff_v[b], accum.at[idx_v[b]],
                                      asem[b]).wait()
                if do_rel:
                    pltpu.make_async_copy(ff_v[b], rel_accum.at[ridx_v[b]],
                                          asem[b]).wait()

        def chunk_body(g, b):
            wait_adds(g - 1, 1 - b)
            issue_in(g + 1, 1 - b)
            base = sid * FPS + g * K
            if do_rel:
                for off in sorted({t * 16 for t in range(K // 16)} | {K - 16}):
                    sl = pl.ds(off, 16)
                    ridx_v[b][sl] = rels_v[b][sl] + ids_v[b][sl] * NR
            pltpu.make_async_copy(ent.at[idx_v[b]], ent_v[b], gsem[b]).wait()

            def _fact(j, _):
                wb = jnp.full((16,), w_v[b][pl.ds(j, 16)][0], jnp.float32)
                for r in range(D // 16):
                    sl = pl.ds(r * 16, 16)
                    ff_v[b][j, sl] = ff_v[b][j, sl] * wb
                    ent_v[b][j, sl] = ent_v[b][j, sl] * wb
                return 0
            lax.fori_loop(0, K, _fact, 0)

            wait_out_lin(g - 1, 1 - b)

            @pl.when(g + 1 < NCHUNK)
            def _():
                for c in in_copies(g + 1, 1 - b):
                    c.wait()
                pltpu.async_copy(ent.at[idx_v[1 - b]], ent_v[1 - b],
                                 gsem[1 - b])

            pltpu.async_copy(ent_v[b],
                             out.at[pl.ds(gather_base + base, K)], osem[b])
            pltpu.async_copy(ff_v[b], accum.at[idx_v[b]], asem[b], add=True)
            if do_rel:
                pltpu.async_copy(ff_v[b], rel_accum.at[ridx_v[b]],
                                 asem[b], add=True)

        issue_in(0, 0)
        for c in in_copies(0, 0):
            c.wait()
        pltpu.async_copy(ent.at[idx_v[0]], ent_v[0], gsem[0])

        def outer(i, _):
            chunk_body(2 * i, 0)
            chunk_body(2 * i + 1, 1)
            return 0
        lax.fori_loop(0, NCHUNK // 2, outer, 0)
        wait_out_lin(NCHUNK - 1, 1)
        wait_adds(NCHUNK - 1, 1)

    @pl.when(cid == 0)
    def _():
        run(tails, NF, False)

    @pl.when(cid == 1)
    def _():
        run(heads, 0, True)

    plsc.subcore_barrier()

    ent_base = 2 * NF + cid * BME
    for k in range(-(-NEC // NS)):
        i = k * NS + sid

        @pl.when(i < NEC)
        def _():
            pltpu.sync_copy(accum.at[pl.ds(i * AC, AC)],
                            out.at[pl.ds(ent_base + i * AC, AC)])

    @pl.when(cid == 1)
    def _():
        for k in range(-(-NRC // NS)):
            i = k * NS + sid

            @pl.when(i < NRC)
            def _():
                pltpu.sync_copy(rel_accum.at[pl.ds(i * AC, AC)],
                                out.at[pl.ds(2 * NF + 2 * BME + i * AC, AC)])


def kernel(batch_heads, batch_rels, batch_tails, batch_ids, fact_ids,
           weight_list, entity_feat, fact_feat):
    del fact_ids
    i32 = jnp.int32
    return _gnn_sc(batch_heads.astype(i32), batch_rels.astype(i32),
                   batch_tails.astype(i32), batch_ids.astype(i32),
                   weight_list, entity_feat, fact_feat)

# --- scband reference (transcript-rebuilt; emitter-appended) ---
"""Pipeline reference for scband-base-gnnlayer-36524401885444 (READ-ONLY COPY).

The authoritative reference and input builder live on the scoring server;
editing this copy changes nothing except your own understanding.
"""

import jax, jax.numpy as jnp
import numpy as np

NF = 320000   # num_fact
BME = 10000   # batch_size * max_local_entity
B = 8         # batch_size
NR = 200      # num_relation
D = 128       # feature dim

def setup_inputs(seed: int = 0):
    key = jax.random.key(seed)
    ks = jax.random.split(key, 8)
    return {
        "batch_heads": jax.random.randint(ks[0], (NF,), 0, BME),
        "batch_rels": jax.random.randint(ks[1], (NF,), 0, NR),
        "batch_tails": jax.random.randint(ks[2], (NF,), 0, BME),
        "batch_ids": jax.random.randint(ks[3], (NF,), 0, B),
        "fact_ids": jnp.arange(NF),
        "weight_list": jax.random.uniform(ks[4], (NF,), dtype=jnp.float32),
        "entity_feat": jax.random.normal(ks[5], (BME, D), dtype=jnp.float32),
        "fact_feat": jax.random.normal(ks[6], (NF, D), dtype=jnp.float32),
    }

def reference(batch_heads, batch_rels, batch_tails, batch_ids, fact_ids, weight_list, entity_feat, fact_feat):
    # build_matrix() constructs sparse COO matrices; its math is realized by their
    # SpMM action. Since fact_ids is arange(NF) (identity on the fact axis), each
    # sparse matmul reduces to a weighted gather or scatter-add.
    vals = weight_list  # normalized_gnn=True -> vals = weight_list
    d = entity_feat.shape[1]
    # head2fact_mat @ entity_feat  -> [NF, D] (gather heads, scale by vals)
    fact_from_head = vals[:, None] * jnp.take(entity_feat, batch_heads, axis=0)
    # tail2fact_mat @ entity_feat  -> [NF, D]
    fact_from_tail = vals[:, None] * jnp.take(entity_feat, batch_tails, axis=0)
    # fact2tail_mat @ fact_feat    -> [BME, D] (scatter-add into tails)
    ent_from_fact_t = jnp.zeros((BME, d), dtype=fact_feat.dtype).at[batch_tails].add(vals[:, None] * fact_feat)
    # fact2head_mat @ fact_feat    -> [BME, D] (scatter-add into heads)
    ent_from_fact_h = jnp.zeros((BME, d), dtype=fact_feat.dtype).at[batch_heads].add(vals[:, None] * fact_feat)
    # fact2rel_mat @ fact_feat     -> [B*NR, D] with row index batch_rels + batch_ids*NR
    rel_index = batch_rels + batch_ids * NR
    rel_from_fact = jnp.zeros((B * NR, d), dtype=fact_feat.dtype).at[rel_index].add(vals[:, None] * fact_feat)
    return jnp.concatenate([fact_from_head, fact_from_tail, ent_from_fact_t, ent_from_fact_h, rel_from_fact], axis=0)

if __name__ == "__main__":
    import jax
    _d = setup_inputs()
    print(jax.jit(kernel)(*tuple(_d.values())))

</pallas_src>

<mosaic_0001>
#map = affine_map<(d0, d1) -> (0)>
#map1 = affine_map<(d0, d1) -> (0, 0)>
module attributes {stable_mosaic.version = 14 : i64} {
  func.func @_gnn_sc(%arg0: i32, %arg1: i32, %arg2: memref<320000xi32, #tpu.memory_space<hbm>>, %arg3: memref<320000xi32, #tpu.memory_space<hbm>>, %arg4: memref<320000xi32, #tpu.memory_space<hbm>>, %arg5: memref<320000xi32, #tpu.memory_space<hbm>>, %arg6: memref<320000xf32, #tpu.memory_space<hbm>>, %arg7: memref<10000x128xf32, #tpu.memory_space<hbm>>, %arg8: memref<320000x128xf32, #tpu.memory_space<hbm>>, %arg9: memref<661600x128xf32, #tpu.memory_space<hbm>>, %arg10: memref<10000x128xf32, #tpu.memory_space<vmem_shared>>, %arg11: memref<1600x128xf32, #tpu.memory_space<vmem_shared>>, %arg12: memref<40xi32, #tpu.memory_space<vmem>>, %arg13: memref<40xi32, #tpu.memory_space<vmem>>, %arg14: memref<40xi32, #tpu.memory_space<vmem>>, %arg15: memref<40xi32, #tpu.memory_space<vmem>>, %arg16: memref<40xi32, #tpu.memory_space<vmem>>, %arg17: memref<40xi32, #tpu.memory_space<vmem>>, %arg18: memref<40xi32, #tpu.memory_space<vmem>>, %arg19: memref<40xi32, #tpu.memory_space<vmem>>, %arg20: memref<56xf32, #tpu.memory_space<vmem>>, %arg21: memref<56xf32, #tpu.memory_space<vmem>>, %arg22: memref<40x128xf32, #tpu.memory_space<vmem>>, %arg23: memref<40x128xf32, #tpu.memory_space<vmem>>, %arg24: memref<40x128xf32, #tpu.memory_space<vmem>>, %arg25: memref<40x128xf32, #tpu.memory_space<vmem>>, %arg26: memref<40x128xf32, #tpu.memory_space<vmem>>, %arg27: memref<!tpu.dma_semaphore, #tpu.memory_space<semaphore_mem>>, %arg28: memref<!tpu.dma_semaphore, #tpu.memory_space<semaphore_mem>>, %arg29: memref<!tpu.dma_semaphore, #tpu.memory_space<semaphore_mem>>, %arg30: memref<!tpu.dma_semaphore, #tpu.memory_space<semaphore_mem>>, %arg31: memref<!tpu.dma_semaphore, #tpu.memory_space<semaphore_mem>>, %arg32: memref<!tpu.dma_semaphore, #tpu.memory_space<semaphore_mem>>, %arg33: memref<!tpu.dma_semaphore, #tpu.memory_space<semaphore_mem>>, %arg34: memref<!tpu.dma_semaphore, #tpu.memory_space<semaphore_mem>>) attributes {dimension_semantics = [#tpu.dimension_semantics<core_parallel>, #tpu.dimension_semantics<subcore_parallel>], iteration_bounds = array<i64: 2, 16>, scalar_prefetch = 0 : i64, scratch_operands = 25 : i64, tpu.core_type = #tpu.core_type<sc_vector_subcore>, window_params = [{transform_indices = #map}, {transform_indices = #map}, {transform_indices = #map}, {transform_indices = #map}, {transform_indices = #map}, {transform_indices = #map1}, {transform_indices = #map1}, {transform_indices = #map1}]} {
    %scan3A = arith.constant 0 : i32
    %scan3A_0 = arith.constant 0 : i32
    %scan3A_1 = arith.constant 40 : i32
    %scan3A_2 = arith.addi %scan3A_0, %scan3A_1 : i32
    %scan3A_3 = arith.constant 1 : i32
    %scan3A_4 = scf.for %scan3A_265 = %scan3A_0 to %scan3A_2 step %scan3A_3 iter_args(%scan3A_266 = %scan3A) -> (i32)  : i32 {
      %broadcast_in_dim3A = arith.constant 0.000000e+00 : f32
      %broadcast_in_dim3A_267 = vector.broadcast %broadcast_in_dim3A : f32 to vector<16xf32>
      %swap3A = arith.index_cast %scan3A_265 : i32 to index
      %swap3A_268 = arith.constant 0 : index
      %swap3A_269 = tpu.vector_load %arg26[%swap3A, %swap3A_268] {strides = array<i32>} : memref<40x128xf32, #tpu.memory_space<vmem>>, vector<1x16xf32>,
      %swap3A_270 = vector.shape_cast %swap3A_269 : vector<1x16xf32> to vector<16xf32>
      %swap3A_271 = vector.shape_cast %broadcast_in_dim3A_267 : vector<16xf32> to vector<1x16xf32>
      tpu.vector_store %arg26[%swap3A, %swap3A_268], %swap3A_271 {strides = array<i32>} : memref<40x128xf32, #tpu.memory_space<vmem>>, vector<1x16xf32>,
      %broadcast_in_dim3A_272 = arith.constant 0.000000e+00 : f32
      %broadcast_in_dim3A_273 = vector.broadcast %broadcast_in_dim3A_272 : f32 to vector<16xf32>
      %swap3A_274 = arith.index_cast %scan3A_265 : i32 to index
      %swap3A_275 = arith.constant 16 : index
      %swap3A_276 = tpu.vector_load %arg26[%swap3A_274, %swap3A_275] {strides = array<i32>} : memref<40x128xf32, #tpu.memory_space<vmem>>, vector<1x16xf32>,
      %swap3A_277 = vector.shape_cast %swap3A_276 : vector<1x16xf32> to vector<16xf32>
      %swap3A_278 = vector.shape_cast %broadcast_in_dim3A_273 : vector<16xf32> to vector<1x16xf32>
      tpu.vector_store %arg26[%swap3A_274, %swap3A_275], %swap3A_278 {strides = array<i32>} : memref<40x128xf32, #tpu.memory_space<vmem>>, vector<1x16xf32>,
      %broadcast_in_dim3A_279 = arith.constant 0.000000e+00 : f32
      %broadcast_in_dim3A_280 = vector.broadcast %broadcast_in_dim3A_279 : f32 to vector<16xf32>
      %swap3A_281 = arith.index_cast %scan3A_265 : i32 to index
      %swap3A_282 = arith.constant 32 : index
      %swap3A_283 = tpu.vector_load %arg26[%swap3A_281, %swap3A_282] {strides = array<i32>} : memref<40x128xf32, #tpu.memory_space<vmem>>, vector<1x16xf32>,
      %swap3A_284 = vector.shape_cast %swap3A_283 : vector<1x16xf32> to vector<16xf32>
      %swap3A_285 = vector.shape_cast %broadcast_in_dim3A_280 : vector<16xf32> to vector<1x16xf32>
      tpu.vector_store %arg26[%swap3A_281, %swap3A_282], %swap3A_285 {strides = array<i32>} : memref<40x128xf32, #tpu.memory_space<vmem>>, vector<1x16xf32>,
      %broadcast_in_dim3A_286 = arith.constant 0.000000e+00 : f32
      %broadcast_in_dim3A_287 = vector.broadcast %broadcast_in_dim3A_286 : f32 to vector<16xf32>
      %swap3A_288 = arith.index_cast %scan3A_265 : i32 to index
      %swap3A_289 = arith.constant 48 : index
      %swap3A_290 = tpu.vector_load %arg26[%swap3A_288, %swap3A_289] {strides = array<i32>} : memref<40x128xf32, #tpu.memory_space<vmem>>, vector<1x16xf32>,
      %swap3A_291 = vector.shape_cast %swap3A_290 : vector<1x16xf32> to vector<16xf32>
      %swap3A_292 = vector.shape_cast %broadcast_in_dim3A_287 : vector<16xf32> to vector<1x16xf32>
      tpu.vector_store %arg26[%swap3A_288, %swap3A_289], %swap3A_292 {strides = array<i32>} : memref<40x128xf32, #tpu.memory_space<vmem>>, vector<1x16xf32>,
      %broadcast_in_dim3A_293 = arith.constant 0.000000e+00 : f32
      %broadcast_in_dim3A_294 = vector.broadcast %broadcast_in_dim3A_293 : f32 to vector<16xf32>
      %swap3A_295 = arith.index_cast %scan3A_265 : i32 to index
      %swap3A_296 = arith.constant 64 : index
      %swap3A_297 = tpu.vector_load %arg26[%swap3A_295, %swap3A_296] {strides = array<i32>} : memref<40x128xf32, #tpu.memory_space<vmem>>, vector<1x16xf32>,
      %swap3A_298 = vector.shape_cast %swap3A_297 : vector<1x16xf32> to vector<16xf32>
      %swap3A_299 = vector.shape_cast %broadcast_in_dim3A_294 : vector<16xf32> to vector<1x16xf32>
      tpu.vector_store %arg26[%swap3A_295, %swap3A_296], %swap3A_299 {strides = array<i32>} : memref<40x128xf32, #tpu.memory_space<vmem>>, vector<1x16xf32>,
      %broadcast_in_dim3A_300 = arith.constant 0.000000e+00 : f32
      %broadcast_in_dim3A_301 = vector.broadcast %broadcast_in_dim3A_300 : f32 to vector<16xf32>
      %swap3A_302 = arith.index_cast %scan3A_265 : i32 to index
      %swap3A_303 = arith.constant 80 : index
      %swap3A_304 = tpu.vector_load %arg26[%swap3A_302, %swap3A_303] {strides = array<i32>} : memref<40x128xf32, #tpu.memory_space<vmem>>, vector<1x16xf32>,
      %swap3A_305 = vector.shape_cast %swap3A_304 : vector<1x16xf32> to vector<16xf32>
      %swap3A_306 = vector.shape_cast %broadcast_in_dim3A_301 : vector<16xf32> to vector<1x16xf32>
      tpu.vector_store %arg26[%swap3A_302, %swap3A_303], %swap3A_306 {strides = array<i32>} : memref<40x128xf32, #tpu.memory_space<vmem>>, vector<1x16xf32>,
      %broadcast_in_dim3A_307 = arith.constant 0.000000e+00 : f32
      %broadcast_in_dim3A_308 = vector.broadcast %broadcast_in_dim3A_307 : f32 to vector<16xf32>
      %swap3A_309 = arith.index_cast %scan3A_265 : i32 to index
      %swap3A_310 = arith.constant 96 : index
      %swap3A_311 = tpu.vector_load %arg26[%swap3A_309, %swap3A_310] {strides = array<i32>} : memref<40x128xf32, #tpu.memory_space<vmem>>, vector<1x16xf32>,
      %swap3A_312 = vector.shape_cast %swap3A_311 : vector<1x16xf32> to vector<16xf32>
      %swap3A_313 = vector.shape_cast %broadcast_in_dim3A_308 : vector<16xf32> to vector<1x16xf32>
      tpu.vector_store %arg26[%swap3A_309, %swap3A_310], %swap3A_313 {strides = array<i32>} : memref<40x128xf32, #tpu.memory_space<vmem>>, vector<1x16xf32>,
      %broadcast_in_dim3A_314 = arith.constant 0.000000e+00 : f32
      %broadcast_in_dim3A_315 = vector.broadcast %broadcast_in_dim3A_314 : f32 to vector<16xf32>
      %swap3A_316 = arith.index_cast %scan3A_265 : i32 to index
      %swap3A_317 = arith.constant 112 : index
      %swap3A_318 = tpu.vector_load %arg26[%swap3A_316, %swap3A_317] {strides = array<i32>} : memref<40x128xf32, #tpu.memory_space<vmem>>, vector<1x16xf32>,
      %swap3A_319 = vector.shape_cast %swap3A_318 : vector<1x16xf32> to vector<16xf32>
      %swap3A_320 = vector.shape_cast %broadcast_in_dim3A_315 : vector<16xf32> to vector<1x16xf32>
      tpu.vector_store %arg26[%swap3A_316, %swap3A_317], %swap3A_320 {strides = array<i32>} : memref<40x128xf32, #tpu.memory_space<vmem>>, vector<1x16xf32>,
      %scan3A_321 = arith.constant 0 : i32
      scf.yield %scan3A_321 : i32
    }
    %scan3A_5 = arith.constant 40 : i32
    %add3A = arith.constant 0 : i32
    %add3A_6 = arith.addi %add3A, %arg1 : i32
    %lt3A = arith.constant 250 : i32
    %lt3A_7 = arith.cmpi slt, %add3A_6, %lt3A : i32
    %convert_element_type3A = arith.extui %lt3A_7 : i1 to i32
    %cond3A = arith.constant 0 : i32
    %cond3A_8 = arith.cmpi ne, %convert_element_type3A, %cond3A : i32
    scf.if %cond3A_8 {
      %mul3A_265 = arith.constant 40 : i32
      %mul3A_266 = arith.muli %add3A_6, %mul3A_265 : i32
      "tpu.region"() ({
        %run_scoped3A = tpu.sem_alloc : memref<!tpu.dma_semaphore, #tpu.memory_space<semaphore_mem>>
        %dma_start3A = arith.constant 0 : i32
        %dma_start3A_267 = tpu.memref_slice %arg10[%mul3A_266, %dma_start3A] : memref<10000x128xf32, #tpu.memory_space<vmem_shared>> -> memref<40x128xf32, #tpu.memory_space<vmem_shared>>
        %dma_start3A_268 = arith.constant 0 : i32
        %dma_start3A_269 = tpu.memref_slice %arg10[%mul3A_266, %dma_start3A_268] : memref<10000x128xf32, #tpu.memory_space<vmem_shared>> -> memref<40x128xf32, #tpu.memory_space<vmem_shared>>
        tpu.enqueue_dma source(%arg26 : memref<40x128xf32, #tpu.memory_space<vmem>>) target(%dma_start3A_269 : memref<40x128xf32, #tpu.memory_space<vmem_shared>>) target_semaphore(%run_scoped3A : memref<!tpu.dma_semaphore, #tpu.memory_space<semaphore_mem>>)
        %dma_wait3A = arith.constant 0 : i32
        %dma_wait3A_270 = tpu.memref_slice %arg10[%mul3A_266, %dma_wait3A] : memref<10000x128xf32, #tpu.memory_space<vmem_shared>> -> memref<40x128xf32, #tpu.memory_space<vmem_shared>>
        %dma_wait3A_271 = arith.constant 0 : i32
        %dma_wait3A_272 = tpu.memref_slice %arg10[%mul3A_266, %dma_wait3A_271] : memref<10000x128xf32, #tpu.memory_space<vmem_shared>> -> memref<40x128xf32, #tpu.memory_space<vmem_shared>>
        tpu.wait_dma2 semaphore(%run_scoped3A : memref<!tpu.dma_semaphore, #tpu.memory_space<semaphore_mem>>) src(%arg26 : memref<40x128xf32, #tpu.memory_space<vmem>>) dst(%dma_wait3A_272 : memref<40x128xf32, #tpu.memory_space<vmem_shared>>)
        tpu.yield
      }) : () -> ()
    } else {
    }
    %add3A_9 = arith.constant 16 : i32
    %add3A_10 = arith.addi %add3A_9, %arg1 : i32
    %lt3A_11 = arith.constant 250 : i32
    %lt3A_12 = arith.cmpi slt, %add3A_10, %lt3A_11 : i32
    %convert_element_type3A_13 = arith.extui %lt3A_12 : i1 to i32
    %cond3A_14 = arith.constant 0 : i32
    %cond3A_15 = arith.cmpi ne, %convert_element_type3A_13, %cond3A_14 : i32
    scf.if %cond3A_15 {
      %mul3A_265 = arith.constant 40 : i32
      %mul3A_266 = arith.muli %add3A_10, %mul3A_265 : i32
      "tpu.region"() ({
        %run_scoped3A = tpu.sem_alloc : memref<!tpu.dma_semaphore, #tpu.memory_space<semaphore_mem>>
        %dma_start3A = arith.constant 0 : i32
        %dma_start3A_267 = tpu.memref_slice %arg10[%mul3A_266, %dma_start3A] : memref<10000x128xf32, #tpu.memory_space<vmem_shared>> -> memref<40x128xf32, #tpu.memory_space<vmem_shared>>
        %dma_start3A_268 = arith.constant 0 : i32
        %dma_start3A_269 = tpu.memref_slice %arg10[%mul3A_266, %dma_start3A_268] : memref<10000x128xf32, #tpu.memory_space<vmem_shared>> -> memref<40x128xf32, #tpu.memory_space<vmem_shared>>
        tpu.enqueue_dma source(%arg26 : memref<40x128xf32, #tpu.memory_space<vmem>>) target(%dma_start3A_269 : memref<40x128xf32, #tpu.memory_space<vmem_shared>>) target_semaphore(%run_scoped3A : memref<!tpu.dma_semaphore, #tpu.memory_space<semaphore_mem>>)
        %dma_wait3A = arith.constant 0 : i32
        %dma_wait3A_270 = tpu.memref_slice %arg10[%mul3A_266, %dma_wait3A] : memref<10000x128xf32, #tpu.memory_space<vmem_shared>> -> memref<40x128xf32, #tpu.memory_space<vmem_shared>>
        %dma_wait3A_271 = arith.constant 0 : i32
        %dma_wait3A_272 = tpu.memref_slice %arg10[%mul3A_266, %dma_wait3A_271] : memref<10000x128xf32, #tpu.memory_space<vmem_shared>> -> memref<40x128xf32, #tpu.memory_space<vmem_shared>>
        tpu.wait_dma2 semaphore(%run_scoped3A : memref<!tpu.dma_semaphore, #tpu.memory_space<semaphore_mem>>) src(%arg26 : memref<40x128xf32, #tpu.memory_space<vmem>>) dst(%dma_wait3A_272 : memref<40x128xf32, #tpu.memory_space<vmem_shared>>)
        tpu.yield
      }) : () -> ()
    } else {
    }
    %add3A_16 = arith.constant 32 : i32
    %add3A_17 = arith.addi %add3A_16, %arg1 : i32
    %lt3A_18 = arith.constant 250 : i32
    %lt3A_19 = arith.cmpi slt, %add3A_17, %lt3A_18 : i32
    %convert_element_type3A_20 = arith.extui %lt3A_19 : i1 to i32
    %cond3A_21 = arith.constant 0 : i32
    %cond3A_22 = arith.cmpi ne, %convert_element_type3A_20, %cond3A_21 : i32
    scf.if %cond3A_22 {
      %mul3A_265 = arith.constant 40 : i32
      %mul3A_266 = arith.muli %add3A_17, %mul3A_265 : i32
      "tpu.region"() ({
        %run_scoped3A = tpu.sem_alloc : memref<!tpu.dma_semaphore, #tpu.memory_space<semaphore_mem>>
        %dma_start3A = arith.constant 0 : i32
        %dma_start3A_267 = tpu.memref_slice %arg10[%mul3A_266, %dma_start3A] : memref<10000x128xf32, #tpu.memory_space<vmem_shared>> -> memref<40x128xf32, #tpu.memory_space<vmem_shared>>
        %dma_start3A_268 = arith.constant 0 : i32
        %dma_start3A_269 = tpu.memref_slice %arg10[%mul3A_266, %dma_start3A_268] : memref<10000x128xf32, #tpu.memory_space<vmem_shared>> -> memref<40x128xf32, #tpu.memory_space<vmem_shared>>
        tpu.enqueue_dma source(%arg26 : memref<40x128xf32, #tpu.memory_space<vmem>>) target(%dma_start3A_269 : memref<40x128xf32, #tpu.memory_space<vmem_shared>>) target_semaphore(%run_scoped3A : memref<!tpu.dma_semaphore, #tpu.memory_space<semaphore_mem>>)
        %dma_wait3A = arith.constant 0 : i32
        %dma_wait3A_270 = tpu.memref_slice %arg10[%mul3A_266, %dma_wait3A] : memref<10000x128xf32, #tpu.memory_space<vmem_shared>> -> memref<40x128xf32, #tpu.memory_space<vmem_shared>>
        %dma_wait3A_271 = arith.constant 0 : i32
        %dma_wait3A_272 = tpu.memref_slice %arg10[%mul3A_266, %dma_wait3A_271] : memref<10000x128xf32, #tpu.memory_space<vmem_shared>> -> memref<40x128xf32, #tpu.memory_space<vmem_shared>>
        tpu.wait_dma2 semaphore(%run_scoped3A : memref<!tpu.dma_semaphore, #tpu.memory_space<semaphore_mem>>) src(%arg26 : memref<40x128xf32, #tpu.memory_space<vmem>>) dst(%dma_wait3A_272 : memref<40x128xf32, #tpu.memory_space<vmem_shared>>)
        tpu.yield
      }) : () -> ()
    } else {
    }
    %add3A_23 = arith.constant 48 : i32
    %add3A_24 = arith.addi %add3A_23, %arg1 : i32
    %lt3A_25 = arith.constant 250 : i32
    %lt3A_26 = arith.cmpi slt, %add3A_24, %lt3A_25 : i32
    %convert_element_type3A_27 = arith.extui %lt3A_26 : i1 to i32
    %cond3A_28 = arith.constant 0 : i32
    %cond3A_29 = arith.cmpi ne, %convert_element_type3A_27, %cond3A_28 : i32
    scf.if %cond3A_29 {
      %mul3A_265 = arith.constant 40 : i32
      %mul3A_266 = arith.muli %add3A_24, %mul3A_265 : i32
      "tpu.region"() ({
        %run_scoped3A = tpu.sem_alloc : memref<!tpu.dma_semaphore, #tpu.memory_space<semaphore_mem>>
        %dma_start3A = arith.constant 0 : i32
        %dma_start3A_267 = tpu.memref_slice %arg10[%mul3A_266, %dma_start3A] : memref<10000x128xf32, #tpu.memory_space<vmem_shared>> -> memref<40x128xf32, #tpu.memory_space<vmem_shared>>
        %dma_start3A_268 = arith.constant 0 : i32
        %dma_start3A_269 = tpu.memref_slice %arg10[%mul3A_266, %dma_start3A_268] : memref<10000x128xf32, #tpu.memory_space<vmem_shared>> -> memref<40x128xf32, #tpu.memory_space<vmem_shared>>
        tpu.enqueue_dma source(%arg26 : memref<40x128xf32, #tpu.memory_space<vmem>>) target(%dma_start3A_269 : memref<40x128xf32, #tpu.memory_space<vmem_shared>>) target_semaphore(%run_scoped3A : memref<!tpu.dma_semaphore, #tpu.memory_space<semaphore_mem>>)
        %dma_wait3A = arith.constant 0 : i32
        %dma_wait3A_270 = tpu.memref_slice %arg10[%mul3A_266, %dma_wait3A] : memref<10000x128xf32, #tpu.memory_space<vmem_shared>> -> memref<40x128xf32, #tpu.memory_space<vmem_shared>>
        %dma_wait3A_271 = arith.constant 0 : i32
        %dma_wait3A_272 = tpu.memref_slice %arg10[%mul3A_266, %dma_wait3A_271] : memref<10000x128xf32, #tpu.memory_space<vmem_shared>> -> memref<40x128xf32, #tpu.memory_space<vmem_shared>>
        tpu.wait_dma2 semaphore(%run_scoped3A : memref<!tpu.dma_semaphore, #tpu.memory_space<semaphore_mem>>) src(%arg26 : memref<40x128xf32, #tpu.memory_space<vmem>>) dst(%dma_wait3A_272 : memref<40x128xf32, #tpu.memory_space<vmem_shared>>)
        tpu.yield
      }) : () -> ()
    } else {
    }
    %add3A_30 = arith.constant 64 : i32
    %add3A_31 = arith.addi %add3A_30, %arg1 : i32
    %lt3A_32 = arith.constant 250 : i32
    %lt3A_33 = arith.cmpi slt, %add3A_31, %lt3A_32 : i32
    %convert_element_type3A_34 = arith.extui %lt3A_33 : i1 to i32
    %cond3A_35 = arith.constant 0 : i32
    %cond3A_36 = arith.cmpi ne, %convert_element_type3A_34, %cond3A_35 : i32
    scf.if %cond3A_36 {
      %mul3A_265 = arith.constant 40 : i32
      %mul3A_266 = arith.muli %add3A_31, %mul3A_265 : i32
      "tpu.region"() ({
        %run_scoped3A = tpu.sem_alloc : memref<!tpu.dma_semaphore, #tpu.memory_space<semaphore_mem>>
        %dma_start3A = arith.constant 0 : i32
        %dma_start3A_267 = tpu.memref_slice %arg10[%mul3A_266, %dma_start3A] : memref<10000x128xf32, #tpu.memory_space<vmem_shared>> -> memref<40x128xf32, #tpu.memory_space<vmem_shared>>
        %dma_start3A_268 = arith.constant 0 : i32
        %dma_start3A_269 = tpu.memref_slice %arg10[%mul3A_266, %dma_start3A_268] : memref<10000x128xf32, #tpu.memory_space<vmem_shared>> -> memref<40x128xf32, #tpu.memory_space<vmem_shared>>
        tpu.enqueue_dma source(%arg26 : memref<40x128xf32, #tpu.memory_space<vmem>>) target(%dma_start3A_269 : memref<40x128xf32, #tpu.memory_space<vmem_shared>>) target_semaphore(%run_scoped3A : memref<!tpu.dma_semaphore, #tpu.memory_space<semaphore_mem>>)
        %dma_wait3A = arith.constant 0 : i32
        %dma_wait3A_270 = tpu.memref_slice %arg10[%mul3A_266, %dma_wait3A] : memref<10000x128xf32, #tpu.memory_space<vmem_shared>> -> memref<40x128xf32, #tpu.memory_space<vmem_shared>>
        %dma_wait3A_271 = arith.constant 0 : i32
        %dma_wait3A_272 = tpu.memref_slice %arg10[%mul3A_266, %dma_wait3A_271] : memref<10000x128xf32, #tpu.memory_space<vmem_shared>> -> memref<40x128xf32, #tpu.memory_space<vmem_shared>>
        tpu.wait_dma2 semaphore(%run_scoped3A : memref<!tpu.dma_semaphore, #tpu.memory_space<semaphore_mem>>) src(%arg26 : memref<40x128xf32, #tpu.memory_space<vmem>>) dst(%dma_wait3A_272 : memref<40x128xf32, #tpu.memory_space<vmem_shared>>)
        tpu.yield
      }) : () -> ()
    } else {
    }
    %add3A_37 = arith.constant 80 : i32
    %add3A_38 = arith.addi %add3A_37, %arg1 : i32
    %lt3A_39 = arith.constant 250 : i32
    %lt3A_40 = arith.cmpi slt, %add3A_38, %lt3A_39 : i32
    %convert_element_type3A_41 = arith.extui %lt3A_40 : i1 to i32
    %cond3A_42 = arith.constant 0 : i32
    %cond3A_43 = arith.cmpi ne, %convert_element_type3A_41, %cond3A_42 : i32
    scf.if %cond3A_43 {
      %mul3A_265 = arith.constant 40 : i32
      %mul3A_266 = arith.muli %add3A_38, %mul3A_265 : i32
      "tpu.region"() ({
        %run_scoped3A = tpu.sem_alloc : memref<!tpu.dma_semaphore, #tpu.memory_space<semaphore_mem>>
        %dma_start3A = arith.constant 0 : i32
        %dma_start3A_267 = tpu.memref_slice %arg10[%mul3A_266, %dma_start3A] : memref<10000x128xf32, #tpu.memory_space<vmem_shared>> -> memref<40x128xf32, #tpu.memory_space<vmem_shared>>
        %dma_start3A_268 = arith.constant 0 : i32
        %dma_start3A_269 = tpu.memref_slice %arg10[%mul3A_266, %dma_start3A_268] : memref<10000x128xf32, #tpu.memory_space<vmem_shared>> -> memref<40x128xf32, #tpu.memory_space<vmem_shared>>
        tpu.enqueue_dma source(%arg26 : memref<40x128xf32, #tpu.memory_space<vmem>>) target(%dma_start3A_269 : memref<40x128xf32, #tpu.memory_space<vmem_shared>>) target_semaphore(%run_scoped3A : memref<!tpu.dma_semaphore, #tpu.memory_space<semaphore_mem>>)
        %dma_wait3A = arith.constant 0 : i32
        %dma_wait3A_270 = tpu.memref_slice %arg10[%mul3A_266, %dma_wait3A] : memref<10000x128xf32, #tpu.memory_space<vmem_shared>> -> memref<40x128xf32, #tpu.memory_space<vmem_shared>>
        %dma_wait3A_271 = arith.constant 0 : i32
        %dma_wait3A_272 = tpu.memref_slice %arg10[%mul3A_266, %dma_wait3A_271] : memref<10000x128xf32, #tpu.memory_space<vmem_shared>> -> memref<40x128xf32, #tpu.memory_space<vmem_shared>>
        tpu.wait_dma2 semaphore(%run_scoped3A : memref<!tpu.dma_semaphore, #tpu.memory_space<semaphore_mem>>) src(%arg26 : memref<40x128xf32, #tpu.memory_space<vmem>>) dst(%dma_wait3A_272 : memref<40x128xf32, #tpu.memory_space<vmem_shared>>)
        tpu.yield
      }) : () -> ()
    } else {
    }
    %add3A_44 = arith.constant 96 : i32
    %add3A_45 = arith.addi %add3A_44, %arg1 : i32
    %lt3A_46 = arith.constant 250 : i32
    %lt3A_47 = arith.cmpi slt, %add3A_45, %lt3A_46 : i32
    %convert_element_type3A_48 = arith.extui %lt3A_47 : i1 to i32
    %cond3A_49 = arith.constant 0 : i32
    %cond3A_50 = arith.cmpi ne, %convert_element_type3A_48, %cond3A_49 : i32
    scf.if %cond3A_50 {
      %mul3A_265 = arith.constant 40 : i32
      %mul3A_266 = arith.muli %add3A_45, %mul3A_265 : i32
      "tpu.region"() ({
        %run_scoped3A = tpu.sem_alloc : memref<!tpu.dma_semaphore, #tpu.memory_space<semaphore_mem>>
        %dma_start3A = arith.constant 0 : i32
        %dma_start3A_267 = tpu.memref_slice %arg10[%mul3A_266, %dma_start3A] : memref<10000x128xf32, #tpu.memory_space<vmem_shared>> -> memref<40x128xf32, #tpu.memory_space<vmem_shared>>
        %dma_start3A_268 = arith.constant 0 : i32
        %dma_start3A_269 = tpu.memref_slice %arg10[%mul3A_266, %dma_start3A_268] : memref<10000x128xf32, #tpu.memory_space<vmem_shared>> -> memref<40x128xf32, #tpu.memory_space<vmem_shared>>
        tpu.enqueue_dma source(%arg26 : memref<40x128xf32, #tpu.memory_space<vmem>>) target(%dma_start3A_269 : memref<40x128xf32, #tpu.memory_space<vmem_shared>>) target_semaphore(%run_scoped3A : memref<!tpu.dma_semaphore, #tpu.memory_space<semaphore_mem>>)
        %dma_wait3A = arith.constant 0 : i32
        %dma_wait3A_270 = tpu.memref_slice %arg10[%mul3A_266, %dma_wait3A] : memref<10000x128xf32, #tpu.memory_space<vmem_shared>> -> memref<40x128xf32, #tpu.memory_space<vmem_shared>>
        %dma_wait3A_271 = arith.constant 0 : i32
        %dma_wait3A_272 = tpu.memref_slice %arg10[%mul3A_266, %dma_wait3A_271] : memref<10000x128xf32, #tpu.memory_space<vmem_shared>> -> memref<40x128xf32, #tpu.memory_space<vmem_shared>>
        tpu.wait_dma2 semaphore(%run_scoped3A : memref<!tpu.dma_semaphore, #tpu.memory_space<semaphore_mem>>) src(%arg26 : memref<40x128xf32, #tpu.memory_space<vmem>>) dst(%dma_wait3A_272 : memref<40x128xf32, #tpu.memory_space<vmem_shared>>)
        tpu.yield
      }) : () -> ()
    } else {
    }
    %add3A_51 = arith.constant 112 : i32
    %add3A_52 = arith.addi %add3A_51, %arg1 : i32
    %lt3A_53 = arith.constant 250 : i32
    %lt3A_54 = arith.cmpi slt, %add3A_52, %lt3A_53 : i32
    %convert_element_type3A_55 = arith.extui %lt3A_54 : i1 to i32
    %cond3A_56 = arith.constant 0 : i32
    %cond3A_57 = arith.cmpi ne, %convert_element_type3A_55, %cond3A_56 : i32
    scf.if %cond3A_57 {
      %mul3A_265 = arith.constant 40 : i32
      %mul3A_266 = arith.muli %add3A_52, %mul3A_265 : i32
      "tpu.region"() ({
        %run_scoped3A = tpu.sem_alloc : memref<!tpu.dma_semaphore, #tpu.memory_space<semaphore_mem>>
        %dma_start3A = arith.constant 0 : i32
        %dma_start3A_267 = tpu.memref_slice %arg10[%mul3A_266, %dma_start3A] : memref<10000x128xf32, #tpu.memory_space<vmem_shared>> -> memref<40x128xf32, #tpu.memory_space<vmem_shared>>
        %dma_start3A_268 = arith.constant 0 : i32
        %dma_start3A_269 = tpu.memref_slice %arg10[%mul3A_266, %dma_start3A_268] : memref<10000x128xf32, #tpu.memory_space<vmem_shared>> -> memref<40x128xf32, #tpu.memory_space<vmem_shared>>
        tpu.enqueue_dma source(%arg26 : memref<40x128xf32, #tpu.memory_space<vmem>>) target(%dma_start3A_269 : memref<40x128xf32, #tpu.memory_space<vmem_shared>>) target_semaphore(%run_scoped3A : memref<!tpu.dma_semaphore, #tpu.memory_space<semaphore_mem>>)
        %dma_wait3A = arith.constant 0 : i32
        %dma_wait3A_270 = tpu.memref_slice %arg10[%mul3A_266, %dma_wait3A] : memref<10000x128xf32, #tpu.memory_space<vmem_shared>> -> memref<40x128xf32, #tpu.memory_space<vmem_shared>>
        %dma_wait3A_271 = arith.constant 0 : i32
        %dma_wait3A_272 = tpu.memref_slice %arg10[%mul3A_266, %dma_wait3A_271] : memref<10000x128xf32, #tpu.memory_space<vmem_shared>> -> memref<40x128xf32, #tpu.memory_space<vmem_shared>>
        tpu.wait_dma2 semaphore(%run_scoped3A : memref<!tpu.dma_semaphore, #tpu.memory_space<semaphore_mem>>) src(%arg26 : memref<40x128xf32, #tpu.memory_space<vmem>>) dst(%dma_wait3A_272 : memref<40x128xf32, #tpu.memory_space<vmem_shared>>)
        tpu.yield
      }) : () -> ()
    } else {
    }
    %add3A_58 = arith.constant 128 : i32
    %add3A_59 = arith.addi %add3A_58, %arg1 : i32
    %lt3A_60 = arith.constant 250 : i32
    %lt3A_61 = arith.cmpi slt, %add3A_59, %lt3A_60 : i32
    %convert_element_type3A_62 = arith.extui %lt3A_61 : i1 to i32
    %cond3A_63 = arith.constant 0 : i32
    %cond3A_64 = arith.cmpi ne, %convert_element_type3A_62, %cond3A_63 : i32
    scf.if %cond3A_64 {
      %mul3A_265 = arith.constant 40 : i32
      %mul3A_266 = arith.muli %add3A_59, %mul3A_265 : i32
      "tpu.region"() ({
        %run_scoped3A = tpu.sem_alloc : memref<!tpu.dma_semaphore, #tpu.memory_space<semaphore_mem>>
        %dma_start3A = arith.constant 0 : i32
        %dma_start3A_267 = tpu.memref_slice %arg10[%mul3A_266, %dma_start3A] : memref<10000x128xf32, #tpu.memory_space<vmem_shared>> -> memref<40x128xf32, #tpu.memory_space<vmem_shared>>
        %dma_start3A_268 = arith.constant 0 : i32
        %dma_start3A_269 = tpu.memref_slice %arg10[%mul3A_266, %dma_start3A_268] : memref<10000x128xf32, #tpu.memory_space<vmem_shared>> -> memref<40x128xf32, #tpu.memory_space<vmem_shared>>
        tpu.enqueue_dma source(%arg26 : memref<40x128xf32, #tpu.memory_space<vmem>>) target(%dma_start3A_269 : memref<40x128xf32, #tpu.memory_space<vmem_shared>>) target_semaphore(%run_scoped3A : memref<!tpu.dma_semaphore, #tpu.memory_space<semaphore_mem>>)
        %dma_wait3A = arith.constant 0 : i32
        %dma_wait3A_270 = tpu.memref_slice %arg10[%mul3A_266, %dma_wait3A] : memref<10000x128xf32, #tpu.memory_space<vmem_shared>> -> memref<40x128xf32, #tpu.memory_space<vmem_shared>>
        %dma_wait3A_271 = arith.constant 0 : i32
        %dma_wait3A_272 = tpu.memref_slice %arg10[%mul3A_266, %dma_wait3A_271] : memref<10000x128xf32, #tpu.memory_space<vmem_shared>> -> memref<40x128xf32, #tpu.memory_space<vmem_shared>>
        tpu.wait_dma2 semaphore(%run_scoped3A : memref<!tpu.dma_semaphore, #tpu.memory_space<semaphore_mem>>) src(%arg26 : memref<40x128xf32, #tpu.memory_space<vmem>>) dst(%dma_wait3A_272 : memref<40x128xf32, #tpu.memory_space<vmem_shared>>)
        tpu.yield
      }) : () -> ()
    } else {
    }
    %add3A_65 = arith.constant 144 : i32
    %add3A_66 = arith.addi %add3A_65, %arg1 : i32
    %lt3A_67 = arith.constant 250 : i32
    %lt3A_68 = arith.cmpi slt, %add3A_66, %lt3A_67 : i32
    %convert_element_type3A_69 = arith.extui %lt3A_68 : i1 to i32
    %cond3A_70 = arith.constant 0 : i32
    %cond3A_71 = arith.cmpi ne, %convert_element_type3A_69, %cond3A_70 : i32
    scf.if %cond3A_71 {
      %mul3A_265 = arith.constant 40 : i32
      %mul3A_266 = arith.muli %add3A_66, %mul3A_265 : i32
      "tpu.region"() ({
        %run_scoped3A = tpu.sem_alloc : memref<!tpu.dma_semaphore, #tpu.memory_space<semaphore_mem>>
        %dma_start3A = arith.constant 0 : i32
        %dma_start3A_267 = tpu.memref_slice %arg10[%mul3A_266, %dma_start3A] : memref<10000x128xf32, #tpu.memory_space<vmem_shared>> -> memref<40x128xf32, #tpu.memory_space<vmem_shared>>
        %dma_start3A_268 = arith.constant 0 : i32
        %dma_start3A_269 = tpu.memref_slice %arg10[%mul3A_266, %dma_start3A_268] : memref<10000x128xf32, #tpu.memory_space<vmem_shared>> -> memref<40x128xf32, #tpu.memory_space<vmem_shared>>
        tpu.enqueue_dma source(%arg26 : memref<40x128xf32, #tpu.memory_space<vmem>>) target(%dma_start3A_269 : memref<40x128xf32, #tpu.memory_space<vmem_shared>>) target_semaphore(%run_scoped3A : memref<!tpu.dma_semaphore, #tpu.memory_space<semaphore_mem>>)
        %dma_wait3A = arith.constant 0 : i32
        %dma_wait3A_270 = tpu.memref_slice %arg10[%mul3A_266, %dma_wait3A] : memref<10000x128xf32, #tpu.memory_space<vmem_shared>> -> memref<40x128xf32, #tpu.memory_space<vmem_shared>>
        %dma_wait3A_271 = arith.constant 0 : i32
        %dma_wait3A_272 = tpu.memref_slice %arg10[%mul3A_266, %dma_wait3A_271] : memref<10000x128xf32, #tpu.memory_space<vmem_shared>> -> memref<40x128xf32, #tpu.memory_space<vmem_shared>>
        tpu.wait_dma2 semaphore(%run_scoped3A : memref<!tpu.dma_semaphore, #tpu.memory_space<semaphore_mem>>) src(%arg26 : memref<40x128xf32, #tpu.memory_space<vmem>>) dst(%dma_wait3A_272 : memref<40x128xf32, #tpu.memory_space<vmem_shared>>)
        tpu.yield
      }) : () -> ()
    } else {
    }
    %add3A_72 = arith.constant 160 : i32
    %add3A_73 = arith.addi %add3A_72, %arg1 : i32
    %lt3A_74 = arith.constant 250 : i32
    %lt3A_75 = arith.cmpi slt, %add3A_73, %lt3A_74 : i32
    %convert_element_type3A_76 = arith.extui %lt3A_75 : i1 to i32
    %cond3A_77 = arith.constant 0 : i32
    %cond3A_78 = arith.cmpi ne, %convert_element_type3A_76, %cond3A_77 : i32
    scf.if %cond3A_78 {
      %mul3A_265 = arith.constant 40 : i32
      %mul3A_266 = arith.muli %add3A_73, %mul3A_265 : i32
      "tpu.region"() ({
        %run_scoped3A = tpu.sem_alloc : memref<!tpu.dma_semaphore, #tpu.memory_space<semaphore_mem>>
        %dma_start3A = arith.constant 0 : i32
        %dma_start3A_267 = tpu.memref_slice %arg10[%mul3A_266, %dma_start3A] : memref<10000x128xf32, #tpu.memory_space<vmem_shared>> -> memref<40x128xf32, #tpu.memory_space<vmem_shared>>
        %dma_start3A_268 = arith.constant 0 : i32
        %dma_start3A_269 = tpu.memref_slice %arg10[%mul3A_266, %dma_start3A_268] : memref<10000x128xf32, #tpu.memory_space<vmem_shared>> -> memref<40x128xf32, #tpu.memory_space<vmem_shared>>
        tpu.enqueue_dma source(%arg26 : memref<40x128xf32, #tpu.memory_space<vmem>>) target(%dma_start3A_269 : memref<40x128xf32, #tpu.memory_space<vmem_shared>>) target_semaphore(%run_scoped3A : memref<!tpu.dma_semaphore, #tpu.memory_space<semaphore_mem>>)
        %dma_wait3A = arith.constant 0 : i32
        %dma_wait3A_270 = tpu.memref_slice %arg10[%mul3A_266, %dma_wait3A] : memref<10000x128xf32, #tpu.memory_space<vmem_shared>> -> memref<40x128xf32, #tpu.memory_space<vmem_shared>>
        %dma_wait3A_271 = arith.constant 0 : i32
        %dma_wait3A_272 = tpu.memref_slice %arg10[%mul3A_266, %dma_wait3A_271] : memref<10000x128xf32, #tpu.memory_space<vmem_shared>> -> memref<40x128xf32, #tpu.memory_space<vmem_shared>>
        tpu.wait_dma2 semaphore(%run_scoped3A : memref<!tpu.dma_semaphore, #tpu.memory_space<semaphore_mem>>) src(%arg26 : memref<40x128xf32, #tpu.memory_space<vmem>>) dst(%dma_wait3A_272 : memref<40x128xf32, #tpu.memory_space<vmem_shared>>)
        tpu.yield
      }) : () -> ()
    } else {
    }
    %add3A_79 = arith.constant 176 : i32
    %add3A_80 = arith.addi %add3A_79, %arg1 : i32
    %lt3A_81 = arith.constant 250 : i32
    %lt3A_82 = arith.cmpi slt, %add3A_80, %lt3A_81 : i32
    %convert_element_type3A_83 = arith.extui %lt3A_82 : i1 to i32
    %cond3A_84 = arith.constant 0 : i32
    %cond3A_85 = arith.cmpi ne, %convert_element_type3A_83, %cond3A_84 : i32
    scf.if %cond3A_85 {
      %mul3A_265 = arith.constant 40 : i32
      %mul3A_266 = arith.muli %add3A_80, %mul3A_265 : i32
      "tpu.region"() ({
        %run_scoped3A = tpu.sem_alloc : memref<!tpu.dma_semaphore, #tpu.memory_space<semaphore_mem>>
        %dma_start3A = arith.constant 0 : i32
        %dma_start3A_267 = tpu.memref_slice %arg10[%mul3A_266, %dma_start3A] : memref<10000x128xf32, #tpu.memory_space<vmem_shared>> -> memref<40x128xf32, #tpu.memory_space<vmem_shared>>
        %dma_start3A_268 = arith.constant 0 : i32
        %dma_start3A_269 = tpu.memref_slice %arg10[%mul3A_266, %dma_start3A_268] : memref<10000x128xf32, #tpu.memory_space<vmem_shared>> -> memref<40x128xf32, #tpu.memory_space<vmem_shared>>
        tpu.enqueue_dma source(%arg26 : memref<40x128xf32, #tpu.memory_space<vmem>>) target(%dma_start3A_269 : memref<40x128xf32, #tpu.memory_space<vmem_shared>>) target_semaphore(%run_scoped3A : memref<!tpu.dma_semaphore, #tpu.memory_space<semaphore_mem>>)
        %dma_wait3A = arith.constant 0 : i32
        %dma_wait3A_270 = tpu.memref_slice %arg10[%mul3A_266, %dma_wait3A] : memref<10000x128xf32, #tpu.memory_space<vmem_shared>> -> memref<40x128xf32, #tpu.memory_space<vmem_shared>>
        %dma_wait3A_271 = arith.constant 0 : i32
        %dma_wait3A_272 = tpu.memref_slice %arg10[%mul3A_266, %dma_wait3A_271] : memref<10000x128xf32, #tpu.memory_space<vmem_shared>> -> memref<40x128xf32, #tpu.memory_space<vmem_shared>>
        tpu.wait_dma2 semaphore(%run_scoped3A : memref<!tpu.dma_semaphore, #tpu.memory_space<semaphore_mem>>) src(%arg26 : memref<40x128xf32, #tpu.memory_space<vmem>>) dst(%dma_wait3A_272 : memref<40x128xf32, #tpu.memory_space<vmem_shared>>)
        tpu.yield
      }) : () -> ()
    } else {
    }
    %add3A_86 = arith.constant 192 : i32
    %add3A_87 = arith.addi %add3A_86, %arg1 : i32
    %lt3A_88 = arith.constant 250 : i32
    %lt3A_89 = arith.cmpi slt, %add3A_87, %lt3A_88 : i32
    %convert_element_type3A_90 = arith.extui %lt3A_89 : i1 to i32
    %cond3A_91 = arith.constant 0 : i32
    %cond3A_92 = arith.cmpi ne, %convert_element_type3A_90, %cond3A_91 : i32
    scf.if %cond3A_92 {
      %mul3A_265 = arith.constant 40 : i32
      %mul3A_266 = arith.muli %add3A_87, %mul3A_265 : i32
      "tpu.region"() ({
        %run_scoped3A = tpu.sem_alloc : memref<!tpu.dma_semaphore, #tpu.memory_space<semaphore_mem>>
        %dma_start3A = arith.constant 0 : i32
        %dma_start3A_267 = tpu.memref_slice %arg10[%mul3A_266, %dma_start3A] : memref<10000x128xf32, #tpu.memory_space<vmem_shared>> -> memref<40x128xf32, #tpu.memory_space<vmem_shared>>
        %dma_start3A_268 = arith.constant 0 : i32
        %dma_start3A_269 = tpu.memref_slice %arg10[%mul3A_266, %dma_start3A_268] : memref<10000x128xf32, #tpu.memory_space<vmem_shared>> -> memref<40x128xf32, #tpu.memory_space<vmem_shared>>
        tpu.enqueue_dma source(%arg26 : memref<40x128xf32, #tpu.memory_space<vmem>>) target(%dma_start3A_269 : memref<40x128xf32, #tpu.memory_space<vmem_shared>>) target_semaphore(%run_scoped3A : memref<!tpu.dma_semaphore, #tpu.memory_space<semaphore_mem>>)
        %dma_wait3A = arith.constant 0 : i32
        %dma_wait3A_270 = tpu.memref_slice %arg10[%mul3A_266, %dma_wait3A] : memref<10000x128xf32, #tpu.memory_space<vmem_shared>> -> memref<40x128xf32, #tpu.memory_space<vmem_shared>>
        %dma_wait3A_271 = arith.constant 0 : i32
        %dma_wait3A_272 = tpu.memref_slice %arg10[%mul3A_266, %dma_wait3A_271] : memref<10000x128xf32, #tpu.memory_space<vmem_shared>> -> memref<40x128xf32, #tpu.memory_space<vmem_shared>>
        tpu.wait_dma2 semaphore(%run_scoped3A : memref<!tpu.dma_semaphore, #tpu.memory_space<semaphore_mem>>) src(%arg26 : memref<40x128xf32, #tpu.memory_space<vmem>>) dst(%dma_wait3A_272 : memref<40x128xf32, #tpu.memory_space<vmem_shared>>)
        tpu.yield
      }) : () -> ()
    } else {
    }
    %add3A_93 = arith.constant 208 : i32
    %add3A_94 = arith.addi %add3A_93, %arg1 : i32
    %lt3A_95 = arith.constant 250 : i32
    %lt3A_96 = arith.cmpi slt, %add3A_94, %lt3A_95 : i32
    %convert_element_type3A_97 = arith.extui %lt3A_96 : i1 to i32
    %cond3A_98 = arith.constant 0 : i32
    %cond3A_99 = arith.cmpi ne, %convert_element_type3A_97, %cond3A_98 : i32
    scf.if %cond3A_99 {
      %mul3A_265 = arith.constant 40 : i32
      %mul3A_266 = arith.muli %add3A_94, %mul3A_265 : i32
      "tpu.region"() ({
        %run_scoped3A = tpu.sem_alloc : memref<!tpu.dma_semaphore, #tpu.memory_space<semaphore_mem>>
        %dma_start3A = arith.constant 0 : i32
        %dma_start3A_267 = tpu.memref_slice %arg10[%mul3A_266, %dma_start3A] : memref<10000x128xf32, #tpu.memory_space<vmem_shared>> -> memref<40x128xf32, #tpu.memory_space<vmem_shared>>
        %dma_start3A_268 = arith.constant 0 : i32
        %dma_start3A_269 = tpu.memref_slice %arg10[%mul3A_266, %dma_start3A_268] : memref<10000x128xf32, #tpu.memory_space<vmem_shared>> -> memref<40x128xf32, #tpu.memory_space<vmem_shared>>
        tpu.enqueue_dma source(%arg26 : memref<40x128xf32, #tpu.memory_space<vmem>>) target(%dma_start3A_269 : memref<40x128xf32, #tpu.memory_space<vmem_shared>>) target_semaphore(%run_scoped3A : memref<!tpu.dma_semaphore, #tpu.memory_space<semaphore_mem>>)
        %dma_wait3A = arith.constant 0 : i32
        %dma_wait3A_270 = tpu.memref_slice %arg10[%mul3A_266, %dma_wait3A] : memref<10000x128xf32, #tpu.memory_space<vmem_shared>> -> memref<40x128xf32, #tpu.memory_space<vmem_shared>>
        %dma_wait3A_271 = arith.constant 0 : i32
        %dma_wait3A_272 = tpu.memref_slice %arg10[%mul3A_266, %dma_wait3A_271] : memref<10000x128xf32, #tpu.memory_space<vmem_shared>> -> memref<40x128xf32, #tpu.memory_space<vmem_shared>>
        tpu.wait_dma2 semaphore(%run_scoped3A : memref<!tpu.dma_semaphore, #tpu.memory_space<semaphore_mem>>) src(%arg26 : memref<40x128xf32, #tpu.memory_space<vmem>>) dst(%dma_wait3A_272 : memref<40x128xf32, #tpu.memory_space<vmem_shared>>)
        tpu.yield
      }) : () -> ()
    } else {
    }
    %add3A_100 = arith.constant 224 : i32
    %add3A_101 = arith.addi %add3A_100, %arg1 : i32
    %lt3A_102 = arith.constant 250 : i32
    %lt3A_103 = arith.cmpi slt, %add3A_101, %lt3A_102 : i32
    %convert_element_type3A_104 = arith.extui %lt3A_103 : i1 to i32
    %cond3A_105 = arith.constant 0 : i32
    %cond3A_106 = arith.cmpi ne, %convert_element_type3A_104, %cond3A_105 : i32
    scf.if %cond3A_106 {
      %mul3A_265 = arith.constant 40 : i32
      %mul3A_266 = arith.muli %add3A_101, %mul3A_265 : i32
      "tpu.region"() ({
        %run_scoped3A = tpu.sem_alloc : memref<!tpu.dma_semaphore, #tpu.memory_space<semaphore_mem>>
        %dma_start3A = arith.constant 0 : i32
        %dma_start3A_267 = tpu.memref_slice %arg10[%mul3A_266, %dma_start3A] : memref<10000x128xf32, #tpu.memory_space<vmem_shared>> -> memref<40x128xf32, #tpu.memory_space<vmem_shared>>
        %dma_start3A_268 = arith.constant 0 : i32
        %dma_start3A_269 = tpu.memref_slice %arg10[%mul3A_266, %dma_start3A_268] : memref<10000x128xf32, #tpu.memory_space<vmem_shared>> -> memref<40x128xf32, #tpu.memory_space<vmem_shared>>
        tpu.enqueue_dma source(%arg26 : memref<40x128xf32, #tpu.memory_space<vmem>>) target(%dma_start3A_269 : memref<40x128xf32, #tpu.memory_space<vmem_shared>>) target_semaphore(%run_scoped3A : memref<!tpu.dma_semaphore, #tpu.memory_space<semaphore_mem>>)
        %dma_wait3A = arith.constant 0 : i32
        %dma_wait3A_270 = tpu.memref_slice %arg10[%mul3A_266, %dma_wait3A] : memref<10000x128xf32, #tpu.memory_space<vmem_shared>> -> memref<40x128xf32, #tpu.memory_space<vmem_shared>>
        %dma_wait3A_271 = arith.constant 0 : i32
        %dma_wait3A_272 = tpu.memref_slice %arg10[%mul3A_266, %dma_wait3A_271] : memref<10000x128xf32, #tpu.memory_space<vmem_shared>> -> memref<40x128xf32, #tpu.memory_space<vmem_shared>>
        tpu.wait_dma2 semaphore(%run_scoped3A : memref<!tpu.dma_semaphore, #tpu.memory_space<semaphore_mem>>) src(%arg26 : memref<40x128xf32, #tpu.memory_space<vmem>>) dst(%dma_wait3A_272 : memref<40x128xf32, #tpu.memory_space<vmem_shared>>)
        tpu.yield
      }) : () -> ()
    } else {
    }
    %add3A_107 = arith.constant 240 : i32
    %add3A_108 = arith.addi %add3A_107, %arg1 : i32
    %lt3A_109 = arith.constant 250 : i32
    %lt3A_110 = arith.cmpi slt, %add3A_108, %lt3A_109 : i32
    %convert_element_type3A_111 = arith.extui %lt3A_110 : i1 to i32
    %cond3A_112 = arith.constant 0 : i32
    %cond3A_113 = arith.cmpi ne, %convert_element_type3A_111, %cond3A_112 : i32
    scf.if %cond3A_113 {
      %mul3A_265 = arith.constant 40 : i32
      %mul3A_266 = arith.muli %add3A_108, %mul3A_265 : i32
      "tpu.region"() ({
        %run_scoped3A = tpu.sem_alloc : memref<!tpu.dma_semaphore, #tpu.memory_space<semaphore_mem>>
        %dma_start3A = arith.constant 0 : i32
        %dma_start3A_267 = tpu.memref_slice %arg10[%mul3A_266, %dma_start3A] : memref<10000x128xf32, #tpu.memory_space<vmem_shared>> -> memref<40x128xf32, #tpu.memory_space<vmem_shared>>
        %dma_start3A_268 = arith.constant 0 : i32
        %dma_start3A_269 = tpu.memref_slice %arg10[%mul3A_266, %dma_start3A_268] : memref<10000x128xf32, #tpu.memory_space<vmem_shared>> -> memref<40x128xf32, #tpu.memory_space<vmem_shared>>
        tpu.enqueue_dma source(%arg26 : memref<40x128xf32, #tpu.memory_space<vmem>>) target(%dma_start3A_269 : memref<40x128xf32, #tpu.memory_space<vmem_shared>>) target_semaphore(%run_scoped3A : memref<!tpu.dma_semaphore, #tpu.memory_space<semaphore_mem>>)
        %dma_wait3A = arith.constant 0 : i32
        %dma_wait3A_270 = tpu.memref_slice %arg10[%mul3A_266, %dma_wait3A] : memref<10000x128xf32, #tpu.memory_space<vmem_shared>> -> memref<40x128xf32, #tpu.memory_space<vmem_shared>>
        %dma_wait3A_271 = arith.constant 0 : i32
        %dma_wait3A_272 = tpu.memref_slice %arg10[%mul3A_266, %dma_wait3A_271] : memref<10000x128xf32, #tpu.memory_space<vmem_shared>> -> memref<40x128xf32, #tpu.memory_space<vmem_shared>>
        tpu.wait_dma2 semaphore(%run_scoped3A : memref<!tpu.dma_semaphore, #tpu.memory_space<semaphore_mem>>) src(%arg26 : memref<40x128xf32, #tpu.memory_space<vmem>>) dst(%dma_wait3A_272 : memref<40x128xf32, #tpu.memory_space<vmem_shared>>)
        tpu.yield
      }) : () -> ()
    } else {
    }
    %add3A_114 = arith.constant 0 : i32
    %add3A_115 = arith.addi %add3A_114, %arg1 : i32
    %lt3A_116 = arith.constant 40 : i32
    %lt3A_117 = arith.cmpi slt, %add3A_115, %lt3A_116 : i32
    %convert_element_type3A_118 = arith.extui %lt3A_117 : i1 to i32
    %cond3A_119 = arith.constant 0 : i32
    %cond3A_120 = arith.cmpi ne, %convert_element_type3A_118, %cond3A_119 : i32
    scf.if %cond3A_120 {
      %mul3A_265 = arith.constant 40 : i32
      %mul3A_266 = arith.muli %add3A_115, %mul3A_265 : i32
      "tpu.region"() ({
        %run_scoped3A = tpu.sem_alloc : memref<!tpu.dma_semaphore, #tpu.memory_space<semaphore_mem>>
        %dma_start3A = arith.constant 0 : i32
        %dma_start3A_267 = tpu.memref_slice %arg11[%mul3A_266, %dma_start3A] : memref<1600x128xf32, #tpu.memory_space<vmem_shared>> -> memref<40x128xf32, #tpu.memory_space<vmem_shared>>
        %dma_start3A_268 = arith.constant 0 : i32
        %dma_start3A_269 = tpu.memref_slice %arg11[%mul3A_266, %dma_start3A_268] : memref<1600x128xf32, #tpu.memory_space<vmem_shared>> -> memref<40x128xf32, #tpu.memory_space<vmem_shared>>
        tpu.enqueue_dma source(%arg26 : memref<40x128xf32, #tpu.memory_space<vmem>>) target(%dma_start3A_269 : memref<40x128xf32, #tpu.memory_space<vmem_shared>>) target_semaphore(%run_scoped3A : memref<!tpu.dma_semaphore, #tpu.memory_space<semaphore_mem>>)
        %dma_wait3A = arith.constant 0 : i32
        %dma_wait3A_270 = tpu.memref_slice %arg11[%mul3A_266, %dma_wait3A] : memref<1600x128xf32, #tpu.memory_space<vmem_shared>> -> memref<40x128xf32, #tpu.memory_space<vmem_shared>>
        %dma_wait3A_271 = arith.constant 0 : i32
        %dma_wait3A_272 = tpu.memref_slice %arg11[%mul3A_266, %dma_wait3A_271] : memref<1600x128xf32, #tpu.memory_space<vmem_shared>> -> memref<40x128xf32, #tpu.memory_space<vmem_shared>>
        tpu.wait_dma2 semaphore(%run_scoped3A : memref<!tpu.dma_semaphore, #tpu.memory_space<semaphore_mem>>) src(%arg26 : memref<40x128xf32, #tpu.memory_space<vmem>>) dst(%dma_wait3A_272 : memref<40x128xf32, #tpu.memory_space<vmem_shared>>)
        tpu.yield
      }) : () -> ()
    } else {
    }
    %add3A_121 = arith.constant 16 : i32
    %add3A_122 = arith.addi %add3A_121, %arg1 : i32
    %lt3A_123 = arith.constant 40 : i32
    %lt3A_124 = arith.cmpi slt, %add3A_122, %lt3A_123 : i32
    %convert_element_type3A_125 = arith.extui %lt3A_124 : i1 to i32
    %cond3A_126 = arith.constant 0 : i32
    %cond3A_127 = arith.cmpi ne, %convert_element_type3A_125, %cond3A_126 : i32
    scf.if %cond3A_127 {
      %mul3A_265 = arith.constant 40 : i32
      %mul3A_266 = arith.muli %add3A_122, %mul3A_265 : i32
      "tpu.region"() ({
        %run_scoped3A = tpu.sem_alloc : memref<!tpu.dma_semaphore, #tpu.memory_space<semaphore_mem>>
        %dma_start3A = arith.constant 0 : i32
        %dma_start3A_267 = tpu.memref_slice %arg11[%mul3A_266, %dma_start3A] : memref<1600x128xf32, #tpu.memory_space<vmem_shared>> -> memref<40x128xf32, #tpu.memory_space<vmem_shared>>
        %dma_start3A_268 = arith.constant 0 : i32
        %dma_start3A_269 = tpu.memref_slice %arg11[%mul3A_266, %dma_start3A_268] : memref<1600x128xf32, #tpu.memory_space<vmem_shared>> -> memref<40x128xf32, #tpu.memory_space<vmem_shared>>
        tpu.enqueue_dma source(%arg26 : memref<40x128xf32, #tpu.memory_space<vmem>>) target(%dma_start3A_269 : memref<40x128xf32, #tpu.memory_space<vmem_shared>>) target_semaphore(%run_scoped3A : memref<!tpu.dma_semaphore, #tpu.memory_space<semaphore_mem>>)
        %dma_wait3A = arith.constant 0 : i32
        %dma_wait3A_270 = tpu.memref_slice %arg11[%mul3A_266, %dma_wait3A] : memref<1600x128xf32, #tpu.memory_space<vmem_shared>> -> memref<40x128xf32, #tpu.memory_space<vmem_shared>>
        %dma_wait3A_271 = arith.constant 0 : i32
        %dma_wait3A_272 = tpu.memref_slice %arg11[%mul3A_266, %dma_wait3A_271] : memref<1600x128xf32, #tpu.memory_space<vmem_shared>> -> memref<40x128xf32, #tpu.memory_space<vmem_shared>>
        tpu.wait_dma2 semaphore(%run_scoped3A : memref<!tpu.dma_semaphore, #tpu.memory_space<semaphore_mem>>) src(%arg26 : memref<40x128xf32, #tpu.memory_space<vmem>>) dst(%dma_wait3A_272 : memref<40x128xf32, #tpu.memory_space<vmem_shared>>)
        tpu.yield
      }) : () -> ()
    } else {
    }
    %add3A_128 = arith.constant 32 : i32
    %add3A_129 = arith.addi %add3A_128, %arg1 : i32
    %lt3A_130 = arith.constant 40 : i32
    %lt3A_131 = arith.cmpi slt, %add3A_129, %lt3A_130 : i32
    %convert_element_type3A_132 = arith.extui %lt3A_131 : i1 to i32
    %cond3A_133 = arith.constant 0 : i32
    %cond3A_134 = arith.cmpi ne, %convert_element_type3A_132, %cond3A_133 : i32
    scf.if %cond3A_134 {
      %mul3A_265 = arith.constant 40 : i32
      %mul3A_266 = arith.muli %add3A_129, %mul3A_265 : i32
      "tpu.region"() ({
        %run_scoped3A = tpu.sem_alloc : memref<!tpu.dma_semaphore, #tpu.memory_space<semaphore_mem>>
        %dma_start3A = arith.constant 0 : i32
        %dma_start3A_267 = tpu.memref_slice %arg11[%mul3A_266, %dma_start3A] : memref<1600x128xf32, #tpu.memory_space<vmem_shared>> -> memref<40x128xf32, #tpu.memory_space<vmem_shared>>
        %dma_start3A_268 = arith.constant 0 : i32
        %dma_start3A_269 = tpu.memref_slice %arg11[%mul3A_266, %dma_start3A_268] : memref<1600x128xf32, #tpu.memory_space<vmem_shared>> -> memref<40x128xf32, #tpu.memory_space<vmem_shared>>
        tpu.enqueue_dma source(%arg26 : memref<40x128xf32, #tpu.memory_space<vmem>>) target(%dma_start3A_269 : memref<40x128xf32, #tpu.memory_space<vmem_shared>>) target_semaphore(%run_scoped3A : memref<!tpu.dma_semaphore, #tpu.memory_space<semaphore_mem>>)
        %dma_wait3A = arith.constant 0 : i32
        %dma_wait3A_270 = tpu.memref_slice %arg11[%mul3A_266, %dma_wait3A] : memref<1600x128xf32, #tpu.memory_space<vmem_shared>> -> memref<40x128xf32, #tpu.memory_space<vmem_shared>>
        %dma_wait3A_271 = arith.constant 0 : i32
        %dma_wait3A_272 = tpu.memref_slice %arg11[%mul3A_266, %dma_wait3A_271] : memref<1600x128xf32, #tpu.memory_space<vmem_shared>> -> memref<40x128xf32, #tpu.memory_space<vmem_shared>>
        tpu.wait_dma2 semaphore(%run_scoped3A : memref<!tpu.dma_semaphore, #tpu.memory_space<semaphore_mem>>) src(%arg26 : memref<40x128xf32, #tpu.memory_space<vmem>>) dst(%dma_wait3A_272 : memref<40x128xf32, #tpu.memory_space<vmem_shared>>)
        tpu.yield
      }) : () -> ()
    } else {
    }
    %barrier3A = arith.constant 0 : index
    tpu.barrier barrier_id(%barrier3A)
    %eq3A = arith.constant 0 : i32
    %eq3A_135 = arith.cmpi eq, %arg0, %eq3A : i32
    %convert_element_type3A_136 = arith.extui %eq3A_135 : i1 to i32
    %cond3A_137 = arith.constant 0 : i32
    %cond3A_138 = arith.cmpi ne, %convert_element_type3A_136, %cond3A_137 : i32
    scf.if %cond3A_138 {
      %mul3A_265 = arith.constant 20000 : i32
      %mul3A_266 = arith.muli %arg1, %mul3A_265 : i32
      %add3A_267 = arith.constant 0 : i32
      %add3A_268 = arith.addi %mul3A_266, %add3A_267 : i32
      %dma_start3A = arith.constant 0 : i32
      %dma_start3A_269 = tpu.memref_slice %arg20[%dma_start3A] : memref<56xf32, #tpu.memory_space<vmem>> -> memref<40xf32, #tpu.memory_space<vmem>>
      %dma_start3A_270 = tpu.memref_slice %arg6[%add3A_268] : memref<320000xf32, #tpu.memory_space<hbm>> -> memref<40xf32, #tpu.memory_space<hbm>>
      %dma_start3A_271 = arith.constant 0 : i32
      %dma_start3A_272 = tpu.memref_slice %arg20[%dma_start3A_271] : memref<56xf32, #tpu.memory_space<vmem>> -> memref<40xf32, #tpu.memory_space<vmem>>
      %dma_start3A_273 = tpu.memref_slice %arg6[%add3A_268] : memref<320000xf32, #tpu.memory_space<hbm>> -> memref<40xf32, #tpu.memory_space<hbm>>
      tpu.enqueue_dma source(%dma_start3A_273 : memref<40xf32, #tpu.memory_space<hbm>>) target(%dma_start3A_272 : memref<40xf32, #tpu.memory_space<vmem>>) target_semaphore(%arg27 : memref<!tpu.dma_semaphore, #tpu.memory_space<semaphore_mem>>)
      %dma_start3A_274 = tpu.memref_slice %arg4[%add3A_268] : memref<320000xi32, #tpu.memory_space<hbm>> -> memref<40xi32, #tpu.memory_space<hbm>>
      %dma_start3A_275 = tpu.memref_slice %arg4[%add3A_268] : memref<320000xi32, #tpu.memory_space<hbm>> -> memref<40xi32, #tpu.memory_space<hbm>>
      tpu.enqueue_dma source(%dma_start3A_275 : memref<40xi32, #tpu.memory_space<hbm>>) target(%arg12 : memref<40xi32, #tpu.memory_space<vmem>>) target_semaphore(%arg27 : memref<!tpu.dma_semaphore, #tpu.memory_space<semaphore_mem>>)
      %dma_start3A_276 = arith.constant 0 : i32
      %dma_start3A_277 = tpu.memref_slice %arg8[%add3A_268, %dma_start3A_276] : memref<320000x128xf32, #tpu.memory_space<hbm>> -> memref<40x128xf32, #tpu.memory_space<hbm>>
      %dma_start3A_278 = arith.constant 0 : i32
      %dma_start3A_279 = tpu.memref_slice %arg8[%add3A_268, %dma_start3A_278] : memref<320000x128xf32, #tpu.memory_space<hbm>> -> memref<40x128xf32, #tpu.memory_space<hbm>>
      tpu.enqueue_dma source(%dma_start3A_279 : memref<40x128xf32, #tpu.memory_space<hbm>>) target(%arg22 : memref<40x128xf32, #tpu.memory_space<vmem>>) target_semaphore(%arg27 : memref<!tpu.dma_semaphore, #tpu.memory_space<semaphore_mem>>)
      %mul3A_280 = arith.constant 20000 : i32
      %mul3A_281 = arith.muli %arg1, %mul3A_280 : i32
      %add3A_282 = arith.constant 0 : i32
      %add3A_283 = arith.addi %mul3A_281, %add3A_282 : i32
      %dma_wait3A = arith.constant 0 : i32
      %dma_wait3A_284 = tpu.memref_slice %arg20[%dma_wait3A] : memref<56xf32, #tpu.memory_space<vmem>> -> memref<40xf32, #tpu.memory_space<vmem>>
      %dma_wait3A_285 = tpu.memref_slice %arg6[%add3A_283] : memref<320000xf32, #tpu.memory_space<hbm>> -> memref<40xf32, #tpu.memory_space<hbm>>
      %dma_wait3A_286 = arith.constant 0 : i32
      %dma_wait3A_287 = tpu.memref_slice %arg20[%dma_wait3A_286] : memref<56xf32, #tpu.memory_space<vmem>> -> memref<40xf32, #tpu.memory_space<vmem>>
      %dma_wait3A_288 = tpu.memref_slice %arg6[%add3A_283] : memref<320000xf32, #tpu.memory_space<hbm>> -> memref<40xf32, #tpu.memory_space<hbm>>
      tpu.wait_dma2 semaphore(%arg27 : memref<!tpu.dma_semaphore, #tpu.memory_space<semaphore_mem>>) src(%dma_wait3A_288 : memref<40xf32, #tpu.memory_space<hbm>>) dst(%dma_wait3A_287 : memref<40xf32, #tpu.memory_space<vmem>>)
      %dma_wait3A_289 = tpu.memref_slice %arg4[%add3A_283] : memref<320000xi32, #tpu.memory_space<hbm>> -> memref<40xi32, #tpu.memory_space<hbm>>
      %dma_wait3A_290 = tpu.memref_slice %arg4[%add3A_283] : memref<320000xi32, #tpu.memory_space<hbm>> -> memref<40xi32, #tpu.memory_space<hbm>>
      tpu.wait_dma2 semaphore(%arg27 : memref<!tpu.dma_semaphore, #tpu.memory_space<semaphore_mem>>) src(%dma_wait3A_290 : memref<40xi32, #tpu.memory_space<hbm>>) dst(%arg12 : memref<40xi32, #tpu.memory_space<vmem>>)
      %dma_wait3A_291 = arith.constant 0 : i32
      %dma_wait3A_292 = tpu.memref_slice %arg8[%add3A_283, %dma_wait3A_291] : memref<320000x128xf32, #tpu.memory_space<hbm>> -> memref<40x128xf32, #tpu.memory_space<hbm>>
      %dma_wait3A_293 = arith.constant 0 : i32
      %dma_wait3A_294 = tpu.memref_slice %arg8[%add3A_283, %dma_wait3A_293] : memref<320000x128xf32, #tpu.memory_space<hbm>> -> memref<40x128xf32, #tpu.memory_space<hbm>>
      tpu.wait_dma2 semaphore(%arg27 : memref<!tpu.dma_semaphore, #tpu.memory_space<semaphore_mem>>) src(%dma_wait3A_294 : memref<40x128xf32, #tpu.memory_space<hbm>>) dst(%arg22 : memref<40x128xf32, #tpu.memory_space<vmem>>)
      %dma_start3A_295 = arith.constant 0 : i32
      %dma_start3A_296 = arith.constant 0 : i32
      %dma_start3A_297 = tpu.memref_slice %arg7[%dma_start3A_295, %dma_start3A_296] : memref<10000x128xf32, #tpu.memory_space<hbm>> -> memref<10000x128xf32, #tpu.memory_space<hbm>>
      tpu.enqueue_indirect_dma source(%dma_start3A_297 : memref<10000x128xf32, #tpu.memory_space<hbm>>) target(%arg24 : memref<40x128xf32, #tpu.memory_space<vmem>>) offsets(%arg12 : memref<40xi32, #tpu.memory_space<vmem>>) semaphore(%arg29 : memref<!tpu.dma_semaphore, #tpu.memory_space<semaphore_mem>>)
      %scan3A_298 = arith.constant 0 : i32
      %scan3A_299 = arith.constant 0 : i32
      %scan3A_300 = arith.constant 250 : i32
      %scan3A_301 = arith.addi %scan3A_299, %scan3A_300 : i32
      %scan3A_302 = arith.constant 1 : i32
      %scan3A_303 = scf.for %scan3A_318 = %scan3A_299 to %scan3A_301 step %scan3A_302 iter_args(%scan3A_319 = %scan3A_298) -> (i32)  : i32 {
        %mul3A_320 = arith.constant 2 : i32
        %mul3A_321 = arith.muli %mul3A_320, %scan3A_318 : i32
        %sub3A = arith.constant 1 : i32
        %sub3A_322 = arith.subi %mul3A_321, %sub3A : i32
        %ge3A = arith.constant 0 : i32
        %ge3A_323 = arith.cmpi sge, %sub3A_322, %ge3A : i32
        %convert_element_type3A_324 = arith.extui %ge3A_323 : i1 to i32
        %cond3A_325 = arith.constant 0 : i32
        %cond3A_326 = arith.cmpi ne, %convert_element_type3A_324, %cond3A_325 : i32
        scf.if %cond3A_326 {
          %dma_wait3A_429 = arith.constant 0 : i32
          %dma_wait3A_430 = arith.constant 0 : i32
          %dma_wait3A_431 = tpu.memref_slice %arg10[%dma_wait3A_429, %dma_wait3A_430] : memref<10000x128xf32, #tpu.memory_space<vmem_shared>> -> memref<10000x128xf32, #tpu.memory_space<vmem_shared>>
          tpu.wait_indirect_dma semaphore(%arg34 : memref<!tpu.dma_semaphore, #tpu.memory_space<semaphore_mem>>) src(%arg23 : memref<40x128xf32, #tpu.memory_space<vmem>>) dst(%dma_wait3A_431 : memref<10000x128xf32, #tpu.memory_space<vmem_shared>>)
        } else {
        }
        %add3A_327 = arith.constant 1 : i32
        %add3A_328 = arith.addi %mul3A_321, %add3A_327 : i32
        %lt3A_329 = arith.constant 500 : i32
        %lt3A_330 = arith.cmpi slt, %add3A_328, %lt3A_329 : i32
        %convert_element_type3A_331 = arith.extui %lt3A_330 : i1 to i32
        %cond3A_332 = arith.constant 0 : i32
        %cond3A_333 = arith.cmpi ne, %convert_element_type3A_331, %cond3A_332 : i32
        scf.if %cond3A_333 {
          %mul3A_429 = arith.constant 20000 : i32
          %mul3A_430 = arith.muli %arg1, %mul3A_429 : i32
          %mul3A_431 = arith.constant 40 : i32
          %mul3A_432 = arith.muli %add3A_328, %mul3A_431 : i32
          %add3A_433 = arith.addi %mul3A_430, %mul3A_432 : i32
          %dma_start3A_434 = arith.constant 0 : i32
          %dma_start3A_435 = tpu.memref_slice %arg21[%dma_start3A_434] : memref<56xf32, #tpu.memory_space<vmem>> -> memref<40xf32, #tpu.memory_space<vmem>>
          %dma_start3A_436 = tpu.memref_slice %arg6[%add3A_433] : memref<320000xf32, #tpu.memory_space<hbm>> -> memref<40xf32, #tpu.memory_space<hbm>>
          %dma_start3A_437 = arith.constant 0 : i32
          %dma_start3A_438 = tpu.memref_slice %arg21[%dma_start3A_437] : memref<56xf32, #tpu.memory_space<vmem>> -> memref<40xf32, #tpu.memory_space<vmem>>
          %dma_start3A_439 = tpu.memref_slice %arg6[%add3A_433] : memref<320000xf32, #tpu.memory_space<hbm>> -> memref<40xf32, #tpu.memory_space<hbm>>
          tpu.enqueue_dma source(%dma_start3A_439 : memref<40xf32, #tpu.memory_space<hbm>>) target(%dma_start3A_438 : memref<40xf32, #tpu.memory_space<vmem>>) target_semaphore(%arg28 : memref<!tpu.dma_semaphore, #tpu.memory_space<semaphore_mem>>)
          %dma_start3A_440 = tpu.memref_slice %arg4[%add3A_433] : memref<320000xi32, #tpu.memory_space<hbm>> -> memref<40xi32, #tpu.memory_space<hbm>>
          %dma_start3A_441 = tpu.memref_slice %arg4[%add3A_433] : memref<320000xi32, #tpu.memory_space<hbm>> -> memref<40xi32, #tpu.memory_space<hbm>>
          tpu.enqueue_dma source(%dma_start3A_441 : memref<40xi32, #tpu.memory_space<hbm>>) target(%arg13 : memref<40xi32, #tpu.memory_space<vmem>>) target_semaphore(%arg28 : memref<!tpu.dma_semaphore, #tpu.memory_space<semaphore_mem>>)
          %dma_start3A_442 = arith.constant 0 : i32
          %dma_start3A_443 = tpu.memref_slice %arg8[%add3A_433, %dma_start3A_442] : memref<320000x128xf32, #tpu.memory_space<hbm>> -> memref<40x128xf32, #tpu.memory_space<hbm>>
          %dma_start3A_444 = arith.constant 0 : i32
          %dma_start3A_445 = tpu.memref_slice %arg8[%add3A_433, %dma_start3A_444] : memref<320000x128xf32, #tpu.memory_space<hbm>> -> memref<40x128xf32, #tpu.memory_space<hbm>>
          tpu.enqueue_dma source(%dma_start3A_445 : memref<40x128xf32, #tpu.memory_space<hbm>>) target(%arg23 : memref<40x128xf32, #tpu.memory_space<vmem>>) target_semaphore(%arg28 : memref<!tpu.dma_semaphore, #tpu.memory_space<semaphore_mem>>)
        } else {
        }
        %mul3A_334 = arith.constant 20000 : i32
        %mul3A_335 = arith.muli %arg1, %mul3A_334 : i32
        %mul3A_336 = arith.constant 40 : i32
        %mul3A_337 = arith.muli %mul3A_321, %mul3A_336 : i32
        %add3A_338 = arith.addi %mul3A_335, %mul3A_337 : i32
        %dma_wait3A_339 = arith.constant 0 : i32
        %dma_wait3A_340 = arith.constant 0 : i32
        %dma_wait3A_341 = tpu.memref_slice %arg7[%dma_wait3A_339, %dma_wait3A_340] : memref<10000x128xf32, #tpu.memory_space<hbm>> -> memref<10000x128xf32, #tpu.memory_space<hbm>>
        tpu.wait_indirect_dma semaphore(%arg29 : memref<!tpu.dma_semaphore, #tpu.memory_space<semaphore_mem>>) src(%dma_wait3A_341 : memref<10000x128xf32, #tpu.memory_space<hbm>>) dst(%arg24 : memref<40x128xf32, #tpu.memory_space<vmem>>)
        %scan3A_342 = arith.constant 0 : i32
        %scan3A_343 = arith.constant 0 : i32
        %scan3A_344 = arith.constant 40 : i32
        %scan3A_345 = arith.addi %scan3A_343, %scan3A_344 : i32
        %scan3A_346 = arith.constant 1 : i32
        %scan3A_347 = scf.for %scan3A_429 = %scan3A_343 to %scan3A_345 step %scan3A_346 iter_args(%scan3A_430 = %scan3A_342) -> (i32)  : i32 {
          %get3A = arith.index_cast %scan3A_429 : i32 to index
          %get3A_431 = tpu.vector_load %arg20[%get3A] {strides = array<i32>} : memref<56xf32, #tpu.memory_space<vmem>>, vector<16xf32>,
          %get3A_432 = vector.shape_cast %get3A_431 : vector<16xf32> to vector<16xf32>
          %slice3A = vector.extract_strided_slice %get3A_432 {offsets = [0], sizes = [1], strides = [1]} : vector<16xf32> to vector<1xf32>
          %squeeze3A = vector.extract %slice3A[0] : f32 from vector<1xf32>
          %broadcast_in_dim3A = vector.broadcast %squeeze3A : f32 to vector<16xf32>
          %get3A_433 = arith.index_cast %scan3A_429 : i32 to index
          %get3A_434 = arith.constant 0 : index
          %get3A_435 = tpu.vector_load %arg22[%get3A_433, %get3A_434] {strides = array<i32>} : memref<40x128xf32, #tpu.memory_space<vmem>>, vector<1x16xf32>,
          %get3A_436 = vector.shape_cast %get3A_435 : vector<1x16xf32> to vector<16xf32>
          %mul3A_437 = arith.mulf %get3A_436, %broadcast_in_dim3A : vector<16xf32>
          %swap3A = arith.index_cast %scan3A_429 : i32 to index
          %swap3A_438 = arith.constant 0 : index
          %swap3A_439 = tpu.vector_load %arg22[%swap3A, %swap3A_438] {strides = array<i32>} : memref<40x128xf32, #tpu.memory_space<vmem>>, vector<1x16xf32>,
          %swap3A_440 = vector.shape_cast %swap3A_439 : vector<1x16xf32> to vector<16xf32>
          %swap3A_441 = vector.shape_cast %mul3A_437 : vector<16xf32> to vector<1x16xf32>
          tpu.vector_store %arg22[%swap3A, %swap3A_438], %swap3A_441 {strides = array<i32>} : memref<40x128xf32, #tpu.memory_space<vmem>>, vector<1x16xf32>,
          %get3A_442 = arith.index_cast %scan3A_429 : i32 to index
          %get3A_443 = arith.constant 0 : index
          %get3A_444 = tpu.vector_load %arg24[%get3A_442, %get3A_443] {strides = array<i32>} : memref<40x128xf32, #tpu.memory_space<vmem>>, vector<1x16xf32>,
          %get3A_445 = vector.shape_cast %get3A_444 : vector<1x16xf32> to vector<16xf32>
          %mul3A_446 = arith.mulf %get3A_445, %broadcast_in_dim3A : vector<16xf32>
          %swap3A_447 = arith.index_cast %scan3A_429 : i32 to index
          %swap3A_448 = arith.constant 0 : index
          %swap3A_449 = tpu.vector_load %arg24[%swap3A_447, %swap3A_448] {strides = array<i32>} : memref<40x128xf32, #tpu.memory_space<vmem>>, vector<1x16xf32>,
          %swap3A_450 = vector.shape_cast %swap3A_449 : vector<1x16xf32> to vector<16xf32>
          %swap3A_451 = vector.shape_cast %mul3A_446 : vector<16xf32> to vector<1x16xf32>
          tpu.vector_store %arg24[%swap3A_447, %swap3A_448], %swap3A_451 {strides = array<i32>} : memref<40x128xf32, #tpu.memory_space<vmem>>, vector<1x16xf32>,
          %get3A_452 = arith.index_cast %scan3A_429 : i32 to index
          %get3A_453 = arith.constant 16 : index
          %get3A_454 = tpu.vector_load %arg22[%get3A_452, %get3A_453] {strides = array<i32>} : memref<40x128xf32, #tpu.memory_space<vmem>>, vector<1x16xf32>,
          %get3A_455 = vector.shape_cast %get3A_454 : vector<1x16xf32> to vector<16xf32>
          %mul3A_456 = arith.mulf %get3A_455, %broadcast_in_dim3A : vector<16xf32>
          %swap3A_457 = arith.index_cast %scan3A_429 : i32 to index
          %swap3A_458 = arith.constant 16 : index
          %swap3A_459 = tpu.vector_load %arg22[%swap3A_457, %swap3A_458] {strides = array<i32>} : memref<40x128xf32, #tpu.memory_space<vmem>>, vector<1x16xf32>,
          %swap3A_460 = vector.shape_cast %swap3A_459 : vector<1x16xf32> to vector<16xf32>
          %swap3A_461 = vector.shape_cast %mul3A_456 : vector<16xf32> to vector<1x16xf32>
          tpu.vector_store %arg22[%swap3A_457, %swap3A_458], %swap3A_461 {strides = array<i32>} : memref<40x128xf32, #tpu.memory_space<vmem>>, vector<1x16xf32>,
          %get3A_462 = arith.index_cast %scan3A_429 : i32 to index
          %get3A_463 = arith.constant 16 : index
          %get3A_464 = tpu.vector_load %arg24[%get3A_462, %get3A_463] {strides = array<i32>} : memref<40x128xf32, #tpu.memory_space<vmem>>, vector<1x16xf32>,
          %get3A_465 = vector.shape_cast %get3A_464 : vector<1x16xf32> to vector<16xf32>
          %mul3A_466 = arith.mulf %get3A_465, %broadcast_in_dim3A : vector<16xf32>
          %swap3A_467 = arith.index_cast %scan3A_429 : i32 to index
          %swap3A_468 = arith.constant 16 : index
          %swap3A_469 = tpu.vector_load %arg24[%swap3A_467, %swap3A_468] {strides = array<i32>} : memref<40x128xf32, #tpu.memory_space<vmem>>, vector<1x16xf32>,
          %swap3A_470 = vector.shape_cast %swap3A_469 : vector<1x16xf32> to vector<16xf32>
          %swap3A_471 = vector.shape_cast %mul3A_466 : vector<16xf32> to vector<1x16xf32>
          tpu.vector_store %arg24[%swap3A_467, %swap3A_468], %swap3A_471 {strides = array<i32>} : memref<40x128xf32, #tpu.memory_space<vmem>>, vector<1x16xf32>,
          %get3A_472 = arith.index_cast %scan3A_429 : i32 to index
          %get3A_473 = arith.constant 32 : index
          %get3A_474 = tpu.vector_load %arg22[%get3A_472, %get3A_473] {strides = array<i32>} : memref<40x128xf32, #tpu.memory_space<vmem>>, vector<1x16xf32>,
          %get3A_475 = vector.shape_cast %get3A_474 : vector<1x16xf32> to vector<16xf32>
          %mul3A_476 = arith.mulf %get3A_475, %broadcast_in_dim3A : vector<16xf32>
          %swap3A_477 = arith.index_cast %scan3A_429 : i32 to index
          %swap3A_478 = arith.constant 32 : index
          %swap3A_479 = tpu.vector_load %arg22[%swap3A_477, %swap3A_478] {strides = array<i32>} : memref<40x128xf32, #tpu.memory_space<vmem>>, vector<1x16xf32>,
          %swap3A_480 = vector.shape_cast %swap3A_479 : vector<1x16xf32> to vector<16xf32>
          %swap3A_481 = vector.shape_cast %mul3A_476 : vector<16xf32> to vector<1x16xf32>
          tpu.vector_store %arg22[%swap3A_477, %swap3A_478], %swap3A_481 {strides = array<i32>} : memref<40x128xf32, #tpu.memory_space<vmem>>, vector<1x16xf32>,
          %get3A_482 = arith.index_cast %scan3A_429 : i32 to index
          %get3A_483 = arith.constant 32 : index
          %get3A_484 = tpu.vector_load %arg24[%get3A_482, %get3A_483] {strides = array<i32>} : memref<40x128xf32, #tpu.memory_space<vmem>>, vector<1x16xf32>,
          %get3A_485 = vector.shape_cast %get3A_484 : vector<1x16xf32> to vector<16xf32>
          %mul3A_486 = arith.mulf %get3A_485, %broadcast_in_dim3A : vector<16xf32>
          %swap3A_487 = arith.index_cast %scan3A_429 : i32 to index
          %swap3A_488 = arith.constant 32 : index
          %swap3A_489 = tpu.vector_load %arg24[%swap3A_487, %swap3A_488] {strides = array<i32>} : memref<40x128xf32, #tpu.memory_space<vmem>>, vector<1x16xf32>,
          %swap3A_490 = vector.shape_cast %swap3A_489 : vector<1x16xf32> to vector<16xf32>
          %swap3A_491 = vector.shape_cast %mul3A_486 : vector<16xf32> to vector<1x16xf32>
          tpu.vector_store %arg24[%swap3A_487, %swap3A_488], %swap3A_491 {strides = array<i32>} : memref<40x128xf32, #tpu.memory_space<vmem>>, vector<1x16xf32>,
          %get3A_492 = arith.index_cast %scan3A_429 : i32 to index
          %get3A_493 = arith.constant 48 : index
          %get3A_494 = tpu.vector_load %arg22[%get3A_492, %get3A_493] {strides = array<i32>} : memref<40x128xf32, #tpu.memory_space<vmem>>, vector<1x16xf32>,
          %get3A_495 = vector.shape_cast %get3A_494 : vector<1x16xf32> to vector<16xf32>
          %mul3A_496 = arith.mulf %get3A_495, %broadcast_in_dim3A : vector<16xf32>
          %swap3A_497 = arith.index_cast %scan3A_429 : i32 to index
          %swap3A_498 = arith.constant 48 : index
          %swap3A_499 = tpu.vector_load %arg22[%swap3A_497, %swap3A_498] {strides = array<i32>} : memref<40x128xf32, #tpu.memory_space<vmem>>, vector<1x16xf32>,
          %swap3A_500 = vector.shape_cast %swap3A_499 : vector<1x16xf32> to vector<16xf32>
          %swap3A_501 = vector.shape_cast %mul3A_496 : vector<16xf32> to vector<1x16xf32>
          tpu.vector_store %arg22[%swap3A_497, %swap3A_498], %swap3A_501 {strides = array<i32>} : memref<40x128xf32, #tpu.memory_space<vmem>>, vector<1x16xf32>,
          %get3A_502 = arith.index_cast %scan3A_429 : i32 to index
          %get3A_503 = arith.constant 48 : index
          %get3A_504 = tpu.vector_load %arg24[%get3A_502, %get3A_503] {strides = array<i32>} : memref<40x128xf32, #tpu.memory_space<vmem>>, vector<1x16xf32>,
          %get3A_505 = vector.shape_cast %get3A_504 : vector<1x16xf32> to vector<16xf32>
          %mul3A_506 = arith.mulf %get3A_505, %broadcast_in_dim3A : vector<16xf32>
          %swap3A_507 = arith.index_cast %scan3A_429 : i32 to index
          %swap3A_508 = arith.constant 48 : index
          %swap3A_509 = tpu.vector_load %arg24[%swap3A_507, %swap3A_508] {strides = array<i32>} : memref<40x128xf32, #tpu.memory_space<vmem>>, vector<1x16xf32>,
          %swap3A_510 = vector.shape_cast %swap3A_509 : vector<1x16xf32> to vector<16xf32>
          %swap3A_511 = vector.shape_cast %mul3A_506 : vector<16xf32> to vector<1x16xf32>
          tpu.vector_store %arg24[%swap3A_507, %swap3A_508], %swap3A_511 {strides = array<i32>} : memref<40x128xf32, #tpu.memory_space<vmem>>, vector<1x16xf32>,
          %get3A_512 = arith.index_cast %scan3A_429 : i32 to index
          %get3A_513 = arith.constant 64 : index
          %get3A_514 = tpu.vector_load %arg22[%get3A_512, %get3A_513] {strides = array<i32>} : memref<40x128xf32, #tpu.memory_space<vmem>>, vector<1x16xf32>,
          %get3A_515 = vector.shape_cast %get3A_514 : vector<1x16xf32> to vector<16xf32>
          %mul3A_516 = arith.mulf %get3A_515, %broadcast_in_dim3A : vector<16xf32>
          %swap3A_517 = arith.index_cast %scan3A_429 : i32 to index
          %swap3A_518 = arith.constant 64 : index
          %swap3A_519 = tpu.vector_load %arg22[%swap3A_517, %swap3A_518] {strides = array<i32>} : memref<40x128xf32, #tpu.memory_space<vmem>>, vector<1x16xf32>,
          %swap3A_520 = vector.shape_cast %swap3A_519 : vector<1x16xf32> to vector<16xf32>
          %swap3A_521 = vector.shape_cast %mul3A_516 : vector<16xf32> to vector<1x16xf32>
          tpu.vector_store %arg22[%swap3A_517, %swap3A_518], %swap3A_521 {strides = array<i32>} : memref<40x128xf32, #tpu.memory_space<vmem>>, vector<1x16xf32>,
          %get3A_522 = arith.index_cast %scan3A_429 : i32 to index
          %get3A_523 = arith.constant 64 : index
          %get3A_524 = tpu.vector_load %arg24[%get3A_522, %get3A_523] {strides = array<i32>} : memref<40x128xf32, #tpu.memory_space<vmem>>, vector<1x16xf32>,
          %get3A_525 = vector.shape_cast %get3A_524 : vector<1x16xf32> to vector<16xf32>
          %mul3A_526 = arith.mulf %get3A_525, %broadcast_in_dim3A : vector<16xf32>
          %swap3A_527 = arith.index_cast %scan3A_429 : i32 to index
          %swap3A_528 = arith.constant 64 : index
          %swap3A_529 = tpu.vector_load %arg24[%swap3A_527, %swap3A_528] {strides = array<i32>} : memref<40x128xf32, #tpu.memory_space<vmem>>, vector<1x16xf32>,
          %swap3A_530 = vector.shape_cast %swap3A_529 : vector<1x16xf32> to vector<16xf32>
          %swap3A_531 = vector.shape_cast %mul3A_526 : vector<16xf32> to vector<1x16xf32>
          tpu.vector_store %arg24[%swap3A_527, %swap3A_528], %swap3A_531 {strides = array<i32>} : memref<40x128xf32, #tpu.memory_space<vmem>>, vector<1x16xf32>,
          %get3A_532 = arith.index_cast %scan3A_429 : i32 to index
          %get3A_533 = arith.constant 80 : index
          %get3A_534 = tpu.vector_load %arg22[%get3A_532, %get3A_533] {strides = array<i32>} : memref<40x128xf32, #tpu.memory_space<vmem>>, vector<1x16xf32>,
          %get3A_535 = vector.shape_cast %get3A_534 : vector<1x16xf32> to vector<16xf32>
          %mul3A_536 = arith.mulf %get3A_535, %broadcast_in_dim3A : vector<16xf32>
          %swap3A_537 = arith.index_cast %scan3A_429 : i32 to index
          %swap3A_538 = arith.constant 80 : index
          %swap3A_539 = tpu.vector_load %arg22[%swap3A_537, %swap3A_538] {strides = array<i32>} : memref<40x128xf32, #tpu.memory_space<vmem>>, vector<1x16xf32>,
          %swap3A_540 = vector.shape_cast %swap3A_539 : vector<1x16xf32> to vector<16xf32>
          %swap3A_541 = vector.shape_cast %mul3A_536 : vector<16xf32> to vector<1x16xf32>
          tpu.vector_store %arg22[%swap3A_537, %swap3A_538], %swap3A_541 {strides = array<i32>} : memref<40x128xf32, #tpu.memory_space<vmem>>, vector<1x16xf32>,
          %get3A_542 = arith.index_cast %scan3A_429 : i32 to index
          %get3A_543 = arith.constant 80 : index
          %get3A_544 = tpu.vector_load %arg24[%get3A_542, %get3A_543] {strides = array<i32>} : memref<40x128xf32, #tpu.memory_space<vmem>>, vector<1x16xf32>,
          %get3A_545 = vector.shape_cast %get3A_544 : vector<1x16xf32> to vector<16xf32>
          %mul3A_546 = arith.mulf %get3A_545, %broadcast_in_dim3A : vector<16xf32>
          %swap3A_547 = arith.index_cast %scan3A_429 : i32 to index
          %swap3A_548 = arith.constant 80 : index
          %swap3A_549 = tpu.vector_load %arg24[%swap3A_547, %swap3A_548] {strides = array<i32>} : memref<40x128xf32, #tpu.memory_space<vmem>>, vector<1x16xf32>,
          %swap3A_550 = vector.shape_cast %swap3A_549 : vector<1x16xf32> to vector<16xf32>
          %swap3A_551 = vector.shape_cast %mul3A_546 : vector<16xf32> to vector<1x16xf32>
          tpu.vector_store %arg24[%swap3A_547, %swap3A_548], %swap3A_551 {strides = array<i32>} : memref<40x128xf32, #tpu.memory_space<vmem>>, vector<1x16xf32>,
          %get3A_552 = arith.index_cast %scan3A_429 : i32 to index
          %get3A_553 = arith.constant 96 : index
          %get3A_554 = tpu.vector_load %arg22[%get3A_552, %get3A_553] {strides = array<i32>} : memref<40x128xf32, #tpu.memory_space<vmem>>, vector<1x16xf32>,
          %get3A_555 = vector.shape_cast %get3A_554 : vector<1x16xf32> to vector<16xf32>
          %mul3A_556 = arith.mulf %get3A_555, %broadcast_in_dim3A : vector<16xf32>
          %swap3A_557 = arith.index_cast %scan3A_429 : i32 to index
          %swap3A_558 = arith.constant 96 : index
          %swap3A_559 = tpu.vector_load %arg22[%swap3A_557, %swap3A_558] {strides = array<i32>} : memref<40x128xf32, #tpu.memory_space<vmem>>, vector<1x16xf32>,
          %swap3A_560 = vector.shape_cast %swap3A_559 : vector<1x16xf32> to vector<16xf32>
          %swap3A_561 = vector.shape_cast %mul3A_556 : vector<16xf32> to vector<1x16xf32>
          tpu.vector_store %arg22[%swap3A_557, %swap3A_558], %swap3A_561 {strides = array<i32>} : memref<40x128xf32, #tpu.memory_space<vmem>>, vector<1x16xf32>,
          %get3A_562 = arith.index_cast %scan3A_429 : i32 to index
          %get3A_563 = arith.constant 96 : index
          %get3A_564 = tpu.vector_load %arg24[%get3A_562, %get3A_563] {strides = array<i32>} : memref<40x128xf32, #tpu.memory_space<vmem>>, vector<1x16xf32>,
          %get3A_565 = vector.shape_cast %get3A_564 : vector<1x16xf32> to vector<16xf32>
          %mul3A_566 = arith.mulf %get3A_565, %broadcast_in_dim3A : vector<16xf32>
          %swap3A_567 = arith.index_cast %scan3A_429 : i32 to index
          %swap3A_568 = arith.constant 96 : index
          %swap3A_569 = tpu.vector_load %arg24[%swap3A_567, %swap3A_568] {strides = array<i32>} : memref<40x128xf32, #tpu.memory_space<vmem>>, vector<1x16xf32>,
          %swap3A_570 = vector.shape_cast %swap3A_569 : vector<1x16xf32> to vector<16xf32>
          %swap3A_571 = vector.shape_cast %mul3A_566 : vector<16xf32> to vector<1x16xf32>
          tpu.vector_store %arg24[%swap3A_567, %swap3A_568], %swap3A_571 {strides = array<i32>} : memref<40x128xf32, #tpu.memory_space<vmem>>, vector<1x16xf32>,
          %get3A_572 = arith.index_cast %scan3A_429 : i32 to index
          %get3A_573 = arith.constant 112 : index
          %get3A_574 = tpu.vector_load %arg22[%get3A_572, %get3A_573] {strides = array<i32>} : memref<40x128xf32, #tpu.memory_space<vmem>>, vector<1x16xf32>,
          %get3A_575 = vector.shape_cast %get3A_574 : vector<1x16xf32> to vector<16xf32>
          %mul3A_576 = arith.mulf %get3A_575, %broadcast_in_dim3A : vector<16xf32>
          %swap3A_577 = arith.index_cast %scan3A_429 : i32 to index
          %swap3A_578 = arith.constant 112 : index
          %swap3A_579 = tpu.vector_load %arg22[%swap3A_577, %swap3A_578] {strides = array<i32>} : memref<40x128xf32, #tpu.memory_space<vmem>>, vector<1x16xf32>,
          %swap3A_580 = vector.shape_cast %swap3A_579 : vector<1x16xf32> to vector<16xf32>
          %swap3A_581 = vector.shape_cast %mul3A_576 : vector<16xf32> to vector<1x16xf32>
          tpu.vector_store %arg22[%swap3A_577, %swap3A_578], %swap3A_581 {strides = array<i32>} : memref<40x128xf32, #tpu.memory_space<vmem>>, vector<1x16xf32>,
          %get3A_582 = arith.index_cast %scan3A_429 : i32 to index
          %get3A_583 = arith.constant 112 : index
          %get3A_584 = tpu.vector_load %arg24[%get3A_582, %get3A_583] {strides = array<i32>} : memref<40x128xf32, #tpu.memory_space<vmem>>, vector<1x16xf32>,
          %get3A_585 = vector.shape_cast %get3A_584 : vector<1x16xf32> to vector<16xf32>
          %mul3A_586 = arith.mulf %get3A_585, %broadcast_in_dim3A : vector<16xf32>
          %swap3A_587 = arith.index_cast %scan3A_429 : i32 to index
          %swap3A_588 = arith.constant 112 : index
          %swap3A_589 = tpu.vector_load %arg24[%swap3A_587, %swap3A_588] {strides = array<i32>} : memref<40x128xf32, #tpu.memory_space<vmem>>, vector<1x16xf32>,
          %swap3A_590 = vector.shape_cast %swap3A_589 : vector<1x16xf32> to vector<16xf32>
          %swap3A_591 = vector.shape_cast %mul3A_586 : vector<16xf32> to vector<1x16xf32>
          tpu.vector_store %arg24[%swap3A_587, %swap3A_588], %swap3A_591 {strides = array<i32>} : memref<40x128xf32, #tpu.memory_space<vmem>>, vector<1x16xf32>,
          %scan3A_592 = arith.constant 0 : i32
          scf.yield %scan3A_592 : i32
        }
        %scan3A_348 = arith.constant 40 : i32
        %sub3A_349 = arith.constant 1 : i32
        %sub3A_350 = arith.subi %mul3A_321, %sub3A_349 : i32
        %ge3A_351 = arith.constant 0 : i32
        %ge3A_352 = arith.cmpi sge, %sub3A_350, %ge3A_351 : i32
        %convert_element_type3A_353 = arith.extui %ge3A_352 : i1 to i32
        %cond3A_354 = arith.constant 0 : i32
        %cond3A_355 = arith.cmpi ne, %convert_element_type3A_353, %cond3A_354 : i32
        scf.if %cond3A_355 {
          %mul3A_429 = arith.constant 20000 : i32
          %mul3A_430 = arith.muli %arg1, %mul3A_429 : i32
          %mul3A_431 = arith.constant 40 : i32
          %mul3A_432 = arith.muli %sub3A_350, %mul3A_431 : i32
          %add3A_433 = arith.addi %mul3A_430, %mul3A_432 : i32
          %add3A_434 = arith.constant 320000 : i32
          %add3A_435 = arith.addi %add3A_434, %add3A_433 : i32
          %dma_wait3A_436 = arith.constant 0 : i32
          %dma_wait3A_437 = tpu.memref_slice %arg9[%add3A_435, %dma_wait3A_436] : memref<661600x128xf32, #tpu.memory_space<hbm>> -> memref<40x128xf32, #tpu.memory_space<hbm>>
          %dma_wait3A_438 = arith.constant 0 : i32
          %dma_wait3A_439 = tpu.memref_slice %arg9[%add3A_435, %dma_wait3A_438] : memref<661600x128xf32, #tpu.memory_space<hbm>> -> memref<40x128xf32, #tpu.memory_space<hbm>>
          tpu.wait_dma2 semaphore(%arg32 : memref<!tpu.dma_semaphore, #tpu.memory_space<semaphore_mem>>) src(%arg25 : memref<40x128xf32, #tpu.memory_space<vmem>>) dst(%dma_wait3A_439 : memref<40x128xf32, #tpu.memory_space<hbm>>)
        } else {
        }
        %add3A_356 = arith.constant 1 : i32
        %add3A_357 = arith.addi %mul3A_321, %add3A_356 : i32
        %lt3A_358 = arith.constant 500 : i32
        %lt3A_359 = arith.cmpi slt, %add3A_357, %lt3A_358 : i32
        %convert_element_type3A_360 = arith.extui %lt3A_359 : i1 to i32
        %cond3A_361 = arith.constant 0 : i32
        %cond3A_362 = arith.cmpi ne, %convert_element_type3A_360, %cond3A_361 : i32
        scf.if %cond3A_362 {
          %add3A_429 = arith.constant 1 : i32
          %add3A_430 = arith.addi %mul3A_321, %add3A_429 : i32
          %mul3A_431 = arith.constant 20000 : i32
          %mul3A_432 = arith.muli %arg1, %mul3A_431 : i32
          %mul3A_433 = arith.constant 40 : i32
          %mul3A_434 = arith.muli %add3A_430, %mul3A_433 : i32
          %add3A_435 = arith.addi %mul3A_432, %mul3A_434 : i32
          %dma_wait3A_436 = arith.constant 0 : i32
          %dma_wait3A_437 = tpu.memref_slice %arg21[%dma_wait3A_436] : memref<56xf32, #tpu.memory_space<vmem>> -> memref<40xf32, #tpu.memory_space<vmem>>
          %dma_wait3A_438 = tpu.memref_slice %arg6[%add3A_435] : memref<320000xf32, #tpu.memory_space<hbm>> -> memref<40xf32, #tpu.memory_space<hbm>>
          %dma_wait3A_439 = arith.constant 0 : i32
          %dma_wait3A_440 = tpu.memref_slice %arg21[%dma_wait3A_439] : memref<56xf32, #tpu.memory_space<vmem>> -> memref<40xf32, #tpu.memory_space<vmem>>
          %dma_wait3A_441 = tpu.memref_slice %arg6[%add3A_435] : memref<320000xf32, #tpu.memory_space<hbm>> -> memref<40xf32, #tpu.memory_space<hbm>>
          tpu.wait_dma2 semaphore(%arg28 : memref<!tpu.dma_semaphore, #tpu.memory_space<semaphore_mem>>) src(%dma_wait3A_441 : memref<40xf32, #tpu.memory_space<hbm>>) dst(%dma_wait3A_440 : memref<40xf32, #tpu.memory_space<vmem>>)
          %dma_wait3A_442 = tpu.memref_slice %arg4[%add3A_435] : memref<320000xi32, #tpu.memory_space<hbm>> -> memref<40xi32, #tpu.memory_space<hbm>>
          %dma_wait3A_443 = tpu.memref_slice %arg4[%add3A_435] : memref<320000xi32, #tpu.memory_space<hbm>> -> memref<40xi32, #tpu.memory_space<hbm>>
          tpu.wait_dma2 semaphore(%arg28 : memref<!tpu.dma_semaphore, #tpu.memory_space<semaphore_mem>>) src(%dma_wait3A_443 : memref<40xi32, #tpu.memory_space<hbm>>) dst(%arg13 : memref<40xi32, #tpu.memory_space<vmem>>)
          %dma_wait3A_444 = arith.constant 0 : i32
          %dma_wait3A_445 = tpu.memref_slice %arg8[%add3A_435, %dma_wait3A_444] : memref<320000x128xf32, #tpu.memory_space<hbm>> -> memref<40x128xf32, #tpu.memory_space<hbm>>
          %dma_wait3A_446 = arith.constant 0 : i32
          %dma_wait3A_447 = tpu.memref_slice %arg8[%add3A_435, %dma_wait3A_446] : memref<320000x128xf32, #tpu.memory_space<hbm>> -> memref<40x128xf32, #tpu.memory_space<hbm>>
          tpu.wait_dma2 semaphore(%arg28 : memref<!tpu.dma_semaphore, #tpu.memory_space<semaphore_mem>>) src(%dma_wait3A_447 : memref<40x128xf32, #tpu.memory_space<hbm>>) dst(%arg23 : memref<40x128xf32, #tpu.memory_space<vmem>>)
          %dma_start3A_448 = arith.constant 0 : i32
          %dma_start3A_449 = arith.constant 0 : i32
          %dma_start3A_450 = tpu.memref_slice %arg7[%dma_start3A_448, %dma_start3A_449] : memref<10000x128xf32, #tpu.memory_space<hbm>> -> memref<10000x128xf32, #tpu.memory_space<hbm>>
          tpu.enqueue_indirect_dma source(%dma_start3A_450 : memref<10000x128xf32, #tpu.memory_space<hbm>>) target(%arg25 : memref<40x128xf32, #tpu.memory_space<vmem>>) offsets(%arg13 : memref<40xi32, #tpu.memory_space<vmem>>) semaphore(%arg30 : memref<!tpu.dma_semaphore, #tpu.memory_space<semaphore_mem>>)
        } else {
        }
        %add3A_363 = arith.constant 320000 : i32
        %add3A_364 = arith.addi %add3A_363, %add3A_338 : i32
        %dma_start3A_365 = arith.constant 0 : i32
        %dma_start3A_366 = tpu.memref_slice %arg9[%add3A_364, %dma_start3A_365] : memref<661600x128xf32, #tpu.memory_space<hbm>> -> memref<40x128xf32, #tpu.memory_space<hbm>>
        %dma_start3A_367 = arith.constant 0 : i32
        %dma_start3A_368 = tpu.memref_slice %arg9[%add3A_364, %dma_start3A_367] : memref<661600x128xf32, #tpu.memory_space<hbm>> -> memref<40x128xf32, #tpu.memory_space<hbm>>
        tpu.enqueue_dma source(%arg24 : memref<40x128xf32, #tpu.memory_space<vmem>>) target(%dma_start3A_368 : memref<40x128xf32, #tpu.memory_space<hbm>>) target_semaphore(%arg31 : memref<!tpu.dma_semaphore, #tpu.memory_space<semaphore_mem>>)
        %dma_start3A_369 = arith.constant 0 : i32
        %dma_start3A_370 = arith.constant 0 : i32
        %dma_start3A_371 = tpu.memref_slice %arg10[%dma_start3A_369, %dma_start3A_370] : memref<10000x128xf32, #tpu.memory_space<vmem_shared>> -> memref<10000x128xf32, #tpu.memory_space<vmem_shared>>
        tpu.enqueue_indirect_dma source(%arg22 : memref<40x128xf32, #tpu.memory_space<vmem>>) target(%dma_start3A_371 : memref<10000x128xf32, #tpu.memory_space<vmem_shared>>) offsets(%arg12 : memref<40xi32, #tpu.memory_space<vmem>>) semaphore(%arg33 : memref<!tpu.dma_semaphore, #tpu.memory_space<semaphore_mem>>) {add = true}
        %mul3A_372 = arith.constant 2 : i32
        %mul3A_373 = arith.muli %mul3A_372, %scan3A_318 : i32
        %add3A_374 = arith.constant 1 : i32
        %add3A_375 = arith.addi %mul3A_373, %add3A_374 : i32
        %sub3A_376 = arith.constant 1 : i32
        %sub3A_377 = arith.subi %add3A_375, %sub3A_376 : i32
        %ge3A_378 = arith.constant 0 : i32
        %ge3A_379 = arith.cmpi sge, %sub3A_377, %ge3A_378 : i32
        %convert_element_type3A_380 = arith.extui %ge3A_379 : i1 to i32
        %cond3A_381 = arith.constant 0 : i32
        %cond3A_382 = arith.cmpi ne, %convert_element_type3A_380, %cond3A_381 : i32
        scf.if %cond3A_382 {
          %dma_wait3A_429 = arith.constant 0 : i32
          %dma_wait3A_430 = arith.constant 0 : i32
          %dma_wait3A_431 = tpu.memref_slice %arg10[%dma_wait3A_429, %dma_wait3A_430] : memref<10000x128xf32, #tpu.memory_space<vmem_shared>> -> memref<10000x128xf32, #tpu.memory_space<vmem_shared>>
          tpu.wait_indirect_dma semaphore(%arg33 : memref<!tpu.dma_semaphore, #tpu.memory_space<semaphore_mem>>) src(%arg22 : memref<40x128xf32, #tpu.memory_space<vmem>>) dst(%dma_wait3A_431 : memref<10000x128xf32, #tpu.memory_space<vmem_shared>>)
        } else {
        }
        %add3A_383 = arith.constant 1 : i32
        %add3A_384 = arith.addi %add3A_375, %add3A_383 : i32
        %lt3A_385 = arith.constant 500 : i32
        %lt3A_386 = arith.cmpi slt, %add3A_384, %lt3A_385 : i32
        %convert_element_type3A_387 = arith.extui %lt3A_386 : i1 to i32
        %cond3A_388 = arith.constant 0 : i32
        %cond3A_389 = arith.cmpi ne, %convert_element_type3A_387, %cond3A_388 : i32
        scf.if %cond3A_389 {
          %mul3A_429 = arith.constant 20000 : i32
          %mul3A_430 = arith.muli %arg1, %mul3A_429 : i32
          %mul3A_431 = arith.constant 40 : i32
          %mul3A_432 = arith.muli %add3A_384, %mul3A_431 : i32
          %add3A_433 = arith.addi %mul3A_430, %mul3A_432 : i32
          %dma_start3A_434 = arith.constant 0 : i32
          %dma_start3A_435 = tpu.memref_slice %arg20[%dma_start3A_434] : memref<56xf32, #tpu.memory_space<vmem>> -> memref<40xf32, #tpu.memory_space<vmem>>
          %dma_start3A_436 = tpu.memref_slice %arg6[%add3A_433] : memref<320000xf32, #tpu.memory_space<hbm>> -> memref<40xf32, #tpu.memory_space<hbm>>
          %dma_start3A_437 = arith.constant 0 : i32
          %dma_start3A_438 = tpu.memref_slice %arg20[%dma_start3A_437] : memref<56xf32, #tpu.memory_space<vmem>> -> memref<40xf32, #tpu.memory_space<vmem>>
          %dma_start3A_439 = tpu.memref_slice %arg6[%add3A_433] : memref<320000xf32, #tpu.memory_space<hbm>> -> memref<40xf32, #tpu.memory_space<hbm>>
          tpu.enqueue_dma source(%dma_start3A_439 : memref<40xf32, #tpu.memory_space<hbm>>) target(%dma_start3A_438 : memref<40xf32, #tpu.memory_space<vmem>>) target_semaphore(%arg27 : memref<!tpu.dma_semaphore, #tpu.memory_space<semaphore_mem>>)
          %dma_start3A_440 = tpu.memref_slice %arg4[%add3A_433] : memref<320000xi32, #tpu.memory_space<hbm>> -> memref<40xi32, #tpu.memory_space<hbm>>
          %dma_start3A_441 = tpu.memref_slice %arg4[%add3A_433] : memref<320000xi32, #tpu.memory_space<hbm>> -> memref<40xi32, #tpu.memory_space<hbm>>
          tpu.enqueue_dma source(%dma_start3A_441 : memref<40xi32, #tpu.memory_space<hbm>>) target(%arg12 : memref<40xi32, #tpu.memory_space<vmem>>) target_semaphore(%arg27 : memref<!tpu.dma_semaphore, #tpu.memory_space<semaphore_mem>>)
          %dma_start3A_442 = arith.constant 0 : i32
          %dma_start3A_443 = tpu.memref_slice %arg8[%add3A_433, %dma_start3A_442] : memref<320000x128xf32, #tpu.memory_space<hbm>> -> memref<40x128xf32, #tpu.memory_space<hbm>>
          %dma_start3A_444 = arith.constant 0 : i32
          %dma_start3A_445 = tpu.memref_slice %arg8[%add3A_433, %dma_start3A_444] : memref<320000x128xf32, #tpu.memory_space<hbm>> -> memref<40x128xf32, #tpu.memory_space<hbm>>
          tpu.enqueue_dma source(%dma_start3A_445 : memref<40x128xf32, #tpu.memory_space<hbm>>) target(%arg22 : memref<40x128xf32, #tpu.memory_space<vmem>>) target_semaphore(%arg27 : memref<!tpu.dma_semaphore, #tpu.memory_space<semaphore_mem>>)
        } else {
        }
        %mul3A_390 = arith.constant 20000 : i32
        %mul3A_391 = arith.muli %arg1, %mul3A_390 : i32
        %mul3A_392 = arith.constant 40 : i32
        %mul3A_393 = arith.muli %add3A_375, %mul3A_392 : i32
        %add3A_394 = arith.addi %mul3A_391, %mul3A_393 : i32
        %dma_wait3A_395 = arith.constant 0 : i32
        %dma_wait3A_396 = arith.constant 0 : i32
        %dma_wait3A_397 = tpu.memref_slice %arg7[%dma_wait3A_395, %dma_wait3A_396] : memref<10000x128xf32, #tpu.memory_space<hbm>> -> memref<10000x128xf32, #tpu.memory_space<hbm>>
        tpu.wait_indirect_dma semaphore(%arg30 : memref<!tpu.dma_semaphore, #tpu.memory_space<semaphore_mem>>) src(%dma_wait3A_397 : memref<10000x128xf32, #tpu.memory_space<hbm>>) dst(%arg25 : memref<40x128xf32, #tpu.memory_space<vmem>>)
        %scan3A_398 = arith.constant 0 : i32
        %scan3A_399 = arith.constant 0 : i32
        %scan3A_400 = arith.constant 40 : i32
        %scan3A_401 = arith.addi %scan3A_399, %scan3A_400 : i32
        %scan3A_402 = arith.constant 1 : i32
        %scan3A_403 = scf.for %scan3A_429 = %scan3A_399 to %scan3A_401 step %scan3A_402 iter_args(%scan3A_430 = %scan3A_398) -> (i32)  : i32 {
          %get3A = arith.index_cast %scan3A_429 : i32 to index
          %get3A_431 = tpu.vector_load %arg21[%get3A] {strides = array<i32>} : memref<56xf32, #tpu.memory_space<vmem>>, vector<16xf32>,
          %get3A_432 = vector.shape_cast %get3A_431 : vector<16xf32> to vector<16xf32>
          %slice3A = vector.extract_strided_slice %get3A_432 {offsets = [0], sizes = [1], strides = [1]} : vector<16xf32> to vector<1xf32>
          %squeeze3A = vector.extract %slice3A[0] : f32 from vector<1xf32>
          %broadcast_in_dim3A = vector.broadcast %squeeze3A : f32 to vector<16xf32>
          %get3A_433 = arith.index_cast %scan3A_429 : i32 to index
          %get3A_434 = arith.constant 0 : index
          %get3A_435 = tpu.vector_load %arg23[%get3A_433, %get3A_434] {strides = array<i32>} : memref<40x128xf32, #tpu.memory_space<vmem>>, vector<1x16xf32>,
          %get3A_436 = vector.shape_cast %get3A_435 : vector<1x16xf32> to vector<16xf32>
          %mul3A_437 = arith.mulf %get3A_436, %broadcast_in_dim3A : vector<16xf32>
          %swap3A = arith.index_cast %scan3A_429 : i32 to index
          %swap3A_438 = arith.constant 0 : index
          %swap3A_439 = tpu.vector_load %arg23[%swap3A, %swap3A_438] {strides = array<i32>} : memref<40x128xf32, #tpu.memory_space<vmem>>, vector<1x16xf32>,
          %swap3A_440 = vector.shape_cast %swap3A_439 : vector<1x16xf32> to vector<16xf32>
          %swap3A_441 = vector.shape_cast %mul3A_437 : vector<16xf32> to vector<1x16xf32>
          tpu.vector_store %arg23[%swap3A, %swap3A_438], %swap3A_441 {strides = array<i32>} : memref<40x128xf32, #tpu.memory_space<vmem>>, vector<1x16xf32>,
          %get3A_442 = arith.index_cast %scan3A_429 : i32 to index
          %get3A_443 = arith.constant 0 : index
          %get3A_444 = tpu.vector_load %arg25[%get3A_442, %get3A_443] {strides = array<i32>} : memref<40x128xf32, #tpu.memory_space<vmem>>, vector<1x16xf32>,
          %get3A_445 = vector.shape_cast %get3A_444 : vector<1x16xf32> to vector<16xf32>
          %mul3A_446 = arith.mulf %get3A_445, %broadcast_in_dim3A : vector<16xf32>
          %swap3A_447 = arith.index_cast %scan3A_429 : i32 to index
          %swap3A_448 = arith.constant 0 : index
          %swap3A_449 = tpu.vector_load %arg25[%swap3A_447, %swap3A_448] {strides = array<i32>} : memref<40x128xf32, #tpu.memory_space<vmem>>, vector<1x16xf32>,
          %swap3A_450 = vector.shape_cast %swap3A_449 : vector<1x16xf32> to vector<16xf32>
          %swap3A_451 = vector.shape_cast %mul3A_446 : vector<16xf32> to vector<1x16xf32>
          tpu.vector_store %arg25[%swap3A_447, %swap3A_448], %swap3A_451 {strides = array<i32>} : memref<40x128xf32, #tpu.memory_space<vmem>>, vector<1x16xf32>,
          %get3A_452 = arith.index_cast %scan3A_429 : i32 to index
          %get3A_453 = arith.constant 16 : index
          %get3A_454 = tpu.vector_load %arg23[%get3A_452, %get3A_453] {strides = array<i32>} : memref<40x128xf32, #tpu.memory_space<vmem>>, vector<1x16xf32>,
          %get3A_455 = vector.shape_cast %get3A_454 : vector<1x16xf32> to vector<16xf32>
          %mul3A_456 = arith.mulf %get3A_455, %broadcast_in_dim3A : vector<16xf32>
          %swap3A_457 = arith.index_cast %scan3A_429 : i32 to index
          %swap3A_458 = arith.constant 16 : index
          %swap3A_459 = tpu.vector_load %arg23[%swap3A_457, %swap3A_458] {strides = array<i32>} : memref<40x128xf32, #tpu.memory_space<vmem>>, vector<1x16xf32>,
          %swap3A_460 = vector.shape_cast %swap3A_459 : vector<1x16xf32> to vector<16xf32>
          %swap3A_461 = vector.shape_cast %mul3A_456 : vector<16xf32> to vector<1x16xf32>
          tpu.vector_store %arg23[%swap3A_457, %swap3A_458], %swap3A_461 {strides = array<i32>} : memref<40x128xf32, #tpu.memory_space<vmem>>, vector<1x16xf32>,
          %get3A_462 = arith.index_cast %scan3A_429 : i32 to index
          %get3A_463 = arith.constant 16 : index
          %get3A_464 = tpu.vector_load %arg25[%get3A_462, %get3A_463] {strides = array<i32>} : memref<40x128xf32, #tpu.memory_space<vmem>>, vector<1x16xf32>,
          %get3A_465 = vector.shape_cast %get3A_464 : vector<1x16xf32> to vector<16xf32>
          %mul3A_466 = arith.mulf %get3A_465, %broadcast_in_dim3A : vector<16xf32>
          %swap3A_467 = arith.index_cast %scan3A_429 : i32 to index
          %swap3A_468 = arith.constant 16 : index
          %swap3A_469 = tpu.vector_load %arg25[%swap3A_467, %swap3A_468] {strides = array<i32>} : memref<40x128xf32, #tpu.memory_space<vmem>>, vector<1x16xf32>,
          %swap3A_470 = vector.shape_cast %swap3A_469 : vector<1x16xf32> to vector<16xf32>
          %swap3A_471 = vector.shape_cast %mul3A_466 : vector<16xf32> to vector<1x16xf32>
          tpu.vector_store %arg25[%swap3A_467, %swap3A_468], %swap3A_471 {strides = array<i32>} : memref<40x128xf32, #tpu.memory_space<vmem>>, vector<1x16xf32>,
          %get3A_472 = arith.index_cast %scan3A_429 : i32 to index
          %get3A_473 = arith.constant 32 : index
          %get3A_474 = tpu.vector_load %arg23[%get3A_472, %get3A_473] {strides = array<i32>} : memref<40x128xf32, #tpu.memory_space<vmem>>, vector<1x16xf32>,
          %get3A_475 = vector.shape_cast %get3A_474 : vector<1x16xf32> to vector<16xf32>
          %mul3A_476 = arith.mulf %get3A_475, %broadcast_in_dim3A : vector<16xf32>
          %swap3A_477 = arith.index_cast %scan3A_429 : i32 to index
          %swap3A_478 = arith.constant 32 : index
          %swap3A_479 = tpu.vector_load %arg23[%swap3A_477, %swap3A_478] {strides = array<i32>} : memref<40x128xf32, #tpu.memory_space<vmem>>, vector<1x16xf32>,
          %swap3A_480 = vector.shape_cast %swap3A_479 : vector<1x16xf32> to vector<16xf32>
          %swap3A_481 = vector.shape_cast %mul3A_476 : vector<16xf32> to vector<1x16xf32>
          tpu.vector_store %arg23[%swap3A_477, %swap3A_478], %swap3A_481 {strides = array<i32>} : memref<40x128xf32, #tpu.memory_space<vmem>>, vector<1x16xf32>,
          %get3A_482 = arith.index_cast %scan3A_429 : i32 to index
          %get3A_483 = arith.constant 32 : index
          %get3A_484 = tpu.vector_load %arg25[%get3A_482, %get3A_483] {strides = array<i32>} : memref<40x128xf32, #tpu.memory_space<vmem>>, vector<1x16xf32>,
          %get3A_485 = vector.shape_cast %get3A_484 : vector<1x16xf32> to vector<16xf32>
          %mul3A_486 = arith.mulf %get3A_485, %broadcast_in_dim3A : vector<16xf32>
          %swap3A_487 = arith.index_cast %scan3A_429 : i32 to index
          %swap3A_488 = arith.constant 32 : index
          %swap3A_489 = tpu.vector_load %arg25[%swap3A_487, %swap3A_488] {strides = array<i32>} : memref<40x128xf32, #tpu.memory_space<vmem>>, vector<1x16xf32>,
          %swap3A_490 = vector.shape_cast %swap3A_489 : vector<1x16xf32> to vector<16xf32>
          %swap3A_491 = vector.shape_cast %mul3A_486 : vector<16xf32> to vector<1x16xf32>
          tpu.vector_store %arg25[%swap3A_487, %swap3A_488], %swap3A_491 {strides = array<i32>} : memref<40x128xf32, #tpu.memory_space<vmem>>, vector<1x16xf32>,
          %get3A_492 = arith.index_cast %scan3A_429 : i32 to index
          %get3A_493 = arith.constant 48 : index
          %get3A_494 = tpu.vector_load %arg23[%get3A_492, %get3A_493] {strides = array<i32>} : memref<40x128xf32, #tpu.memory_space<vmem>>, vector<1x16xf32>,
          %get3A_495 = vector.shape_cast %get3A_494 : vector<1x16xf32> to vector<16xf32>
          %mul3A_496 = arith.mulf %get3A_495, %broadcast_in_dim3A : vector<16xf32>
          %swap3A_497 = arith.index_cast %scan3A_429 : i32 to index
          %swap3A_498 = arith.constant 48 : index
          %swap3A_499 = tpu.vector_load %arg23[%swap3A_497, %swap3A_498] {strides = array<i32>} : memref<40x128xf32, #tpu.memory_space<vmem>>, vector<1x16xf32>,
          %swap3A_500 = vector.shape_cast %swap3A_499 : vector<1x16xf32> to vector<16xf32>
          %swap3A_501 = vector.shape_cast %mul3A_496 : vector<16xf32> to vector<1x16xf32>
          tpu.vector_store %arg23[%swap3A_497, %swap3A_498], %swap3A_501 {strides = array<i32>} : memref<40x128xf32, #tpu.memory_space<vmem>>, vector<1x16xf32>,
          %get3A_502 = arith.index_cast %scan3A_429 : i32 to index
          %get3A_503 = arith.constant 48 : index
          %get3A_504 = tpu.vector_load %arg25[%get3A_502, %get3A_503] {strides = array<i32>} : memref<40x128xf32, #tpu.memory_space<vmem>>, vector<1x16xf32>,
          %get3A_505 = vector.shape_cast %get3A_504 : vector<1x16xf32> to vector<16xf32>
          %mul3A_506 = arith.mulf %get3A_505, %broadcast_in_dim3A : vector<16xf32>
          %swap3A_507 = arith.index_cast %scan3A_429 : i32 to index
          %swap3A_508 = arith.constant 48 : index
          %swap3A_509 = tpu.vector_load %arg25[%swap3A_507, %swap3A_508] {strides = array<i32>} : memref<40x128xf32, #tpu.memory_space<vmem>>, vector<1x16xf32>,
          %swap3A_510 = vector.shape_cast %swap3A_509 : vector<1x16xf32> to vector<16xf32>
          %swap3A_511 = vector.shape_cast %mul3A_506 : vector<16xf32> to vector<1x16xf32>
          tpu.vector_store %arg25[%swap3A_507, %swap3A_508], %swap3A_511 {strides = array<i32>} : memref<40x128xf32, #tpu.memory_space<vmem>>, vector<1x16xf32>,
          %get3A_512 = arith.index_cast %scan3A_429 : i32 to index
          %get3A_513 = arith.constant 64 : index
          %get3A_514 = tpu.vector_load %arg23[%get3A_512, %get3A_513] {strides = array<i32>} : memref<40x128xf32, #tpu.memory_space<vmem>>, vector<1x16xf32>,
          %get3A_515 = vector.shape_cast %get3A_514 : vector<1x16xf32> to vector<16xf32>
          %mul3A_516 = arith.mulf %get3A_515, %broadcast_in_dim3A : vector<16xf32>
          %swap3A_517 = arith.index_cast %scan3A_429 : i32 to index
          %swap3A_518 = arith.constant 64 : index
          %swap3A_519 = tpu.vector_load %arg23[%swap3A_517, %swap3A_518] {strides = array<i32>} : memref<40x128xf32, #tpu.memory_space<vmem>>, vector<1x16xf32>,
          %swap3A_520 = vector.shape_cast %swap3A_519 : vector<1x16xf32> to vector<16xf32>
          %swap3A_521 = vector.shape_cast %mul3A_516 : vector<16xf32> to vector<1x16xf32>
          tpu.vector_store %arg23[%swap3A_517, %swap3A_518], %swap3A_521 {strides = array<i32>} : memref<40x128xf32, #tpu.memory_space<vmem>>, vector<1x16xf32>,
          %get3A_522 = arith.index_cast %scan3A_429 : i32 to index
          %get3A_523 = arith.constant 64 : index
          %get3A_524 = tpu.vector_load %arg25[%get3A_522, %get3A_523] {strides = array<i32>} : memref<40x128xf32, #tpu.memory_space<vmem>>, vector<1x16xf32>,
          %get3A_525 = vector.shape_cast %get3A_524 : vector<1x16xf32> to vector<16xf32>
          %mul3A_526 = arith.mulf %get3A_525, %broadcast_in_dim3A : vector<16xf32>
          %swap3A_527 = arith.index_cast %scan3A_429 : i32 to index
          %swap3A_528 = arith.constant 64 : index
          %swap3A_529 = tpu.vector_load %arg25[%swap3A_527, %swap3A_528] {strides = array<i32>} : memref<40x128xf32, #tpu.memory_space<vmem>>, vector<1x16xf32>,
          %swap3A_530 = vector.shape_cast %swap3A_529 : vector<1x16xf32> to vector<16xf32>
          %swap3A_531 = vector.shape_cast %mul3A_526 : vector<16xf32> to vector<1x16xf32>
          tpu.vector_store %arg25[%swap3A_527, %swap3A_528], %swap3A_531 {strides = array<i32>} : memref<40x128xf32, #tpu.memory_space<vmem>>, vector<1x16xf32>,
          %get3A_532 = arith.index_cast %scan3A_429 : i32 to index
          %get3A_533 = arith.constant 80 : index
          %get3A_534 = tpu.vector_load %arg23[%get3A_532, %get3A_533] {strides = array<i32>} : memref<40x128xf32, #tpu.memory_space<vmem>>, vector<1x16xf32>,
          %get3A_535 = vector.shape_cast %get3A_534 : vector<1x16xf32> to vector<16xf32>
          %mul3A_536 = arith.mulf %get3A_535, %broadcast_in_dim3A : vector<16xf32>
          %swap3A_537 = arith.index_cast %scan3A_429 : i32 to index
          %swap3A_538 = arith.constant 80 : index
          %swap3A_539 = tpu.vector_load %arg23[%swap3A_537, %swap3A_538] {strides = array<i32>} : memref<40x128xf32, #tpu.memory_space<vmem>>, vector<1x16xf32>,
          %swap3A_540 = vector.shape_cast %swap3A_539 : vector<1x16xf32> to vector<16xf32>
          %swap3A_541 = vector.shape_cast %mul3A_536 : vector<16xf32> to vector<1x16xf32>
          tpu.vector_store %arg23[%swap3A_537, %swap3A_538], %swap3A_541 {strides = array<i32>} : memref<40x128xf32, #tpu.memory_space<vmem>>, vector<1x16xf32>,
          %get3A_542 = arith.index_cast %scan3A_429 : i32 to index
          %get3A_543 = arith.constant 80 : index
          %get3A_544 = tpu.vector_load %arg25[%get3A_542, %get3A_543] {strides = array<i32>} : memref<40x128xf32, #tpu.memory_space<vmem>>, vector<1x16xf32>,
          %get3A_545 = vector.shape_cast %get3A_544 : vector<1x16xf32> to vector<16xf32>
          %mul3A_546 = arith.mulf %get3A_545, %broadcast_in_dim3A : vector<16xf32>
          %swap3A_547 = arith.index_cast %scan3A_429 : i32 to index
          %swap3A_548 = arith.constant 80 : index
          %swap3A_549 = tpu.vector_load %arg25[%swap3A_547, %swap3A_548] {strides = array<i32>} : memref<40x128xf32, #tpu.memory_space<vmem>>, vector<1x16xf32>,
          %swap3A_550 = vector.shape_cast %swap3A_549 : vector<1x16xf32> to vector<16xf32>
          %swap3A_551 = vector.shape_cast %mul3A_546 : vector<16xf32> to vector<1x16xf32>
          tpu.vector_store %arg25[%swap3A_547, %swap3A_548], %swap3A_551 {strides = array<i32>} : memref<40x128xf32, #tpu.memory_space<vmem>>, vector<1x16xf32>,
          %get3A_552 = arith.index_cast %scan3A_429 : i32 to index
          %get3A_553 = arith.constant 96 : index
          %get3A_554 = tpu.vector_load %arg23[%get3A_552, %get3A_553] {strides = array<i32>} : memref<40x128xf32, #tpu.memory_space<vmem>>, vector<1x16xf32>,
          %get3A_555 = vector.shape_cast %get3A_554 : vector<1x16xf32> to vector<16xf32>
          %mul3A_556 = arith.mulf %get3A_555, %broadcast_in_dim3A : vector<16xf32>
          %swap3A_557 = arith.index_cast %scan3A_429 : i32 to index
          %swap3A_558 = arith.constant 96 : index
          %swap3A_559 = tpu.vector_load %arg23[%swap3A_557, %swap3A_558] {strides = array<i32>} : memref<40x128xf32, #tpu.memory_space<vmem>>, vector<1x16xf32>,
          %swap3A_560 = vector.shape_cast %swap3A_559 : vector<1x16xf32> to vector<16xf32>
          %swap3A_561 = vector.shape_cast %mul3A_556 : vector<16xf32> to vector<1x16xf32>
          tpu.vector_store %arg23[%swap3A_557, %swap3A_558], %swap3A_561 {strides = array<i32>} : memref<40x128xf32, #tpu.memory_space<vmem>>, vector<1x16xf32>,
          %get3A_562 = arith.index_cast %scan3A_429 : i32 to index
          %get3A_563 = arith.constant 96 : index
          %get3A_564 = tpu.vector_load %arg25[%get3A_562, %get3A_563] {strides = array<i32>} : memref<40x128xf32, #tpu.memory_space<vmem>>, vector<1x16xf32>,
          %get3A_565 = vector.shape_cast %get3A_564 : vector<1x16xf32> to vector<16xf32>
          %mul3A_566 = arith.mulf %get3A_565, %broadcast_in_dim3A : vector<16xf32>
          %swap3A_567 = arith.index_cast %scan3A_429 : i32 to index
          %swap3A_568 = arith.constant 96 : index
          %swap3A_569 = tpu.vector_load %arg25[%swap3A_567, %swap3A_568] {strides = array<i32>} : memref<40x128xf32, #tpu.memory_space<vmem>>, vector<1x16xf32>,
          %swap3A_570 = vector.shape_cast %swap3A_569 : vector<1x16xf32> to vector<16xf32>
          %swap3A_571 = vector.shape_cast %mul3A_566 : vector<16xf32> to vector<1x16xf32>
          tpu.vector_store %arg25[%swap3A_567, %swap3A_568], %swap3A_571 {strides = array<i32>} : memref<40x128xf32, #tpu.memory_space<vmem>>, vector<1x16xf32>,
          %get3A_572 = arith.index_cast %scan3A_429 : i32 to index
          %get3A_573 = arith.constant 112 : index
          %get3A_574 = tpu.vector_load %arg23[%get3A_572, %get3A_573] {strides = array<i32>} : memref<40x128xf32, #tpu.memory_space<vmem>>, vector<1x16xf32>,
          %get3A_575 = vector.shape_cast %get3A_574 : vector<1x16xf32> to vector<16xf32>
          %mul3A_576 = arith.mulf %get3A_575, %broadcast_in_dim3A : vector<16xf32>
          %swap3A_577 = arith.index_cast %scan3A_429 : i32 to index
          %swap3A_578 = arith.constant 112 : index
          %swap3A_579 = tpu.vector_load %arg23[%swap3A_577, %swap3A_578] {strides = array<i32>} : memref<40x128xf32, #tpu.memory_space<vmem>>, vector<1x16xf32>,
          %swap3A_580 = vector.shape_cast %swap3A_579 : vector<1x16xf32> to vector<16xf32>
          %swap3A_581 = vector.shape_cast %mul3A_576 : vector<16xf32> to vector<1x16xf32>
          tpu.vector_store %arg23[%swap3A_577, %swap3A_578], %swap3A_581 {strides = array<i32>} : memref<40x128xf32, #tpu.memory_space<vmem>>, vector<1x16xf32>,
          %get3A_582 = arith.index_cast %scan3A_429 : i32 to index
          %get3A_583 = arith.constant 112 : index
          %get3A_584 = tpu.vector_load %arg25[%get3A_582, %get3A_583] {strides = array<i32>} : memref<40x128xf32, #tpu.memory_space<vmem>>, vector<1x16xf32>,
          %get3A_585 = vector.shape_cast %get3A_584 : vector<1x16xf32> to vector<16xf32>
          %mul3A_586 = arith.mulf %get3A_585, %broadcast_in_dim3A : vector<16xf32>
          %swap3A_587 = arith.index_cast %scan3A_429 : i32 to index
          %swap3A_588 = arith.constant 112 : index
          %swap3A_589 = tpu.vector_load %arg25[%swap3A_587, %swap3A_588] {strides = array<i32>} : memref<40x128xf32, #tpu.memory_space<vmem>>, vector<1x16xf32>,
          %swap3A_590 = vector.shape_cast %swap3A_589 : vector<1x16xf32> to vector<16xf32>
          %swap3A_591 = vector.shape_cast %mul3A_586 : vector<16xf32> to vector<1x16xf32>
          tpu.vector_store %arg25[%swap3A_587, %swap3A_588], %swap3A_591 {strides = array<i32>} : memref<40x128xf32, #tpu.memory_space<vmem>>, vector<1x16xf32>,
          %scan3A_592 = arith.constant 0 : i32
          scf.yield %scan3A_592 : i32
        }
        %scan3A_404 = arith.constant 40 : i32
        %sub3A_405 = arith.constant 1 : i32
        %sub3A_406 = arith.subi %add3A_375, %sub3A_405 : i32
        %ge3A_407 = arith.constant 0 : i32
        %ge3A_408 = arith.cmpi sge, %sub3A_406, %ge3A_407 : i32
        %convert_element_type3A_409 = arith.extui %ge3A_408 : i1 to i32
        %cond3A_410 = arith.constant 0 : i32
        %cond3A_411 = arith.cmpi ne, %convert_element_type3A_409, %cond3A_410 : i32
        scf.if %cond3A_411 {
          %mul3A_429 = arith.constant 20000 : i32
          %mul3A_430 = arith.muli %arg1, %mul3A_429 : i32
          %mul3A_431 = arith.constant 40 : i32
          %mul3A_432 = arith.muli %sub3A_406, %mul3A_431 : i32
          %add3A_433 = arith.addi %mul3A_430, %mul3A_432 : i32
          %add3A_434 = arith.constant 320000 : i32
          %add3A_435 = arith.addi %add3A_434, %add3A_433 : i32
          %dma_wait3A_436 = arith.constant 0 : i32
          %dma_wait3A_437 = tpu.memref_slice %arg9[%add3A_435, %dma_wait3A_436] : memref<661600x128xf32, #tpu.memory_space<hbm>> -> memref<40x128xf32, #tpu.memory_space<hbm>>
          %dma_wait3A_438 = arith.constant 0 : i32
          %dma_wait3A_439 = tpu.memref_slice %arg9[%add3A_435, %dma_wait3A_438] : memref<661600x128xf32, #tpu.memory_space<hbm>> -> memref<40x128xf32, #tpu.memory_space<hbm>>
          tpu.wait_dma2 semaphore(%arg31 : memref<!tpu.dma_semaphore, #tpu.memory_space<semaphore_mem>>) src(%arg24 : memref<40x128xf32, #tpu.memory_space<vmem>>) dst(%dma_wait3A_439 : memref<40x128xf32, #tpu.memory_space<hbm>>)
        } else {
        }
        %add3A_412 = arith.constant 1 : i32
        %add3A_413 = arith.addi %add3A_375, %add3A_412 : i32
        %lt3A_414 = arith.constant 500 : i32
        %lt3A_415 = arith.cmpi slt, %add3A_413, %lt3A_414 : i32
        %convert_element_type3A_416 = arith.extui %lt3A_415 : i1 to i32
        %cond3A_417 = arith.constant 0 : i32
        %cond3A_418 = arith.cmpi ne, %convert_element_type3A_416, %cond3A_417 : i32
        scf.if %cond3A_418 {
          %add3A_429 = arith.constant 1 : i32
          %add3A_430 = arith.addi %add3A_375, %add3A_429 : i32
          %mul3A_431 = arith.constant 20000 : i32
          %mul3A_432 = arith.muli %arg1, %mul3A_431 : i32
          %mul3A_433 = arith.constant 40 : i32
          %mul3A_434 = arith.muli %add3A_430, %mul3A_433 : i32
          %add3A_435 = arith.addi %mul3A_432, %mul3A_434 : i32
          %dma_wait3A_436 = arith.constant 0 : i32
          %dma_wait3A_437 = tpu.memref_slice %arg20[%dma_wait3A_436] : memref<56xf32, #tpu.memory_space<vmem>> -> memref<40xf32, #tpu.memory_space<vmem>>
          %dma_wait3A_438 = tpu.memref_slice %arg6[%add3A_435] : memref<320000xf32, #tpu.memory_space<hbm>> -> memref<40xf32, #tpu.memory_space<hbm>>
          %dma_wait3A_439 = arith.constant 0 : i32
          %dma_wait3A_440 = tpu.memref_slice %arg20[%dma_wait3A_439] : memref<56xf32, #tpu.memory_space<vmem>> -> memref<40xf32, #tpu.memory_space<vmem>>
          %dma_wait3A_441 = tpu.memref_slice %arg6[%add3A_435] : memref<320000xf32, #tpu.memory_space<hbm>> -> memref<40xf32, #tpu.memory_space<hbm>>
          tpu.wait_dma2 semaphore(%arg27 : memref<!tpu.dma_semaphore, #tpu.memory_space<semaphore_mem>>) src(%dma_wait3A_441 : memref<40xf32, #tpu.memory_space<hbm>>) dst(%dma_wait3A_440 : memref<40xf32, #tpu.memory_space<vmem>>)
          %dma_wait3A_442 = tpu.memref_slice %arg4[%add3A_435] : memref<320000xi32, #tpu.memory_space<hbm>> -> memref<40xi32, #tpu.memory_space<hbm>>
          %dma_wait3A_443 = tpu.memref_slice %arg4[%add3A_435] : memref<320000xi32, #tpu.memory_space<hbm>> -> memref<40xi32, #tpu.memory_space<hbm>>
          tpu.wait_dma2 semaphore(%arg27 : memref<!tpu.dma_semaphore, #tpu.memory_space<semaphore_mem>>) src(%dma_wait3A_443 : memref<40xi32, #tpu.memory_space<hbm>>) dst(%arg12 : memref<40xi32, #tpu.memory_space<vmem>>)
          %dma_wait3A_444 = arith.constant 0 : i32
          %dma_wait3A_445 = tpu.memref_slice %arg8[%add3A_435, %dma_wait3A_444] : memref<320000x128xf32, #tpu.memory_space<hbm>> -> memref<40x128xf32, #tpu.memory_space<hbm>>
          %dma_wait3A_446 = arith.constant 0 : i32
          %dma_wait3A_447 = tpu.memref_slice %arg8[%add3A_435, %dma_wait3A_446] : memref<320000x128xf32, #tpu.memory_space<hbm>> -> memref<40x128xf32, #tpu.memory_space<hbm>>
          tpu.wait_dma2 semaphore(%arg27 : memref<!tpu.dma_semaphore, #tpu.memory_space<semaphore_mem>>) src(%dma_wait3A_447 : memref<40x128xf32, #tpu.memory_space<hbm>>) dst(%arg22 : memref<40x128xf32, #tpu.memory_space<vmem>>)
          %dma_start3A_448 = arith.constant 0 : i32
          %dma_start3A_449 = arith.constant 0 : i32
          %dma_start3A_450 = tpu.memref_slice %arg7[%dma_start3A_448, %dma_start3A_449] : memref<10000x128xf32, #tpu.memory_space<hbm>> -> memref<10000x128xf32, #tpu.memory_space<hbm>>
          tpu.enqueue_indirect_dma source(%dma_start3A_450 : memref<10000x128xf32, #tpu.memory_space<hbm>>) target(%arg24 : memref<40x128xf32, #tpu.memory_space<vmem>>) offsets(%arg12 : memref<40xi32, #tpu.memory_space<vmem>>) semaphore(%arg29 : memref<!tpu.dma_semaphore, #tpu.memory_space<semaphore_mem>>)
        } else {
        }
        %add3A_419 = arith.constant 320000 : i32
        %add3A_420 = arith.addi %add3A_419, %add3A_394 : i32
        %dma_start3A_421 = arith.constant 0 : i32
        %dma_start3A_422 = tpu.memref_slice %arg9[%add3A_420, %dma_start3A_421] : memref<661600x128xf32, #tpu.memory_space<hbm>> -> memref<40x128xf32, #tpu.memory_space<hbm>>
        %dma_start3A_423 = arith.constant 0 : i32
        %dma_start3A_424 = tpu.memref_slice %arg9[%add3A_420, %dma_start3A_423] : memref<661600x128xf32, #tpu.memory_space<hbm>> -> memref<40x128xf32, #tpu.memory_space<hbm>>
        tpu.enqueue_dma source(%arg25 : memref<40x128xf32, #tpu.memory_space<vmem>>) target(%dma_start3A_424 : memref<40x128xf32, #tpu.memory_space<hbm>>) target_semaphore(%arg32 : memref<!tpu.dma_semaphore, #tpu.memory_space<semaphore_mem>>)
        %dma_start3A_425 = arith.constant 0 : i32
        %dma_start3A_426 = arith.constant 0 : i32
        %dma_start3A_427 = tpu.memref_slice %arg10[%dma_start3A_425, %dma_start3A_426] : memref<10000x128xf32, #tpu.memory_space<vmem_shared>> -> memref<10000x128xf32, #tpu.memory_space<vmem_shared>>
        tpu.enqueue_indirect_dma source(%arg23 : memref<40x128xf32, #tpu.memory_space<vmem>>) target(%dma_start3A_427 : memref<10000x128xf32, #tpu.memory_space<vmem_shared>>) offsets(%arg13 : memref<40xi32, #tpu.memory_space<vmem>>) semaphore(%arg34 : memref<!tpu.dma_semaphore, #tpu.memory_space<semaphore_mem>>) {add = true}
        %scan3A_428 = arith.constant 0 : i32
        scf.yield %scan3A_428 : i32
      }
      %scan3A_304 = arith.constant 250 : i32
      %mul3A_305 = arith.constant 20000 : i32
      %mul3A_306 = arith.muli %arg1, %mul3A_305 : i32
      %add3A_307 = arith.constant 19960 : i32
      %add3A_308 = arith.addi %mul3A_306, %add3A_307 : i32
      %add3A_309 = arith.constant 320000 : i32
      %add3A_310 = arith.addi %add3A_309, %add3A_308 : i32
      %dma_wait3A_311 = arith.constant 0 : i32
      %dma_wait3A_312 = tpu.memref_slice %arg9[%add3A_310, %dma_wait3A_311] : memref<661600x128xf32, #tpu.memory_space<hbm>> -> memref<40x128xf32, #tpu.memory_space<hbm>>
      %dma_wait3A_313 = arith.constant 0 : i32
      %dma_wait3A_314 = tpu.memref_slice %arg9[%add3A_310, %dma_wait3A_313] : memref<661600x128xf32, #tpu.memory_space<hbm>> -> memref<40x128xf32, #tpu.memory_space<hbm>>
      tpu.wait_dma2 semaphore(%arg32 : memref<!tpu.dma_semaphore, #tpu.memory_space<semaphore_mem>>) src(%arg25 : memref<40x128xf32, #tpu.memory_space<vmem>>) dst(%dma_wait3A_314 : memref<40x128xf32, #tpu.memory_space<hbm>>)
      %dma_wait3A_315 = arith.constant 0 : i32
      %dma_wait3A_316 = arith.constant 0 : i32
      %dma_wait3A_317 = tpu.memref_slice %arg10[%dma_wait3A_315, %dma_wait3A_316] : memref<10000x128xf32, #tpu.memory_space<vmem_shared>> -> memref<10000x128xf32, #tpu.memory_space<vmem_shared>>
      tpu.wait_indirect_dma semaphore(%arg34 : memref<!tpu.dma_semaphore, #tpu.memory_space<semaphore_mem>>) src(%arg23 : memref<40x128xf32, #tpu.memory_space<vmem>>) dst(%dma_wait3A_317 : memref<10000x128xf32, #tpu.memory_space<vmem_shared>>)
    } else {
    }
    %eq3A_139 = arith.constant 1 : i32
    %eq3A_140 = arith.cmpi eq, %arg0, %eq3A_139 : i32
    %convert_element_type3A_141 = arith.extui %eq3A_140 : i1 to i32
    %cond3A_142 = arith.constant 0 : i32
    %cond3A_143 = arith.cmpi ne, %convert_element_type3A_141, %cond3A_142 : i32
    scf.if %cond3A_143 {
      %mul3A_265 = arith.constant 20000 : i32
      %mul3A_266 = arith.muli %arg1, %mul3A_265 : i32
      %add3A_267 = arith.constant 0 : i32
      %add3A_268 = arith.addi %mul3A_266, %add3A_267 : i32
      %dma_start3A = arith.constant 0 : i32
      %dma_start3A_269 = tpu.memref_slice %arg20[%dma_start3A] : memref<56xf32, #tpu.memory_space<vmem>> -> memref<40xf32, #tpu.memory_space<vmem>>
      %dma_start3A_270 = tpu.memref_slice %arg6[%add3A_268] : memref<320000xf32, #tpu.memory_space<hbm>> -> memref<40xf32, #tpu.memory_space<hbm>>
      %dma_start3A_271 = arith.constant 0 : i32
      %dma_start3A_272 = tpu.memref_slice %arg20[%dma_start3A_271] : memref<56xf32, #tpu.memory_space<vmem>> -> memref<40xf32, #tpu.memory_space<vmem>>
      %dma_start3A_273 = tpu.memref_slice %arg6[%add3A_268] : memref<320000xf32, #tpu.memory_space<hbm>> -> memref<40xf32, #tpu.memory_space<hbm>>
      tpu.enqueue_dma source(%dma_start3A_273 : memref<40xf32, #tpu.memory_space<hbm>>) target(%dma_start3A_272 : memref<40xf32, #tpu.memory_space<vmem>>) target_semaphore(%arg27 : memref<!tpu.dma_semaphore, #tpu.memory_space<semaphore_mem>>)
      %dma_start3A_274 = tpu.memref_slice %arg2[%add3A_268] : memref<320000xi32, #tpu.memory_space<hbm>> -> memref<40xi32, #tpu.memory_space<hbm>>
      %dma_start3A_275 = tpu.memref_slice %arg2[%add3A_268] : memref<320000xi32, #tpu.memory_space<hbm>> -> memref<40xi32, #tpu.memory_space<hbm>>
      tpu.enqueue_dma source(%dma_start3A_275 : memref<40xi32, #tpu.memory_space<hbm>>) target(%arg12 : memref<40xi32, #tpu.memory_space<vmem>>) target_semaphore(%arg27 : memref<!tpu.dma_semaphore, #tpu.memory_space<semaphore_mem>>)
      %dma_start3A_276 = arith.constant 0 : i32
      %dma_start3A_277 = tpu.memref_slice %arg8[%add3A_268, %dma_start3A_276] : memref<320000x128xf32, #tpu.memory_space<hbm>> -> memref<40x128xf32, #tpu.memory_space<hbm>>
      %dma_start3A_278 = arith.constant 0 : i32
      %dma_start3A_279 = tpu.memref_slice %arg8[%add3A_268, %dma_start3A_278] : memref<320000x128xf32, #tpu.memory_space<hbm>> -> memref<40x128xf32, #tpu.memory_space<hbm>>
      tpu.enqueue_dma source(%dma_start3A_279 : memref<40x128xf32, #tpu.memory_space<hbm>>) target(%arg22 : memref<40x128xf32, #tpu.memory_space<vmem>>) target_semaphore(%arg27 : memref<!tpu.dma_semaphore, #tpu.memory_space<semaphore_mem>>)
      %dma_start3A_280 = tpu.memref_slice %arg3[%add3A_268] : memref<320000xi32, #tpu.memory_space<hbm>> -> memref<40xi32, #tpu.memory_space<hbm>>
      %dma_start3A_281 = tpu.memref_slice %arg3[%add3A_268] : memref<320000xi32, #tpu.memory_space<hbm>> -> memref<40xi32, #tpu.memory_space<hbm>>
      tpu.enqueue_dma source(%dma_start3A_281 : memref<40xi32, #tpu.memory_space<hbm>>) target(%arg16 : memref<40xi32, #tpu.memory_space<vmem>>) target_semaphore(%arg27 : memref<!tpu.dma_semaphore, #tpu.memory_space<semaphore_mem>>)
      %dma_start3A_282 = tpu.memref_slice %arg5[%add3A_268] : memref<320000xi32, #tpu.memory_space<hbm>> -> memref<40xi32, #tpu.memory_space<hbm>>
      %dma_start3A_283 = tpu.memref_slice %arg5[%add3A_268] : memref<320000xi32, #tpu.memory_space<hbm>> -> memref<40xi32, #tpu.memory_space<hbm>>
      tpu.enqueue_dma source(%dma_start3A_283 : memref<40xi32, #tpu.memory_space<hbm>>) target(%arg18 : memref<40xi32, #tpu.memory_space<vmem>>) target_semaphore(%arg27 : memref<!tpu.dma_semaphore, #tpu.memory_space<semaphore_mem>>)
      %mul3A_284 = arith.constant 20000 : i32
      %mul3A_285 = arith.muli %arg1, %mul3A_284 : i32
      %add3A_286 = arith.constant 0 : i32
      %add3A_287 = arith.addi %mul3A_285, %add3A_286 : i32
      %dma_wait3A = arith.constant 0 : i32
      %dma_wait3A_288 = tpu.memref_slice %arg20[%dma_wait3A] : memref<56xf32, #tpu.memory_space<vmem>> -> memref<40xf32, #tpu.memory_space<vmem>>
      %dma_wait3A_289 = tpu.memref_slice %arg6[%add3A_287] : memref<320000xf32, #tpu.memory_space<hbm>> -> memref<40xf32, #tpu.memory_space<hbm>>
      %dma_wait3A_290 = arith.constant 0 : i32
      %dma_wait3A_291 = tpu.memref_slice %arg20[%dma_wait3A_290] : memref<56xf32, #tpu.memory_space<vmem>> -> memref<40xf32, #tpu.memory_space<vmem>>
      %dma_wait3A_292 = tpu.memref_slice %arg6[%add3A_287] : memref<320000xf32, #tpu.memory_space<hbm>> -> memref<40xf32, #tpu.memory_space<hbm>>
      tpu.wait_dma2 semaphore(%arg27 : memref<!tpu.dma_semaphore, #tpu.memory_space<semaphore_mem>>) src(%dma_wait3A_292 : memref<40xf32, #tpu.memory_space<hbm>>) dst(%dma_wait3A_291 : memref<40xf32, #tpu.memory_space<vmem>>)
      %dma_wait3A_293 = tpu.memref_slice %arg2[%add3A_287] : memref<320000xi32, #tpu.memory_space<hbm>> -> memref<40xi32, #tpu.memory_space<hbm>>
      %dma_wait3A_294 = tpu.memref_slice %arg2[%add3A_287] : memref<320000xi32, #tpu.memory_space<hbm>> -> memref<40xi32, #tpu.memory_space<hbm>>
      tpu.wait_dma2 semaphore(%arg27 : memref<!tpu.dma_semaphore, #tpu.memory_space<semaphore_mem>>) src(%dma_wait3A_294 : memref<40xi32, #tpu.memory_space<hbm>>) dst(%arg12 : memref<40xi32, #tpu.memory_space<vmem>>)
      %dma_wait3A_295 = arith.constant 0 : i32
      %dma_wait3A_296 = tpu.memref_slice %arg8[%add3A_287, %dma_wait3A_295] : memref<320000x128xf32, #tpu.memory_space<hbm>> -> memref<40x128xf32, #tpu.memory_space<hbm>>
      %dma_wait3A_297 = arith.constant 0 : i32
      %dma_wait3A_298 = tpu.memref_slice %arg8[%add3A_287, %dma_wait3A_297] : memref<320000x128xf32, #tpu.memory_space<hbm>> -> memref<40x128xf32, #tpu.memory_space<hbm>>
      tpu.wait_dma2 semaphore(%arg27 : memref<!tpu.dma_semaphore, #tpu.memory_space<semaphore_mem>>) src(%dma_wait3A_298 : memref<40x128xf32, #tpu.memory_space<hbm>>) dst(%arg22 : memref<40x128xf32, #tpu.memory_space<vmem>>)
      %dma_wait3A_299 = tpu.memref_slice %arg3[%add3A_287] : memref<320000xi32, #tpu.memory_space<hbm>> -> memref<40xi32, #tpu.memory_space<hbm>>
      %dma_wait3A_300 = tpu.memref_slice %arg3[%add3A_287] : memref<320000xi32, #tpu.memory_space<hbm>> -> memref<40xi32, #tpu.memory_space<hbm>>
      tpu.wait_dma2 semaphore(%arg27 : memref<!tpu.dma_semaphore, #tpu.memory_space<semaphore_mem>>) src(%dma_wait3A_300 : memref<40xi32, #tpu.memory_space<hbm>>) dst(%arg16 : memref<40xi32, #tpu.memory_space<vmem>>)
      %dma_wait3A_301 = tpu.memref_slice %arg5[%add3A_287] : memref<320000xi32, #tpu.memory_space<hbm>> -> memref<40xi32, #tpu.memory_space<hbm>>
      %dma_wait3A_302 = tpu.memref_slice %arg5[%add3A_287] : memref<320000xi32, #tpu.memory_space<hbm>> -> memref<40xi32, #tpu.memory_space<hbm>>
      tpu.wait_dma2 semaphore(%arg27 : memref<!tpu.dma_semaphore, #tpu.memory_space<semaphore_mem>>) src(%dma_wait3A_302 : memref<40xi32, #tpu.memory_space<hbm>>) dst(%arg18 : memref<40xi32, #tpu.memory_space<vmem>>)
      %dma_start3A_303 = arith.constant 0 : i32
      %dma_start3A_304 = arith.constant 0 : i32
      %dma_start3A_305 = tpu.memref_slice %arg7[%dma_start3A_303, %dma_start3A_304] : memref<10000x128xf32, #tpu.memory_space<hbm>> -> memref<10000x128xf32, #tpu.memory_space<hbm>>
      tpu.enqueue_indirect_dma source(%dma_start3A_305 : memref<10000x128xf32, #tpu.memory_space<hbm>>) target(%arg24 : memref<40x128xf32, #tpu.memory_space<vmem>>) offsets(%arg12 : memref<40xi32, #tpu.memory_space<vmem>>) semaphore(%arg29 : memref<!tpu.dma_semaphore, #tpu.memory_space<semaphore_mem>>)
      %scan3A_306 = arith.constant 0 : i32
      %scan3A_307 = arith.constant 0 : i32
      %scan3A_308 = arith.constant 250 : i32
      %scan3A_309 = arith.addi %scan3A_307, %scan3A_308 : i32
      %scan3A_310 = arith.constant 1 : i32
      %scan3A_311 = scf.for %scan3A_329 = %scan3A_307 to %scan3A_309 step %scan3A_310 iter_args(%scan3A_330 = %scan3A_306) -> (i32)  : i32 {
        %mul3A_331 = arith.constant 2 : i32
        %mul3A_332 = arith.muli %mul3A_331, %scan3A_329 : i32
        %sub3A = arith.constant 1 : i32
        %sub3A_333 = arith.subi %mul3A_332, %sub3A : i32
        %ge3A = arith.constant 0 : i32
        %ge3A_334 = arith.cmpi sge, %sub3A_333, %ge3A : i32
        %convert_element_type3A_335 = arith.extui %ge3A_334 : i1 to i32
        %cond3A_336 = arith.constant 0 : i32
        %cond3A_337 = arith.cmpi ne, %convert_element_type3A_335, %cond3A_336 : i32
        scf.if %cond3A_337 {
          %dma_wait3A_528 = arith.constant 0 : i32
          %dma_wait3A_529 = arith.constant 0 : i32
          %dma_wait3A_530 = tpu.memref_slice %arg10[%dma_wait3A_528, %dma_wait3A_529] : memref<10000x128xf32, #tpu.memory_space<vmem_shared>> -> memref<10000x128xf32, #tpu.memory_space<vmem_shared>>
          tpu.wait_indirect_dma semaphore(%arg34 : memref<!tpu.dma_semaphore, #tpu.memory_space<semaphore_mem>>) src(%arg23 : memref<40x128xf32, #tpu.memory_space<vmem>>) dst(%dma_wait3A_530 : memref<10000x128xf32, #tpu.memory_space<vmem_shared>>)
          %dma_wait3A_531 = arith.constant 0 : i32
          %dma_wait3A_532 = arith.constant 0 : i32
          %dma_wait3A_533 = tpu.memref_slice %arg11[%dma_wait3A_531, %dma_wait3A_532] : memref<1600x128xf32, #tpu.memory_space<vmem_shared>> -> memref<1600x128xf32, #tpu.memory_space<vmem_shared>>
          tpu.wait_indirect_dma semaphore(%arg34 : memref<!tpu.dma_semaphore, #tpu.memory_space<semaphore_mem>>) src(%arg23 : memref<40x128xf32, #tpu.memory_space<vmem>>) dst(%dma_wait3A_533 : memref<1600x128xf32, #tpu.memory_space<vmem_shared>>)
        } else {
        }
        %add3A_338 = arith.constant 1 : i32
        %add3A_339 = arith.addi %mul3A_332, %add3A_338 : i32
        %lt3A_340 = arith.constant 500 : i32
        %lt3A_341 = arith.cmpi slt, %add3A_339, %lt3A_340 : i32
        %convert_element_type3A_342 = arith.extui %lt3A_341 : i1 to i32
        %cond3A_343 = arith.constant 0 : i32
        %cond3A_344 = arith.cmpi ne, %convert_element_type3A_342, %cond3A_343 : i32
        scf.if %cond3A_344 {
          %mul3A_528 = arith.constant 20000 : i32
          %mul3A_529 = arith.muli %arg1, %mul3A_528 : i32
          %mul3A_530 = arith.constant 40 : i32
          %mul3A_531 = arith.muli %add3A_339, %mul3A_530 : i32
          %add3A_532 = arith.addi %mul3A_529, %mul3A_531 : i32
          %dma_start3A_533 = arith.constant 0 : i32
          %dma_start3A_534 = tpu.memref_slice %arg21[%dma_start3A_533] : memref<56xf32, #tpu.memory_space<vmem>> -> memref<40xf32, #tpu.memory_space<vmem>>
          %dma_start3A_535 = tpu.memref_slice %arg6[%add3A_532] : memref<320000xf32, #tpu.memory_space<hbm>> -> memref<40xf32, #tpu.memory_space<hbm>>
          %dma_start3A_536 = arith.constant 0 : i32
          %dma_start3A_537 = tpu.memref_slice %arg21[%dma_start3A_536] : memref<56xf32, #tpu.memory_space<vmem>> -> memref<40xf32, #tpu.memory_space<vmem>>
          %dma_start3A_538 = tpu.memref_slice %arg6[%add3A_532] : memref<320000xf32, #tpu.memory_space<hbm>> -> memref<40xf32, #tpu.memory_space<hbm>>
          tpu.enqueue_dma source(%dma_start3A_538 : memref<40xf32, #tpu.memory_space<hbm>>) target(%dma_start3A_537 : memref<40xf32, #tpu.memory_space<vmem>>) target_semaphore(%arg28 : memref<!tpu.dma_semaphore, #tpu.memory_space<semaphore_mem>>)
          %dma_start3A_539 = tpu.memref_slice %arg2[%add3A_532] : memref<320000xi32, #tpu.memory_space<hbm>> -> memref<40xi32, #tpu.memory_space<hbm>>
          %dma_start3A_540 = tpu.memref_slice %arg2[%add3A_532] : memref<320000xi32, #tpu.memory_space<hbm>> -> memref<40xi32, #tpu.memory_space<hbm>>
          tpu.enqueue_dma source(%dma_start3A_540 : memref<40xi32, #tpu.memory_space<hbm>>) target(%arg13 : memref<40xi32, #tpu.memory_space<vmem>>) target_semaphore(%arg28 : memref<!tpu.dma_semaphore, #tpu.memory_space<semaphore_mem>>)
          %dma_start3A_541 = arith.constant 0 : i32
          %dma_start3A_542 = tpu.memref_slice %arg8[%add3A_532, %dma_start3A_541] : memref<320000x128xf32, #tpu.memory_space<hbm>> -> memref<40x128xf32, #tpu.memory_space<hbm>>
          %dma_start3A_543 = arith.constant 0 : i32
          %dma_start3A_544 = tpu.memref_slice %arg8[%add3A_532, %dma_start3A_543] : memref<320000x128xf32, #tpu.memory_space<hbm>> -> memref<40x128xf32, #tpu.memory_space<hbm>>
          tpu.enqueue_dma source(%dma_start3A_544 : memref<40x128xf32, #tpu.memory_space<hbm>>) target(%arg23 : memref<40x128xf32, #tpu.memory_space<vmem>>) target_semaphore(%arg28 : memref<!tpu.dma_semaphore, #tpu.memory_space<semaphore_mem>>)
          %dma_start3A_545 = tpu.memref_slice %arg3[%add3A_532] : memref<320000xi32, #tpu.memory_space<hbm>> -> memref<40xi32, #tpu.memory_space<hbm>>
          %dma_start3A_546 = tpu.memref_slice %arg3[%add3A_532] : memref<320000xi32, #tpu.memory_space<hbm>> -> memref<40xi32, #tpu.memory_space<hbm>>
          tpu.enqueue_dma source(%dma_start3A_546 : memref<40xi32, #tpu.memory_space<hbm>>) target(%arg17 : memref<40xi32, #tpu.memory_space<vmem>>) target_semaphore(%arg28 : memref<!tpu.dma_semaphore, #tpu.memory_space<semaphore_mem>>)
          %dma_start3A_547 = tpu.memref_slice %arg5[%add3A_532] : memref<320000xi32, #tpu.memory_space<hbm>> -> memref<40xi32, #tpu.memory_space<hbm>>
          %dma_start3A_548 = tpu.memref_slice %arg5[%add3A_532] : memref<320000xi32, #tpu.memory_space<hbm>> -> memref<40xi32, #tpu.memory_space<hbm>>
          tpu.enqueue_dma source(%dma_start3A_548 : memref<40xi32, #tpu.memory_space<hbm>>) target(%arg19 : memref<40xi32, #tpu.memory_space<vmem>>) target_semaphore(%arg28 : memref<!tpu.dma_semaphore, #tpu.memory_space<semaphore_mem>>)
        } else {
        }
        %mul3A_345 = arith.constant 20000 : i32
        %mul3A_346 = arith.muli %arg1, %mul3A_345 : i32
        %mul3A_347 = arith.constant 40 : i32
        %mul3A_348 = arith.muli %mul3A_332, %mul3A_347 : i32
        %add3A_349 = arith.addi %mul3A_346, %mul3A_348 : i32
        %get3A = arith.constant 0 : index
        %get3A_350 = tpu.vector_load %arg16[%get3A] {strides = array<i32>} : memref<40xi32, #tpu.memory_space<vmem>>, vector<16xi32>,
        %get3A_351 = vector.shape_cast %get3A_350 : vector<16xi32> to vector<16xi32>
        %get3A_352 = arith.constant 0 : index
        %get3A_353 = tpu.vector_load %arg18[%get3A_352] {strides = array<i32>} : memref<40xi32, #tpu.memory_space<vmem>>, vector<16xi32>,
        %get3A_354 = vector.shape_cast %get3A_353 : vector<16xi32> to vector<16xi32>
        %mul3A_355 = arith.constant 200 : i32
        %mul3A_356 = vector.broadcast %mul3A_355 : i32 to vector<16xi32>
        %mul3A_357 = arith.muli %get3A_354, %mul3A_356 : vector<16xi32>
        %add3A_358 = arith.addi %get3A_351, %mul3A_357 : vector<16xi32>
        %swap3A = arith.constant 0 : index
        %swap3A_359 = tpu.vector_load %arg14[%swap3A] {strides = array<i32>} : memref<40xi32, #tpu.memory_space<vmem>>, vector<16xi32>,
        %swap3A_360 = vector.shape_cast %swap3A_359 : vector<16xi32> to vector<16xi32>
        %swap3A_361 = vector.shape_cast %add3A_358 : vector<16xi32> to vector<16xi32>
        tpu.vector_store %arg14[%swap3A], %swap3A_361 {strides = array<i32>} : memref<40xi32, #tpu.memory_space<vmem>>, vector<16xi32>,
        %get3A_362 = arith.constant 16 : index
        %get3A_363 = tpu.vector_load %arg16[%get3A_362] {strides = array<i32>} : memref<40xi32, #tpu.memory_space<vmem>>, vector<16xi32>,
        %get3A_364 = vector.shape_cast %get3A_363 : vector<16xi32> to vector<16xi32>
        %get3A_365 = arith.constant 16 : index
        %get3A_366 = tpu.vector_load %arg18[%get3A_365] {strides = array<i32>} : memref<40xi32, #tpu.memory_space<vmem>>, vector<16xi32>,
        %get3A_367 = vector.shape_cast %get3A_366 : vector<16xi32> to vector<16xi32>
        %mul3A_368 = arith.constant 200 : i32
        %mul3A_369 = vector.broadcast %mul3A_368 : i32 to vector<16xi32>
        %mul3A_370 = arith.muli %get3A_367, %mul3A_369 : vector<16xi32>
        %add3A_371 = arith.addi %get3A_364, %mul3A_370 : vector<16xi32>
        %swap3A_372 = arith.constant 16 : index
        %swap3A_373 = tpu.vector_load %arg14[%swap3A_372] {strides = array<i32>} : memref<40xi32, #tpu.memory_space<vmem>>, vector<16xi32>,
        %swap3A_374 = vector.shape_cast %swap3A_373 : vector<16xi32> to vector<16xi32>
        %swap3A_375 = vector.shape_cast %add3A_371 : vector<16xi32> to vector<16xi32>
        tpu.vector_store %arg14[%swap3A_372], %swap3A_375 {strides = array<i32>} : memref<40xi32, #tpu.memory_space<vmem>>, vector<16xi32>,
        %get3A_376 = arith.constant 24 : index
        %get3A_377 = tpu.vector_load %arg16[%get3A_376] {strides = array<i32>} : memref<40xi32, #tpu.memory_space<vmem>>, vector<16xi32>,
        %get3A_378 = vector.shape_cast %get3A_377 : vector<16xi32> to vector<16xi32>
        %get3A_379 = arith.constant 24 : index
        %get3A_380 = tpu.vector_load %arg18[%get3A_379] {strides = array<i32>} : memref<40xi32, #tpu.memory_space<vmem>>, vector<16xi32>,
        %get3A_381 = vector.shape_cast %get3A_380 : vector<16xi32> to vector<16xi32>
        %mul3A_382 = arith.constant 200 : i32
        %mul3A_383 = vector.broadcast %mul3A_382 : i32 to vector<16xi32>
        %mul3A_384 = arith.muli %get3A_381, %mul3A_383 : vector<16xi32>
        %add3A_385 = arith.addi %get3A_378, %mul3A_384 : vector<16xi32>
        %swap3A_386 = arith.constant 24 : index
        %swap3A_387 = tpu.vector_load %arg14[%swap3A_386] {strides = array<i32>} : memref<40xi32, #tpu.memory_space<vmem>>, vector<16xi32>,
        %swap3A_388 = vector.shape_cast %swap3A_387 : vector<16xi32> to vector<16xi32>
        %swap3A_389 = vector.shape_cast %add3A_385 : vector<16xi32> to vector<16xi32>
        tpu.vector_store %arg14[%swap3A_386], %swap3A_389 {strides = array<i32>} : memref<40xi32, #tpu.memory_space<vmem>>, vector<16xi32>,
        %dma_wait3A_390 = arith.constant 0 : i32
        %dma_wait3A_391 = arith.constant 0 : i32
        %dma_wait3A_392 = tpu.memref_slice %arg7[%dma_wait3A_390, %dma_wait3A_391] : memref<10000x128xf32, #tpu.memory_space<hbm>> -> memref<10000x128xf32, #tpu.memory_space<hbm>>
        tpu.wait_indirect_dma semaphore(%arg29 : memref<!tpu.dma_semaphore, #tpu.memory_space<semaphore_mem>>) src(%dma_wait3A_392 : memref<10000x128xf32, #tpu.memory_space<hbm>>) dst(%arg24 : memref<40x128xf32, #tpu.memory_space<vmem>>)
        %scan3A_393 = arith.constant 0 : i32
        %scan3A_394 = arith.constant 0 : i32
        %scan3A_395 = arith.constant 40 : i32
        %scan3A_396 = arith.addi %scan3A_394, %scan3A_395 : i32
        %scan3A_397 = arith.constant 1 : i32
        %scan3A_398 = scf.for %scan3A_528 = %scan3A_394 to %scan3A_396 step %scan3A_397 iter_args(%scan3A_529 = %scan3A_393) -> (i32)  : i32 {
          %get3A_530 = arith.index_cast %scan3A_528 : i32 to index
          %get3A_531 = tpu.vector_load %arg20[%get3A_530] {strides = array<i32>} : memref<56xf32, #tpu.memory_space<vmem>>, vector<16xf32>,
          %get3A_532 = vector.shape_cast %get3A_531 : vector<16xf32> to vector<16xf32>
          %slice3A = vector.extract_strided_slice %get3A_532 {offsets = [0], sizes = [1], strides = [1]} : vector<16xf32> to vector<1xf32>
          %squeeze3A = vector.extract %slice3A[0] : f32 from vector<1xf32>
          %broadcast_in_dim3A = vector.broadcast %squeeze3A : f32 to vector<16xf32>
          %get3A_533 = arith.index_cast %scan3A_528 : i32 to index
          %get3A_534 = arith.constant 0 : index
          %get3A_535 = tpu.vector_load %arg22[%get3A_533, %get3A_534] {strides = array<i32>} : memref<40x128xf32, #tpu.memory_space<vmem>>, vector<1x16xf32>,
          %get3A_536 = vector.shape_cast %get3A_535 : vector<1x16xf32> to vector<16xf32>
          %mul3A_537 = arith.mulf %get3A_536, %broadcast_in_dim3A : vector<16xf32>
          %swap3A_538 = arith.index_cast %scan3A_528 : i32 to index
          %swap3A_539 = arith.constant 0 : index
          %swap3A_540 = tpu.vector_load %arg22[%swap3A_538, %swap3A_539] {strides = array<i32>} : memref<40x128xf32, #tpu.memory_space<vmem>>, vector<1x16xf32>,
          %swap3A_541 = vector.shape_cast %swap3A_540 : vector<1x16xf32> to vector<16xf32>
          %swap3A_542 = vector.shape_cast %mul3A_537 : vector<16xf32> to vector<1x16xf32>
          tpu.vector_store %arg22[%swap3A_538, %swap3A_539], %swap3A_542 {strides = array<i32>} : memref<40x128xf32, #tpu.memory_space<vmem>>, vector<1x16xf32>,
          %get3A_543 = arith.index_cast %scan3A_528 : i32 to index
          %get3A_544 = arith.constant 0 : index
          %get3A_545 = tpu.vector_load %arg24[%get3A_543, %get3A_544] {strides = array<i32>} : memref<40x128xf32, #tpu.memory_space<vmem>>, vector<1x16xf32>,
          %get3A_546 = vector.shape_cast %get3A_545 : vector<1x16xf32> to vector<16xf32>
          %mul3A_547 = arith.mulf %get3A_546, %broadcast_in_dim3A : vector<16xf32>
          %swap3A_548 = arith.index_cast %scan3A_528 : i32 to index
          %swap3A_549 = arith.constant 0 : index
          %swap3A_550 = tpu.vector_load %arg24[%swap3A_548, %swap3A_549] {strides = array<i32>} : memref<40x128xf32, #tpu.memory_space<vmem>>, vector<1x16xf32>,
          %swap3A_551 = vector.shape_cast %swap3A_550 : vector<1x16xf32> to vector<16xf32>
          %swap3A_552 = vector.shape_cast %mul3A_547 : vector<16xf32> to vector<1x16xf32>
          tpu.vector_store %arg24[%swap3A_548, %swap3A_549], %swap3A_552 {strides = array<i32>} : memref<40x128xf32, #tpu.memory_space<vmem>>, vector<1x16xf32>,
          %get3A_553 = arith.index_cast %scan3A_528 : i32 to index
          %get3A_554 = arith.constant 16 : index
          %get3A_555 = tpu.vector_load %arg22[%get3A_553, %get3A_554] {strides = array<i32>} : memref<40x128xf32, #tpu.memory_space<vmem>>, vector<1x16xf32>,
          %get3A_556 = vector.shape_cast %get3A_555 : vector<1x16xf32> to vector<16xf32>
          %mul3A_557 = arith.mulf %get3A_556, %broadcast_in_dim3A : vector<16xf32>
          %swap3A_558 = arith.index_cast %scan3A_528 : i32 to index
          %swap3A_559 = arith.constant 16 : index
          %swap3A_560 = tpu.vector_load %arg22[%swap3A_558, %swap3A_559] {strides = array<i32>} : memref<40x128xf32, #tpu.memory_space<vmem>>, vector<1x16xf32>,
          %swap3A_561 = vector.shape_cast %swap3A_560 : vector<1x16xf32> to vector<16xf32>
          %swap3A_562 = vector.shape_cast %mul3A_557 : vector<16xf32> to vector<1x16xf32>
          tpu.vector_store %arg22[%swap3A_558, %swap3A_559], %swap3A_562 {strides = array<i32>} : memref<40x128xf32, #tpu.memory_space<vmem>>, vector<1x16xf32>,
          %get3A_563 = arith.index_cast %scan3A_528 : i32 to index
          %get3A_564 = arith.constant 16 : index
          %get3A_565 = tpu.vector_load %arg24[%get3A_563, %get3A_564] {strides = array<i32>} : memref<40x128xf32, #tpu.memory_space<vmem>>, vector<1x16xf32>,
          %get3A_566 = vector.shape_cast %get3A_565 : vector<1x16xf32> to vector<16xf32>
          %mul3A_567 = arith.mulf %get3A_566, %broadcast_in_dim3A : vector<16xf32>
          %swap3A_568 = arith.index_cast %scan3A_528 : i32 to index
          %swap3A_569 = arith.constant 16 : index
          %swap3A_570 = tpu.vector_load %arg24[%swap3A_568, %swap3A_569] {strides = array<i32>} : memref<40x128xf32, #tpu.memory_space<vmem>>, vector<1x16xf32>,
          %swap3A_571 = vector.shape_cast %swap3A_570 : vector<1x16xf32> to vector<16xf32>
          %swap3A_572 = vector.shape_cast %mul3A_567 : vector<16xf32> to vector<1x16xf32>
          tpu.vector_store %arg24[%swap3A_568, %swap3A_569], %swap3A_572 {strides = array<i32>} : memref<40x128xf32, #tpu.memory_space<vmem>>, vector<1x16xf32>,
          %get3A_573 = arith.index_cast %scan3A_528 : i32 to index
          %get3A_574 = arith.constant 32 : index
          %get3A_575 = tpu.vector_load %arg22[%get3A_573, %get3A_574] {strides = array<i32>} : memref<40x128xf32, #tpu.memory_space<vmem>>, vector<1x16xf32>,
          %get3A_576 = vector.shape_cast %get3A_575 : vector<1x16xf32> to vector<16xf32>
          %mul3A_577 = arith.mulf %get3A_576, %broadcast_in_dim3A : vector<16xf32>
          %swap3A_578 = arith.index_cast %scan3A_528 : i32 to index
          %swap3A_579 = arith.constant 32 : index
          %swap3A_580 = tpu.vector_load %arg22[%swap3A_578, %swap3A_579] {strides = array<i32>} : memref<40x128xf32, #tpu.memory_space<vmem>>, vector<1x16xf32>,
          %swap3A_581 = vector.shape_cast %swap3A_580 : vector<1x16xf32> to vector<16xf32>
          %swap3A_582 = vector.shape_cast %mul3A_577 : vector<16xf32> to vector<1x16xf32>
          tpu.vector_store %arg22[%swap3A_578, %swap3A_579], %swap3A_582 {strides = array<i32>} : memref<40x128xf32, #tpu.memory_space<vmem>>, vector<1x16xf32>,
          %get3A_583 = arith.index_cast %scan3A_528 : i32 to index
          %get3A_584 = arith.constant 32 : index
          %get3A_585 = tpu.vector_load %arg24[%get3A_583, %get3A_584] {strides = array<i32>} : memref<40x128xf32, #tpu.memory_space<vmem>>, vector<1x16xf32>,
          %get3A_586 = vector.shape_cast %get3A_585 : vector<1x16xf32> to vector<16xf32>
          %mul3A_587 = arith.mulf %get3A_586, %broadcast_in_dim3A : vector<16xf32>
          %swap3A_588 = arith.index_cast %scan3A_528 : i32 to index
          %swap3A_589 = arith.constant 32 : index
          %swap3A_590 = tpu.vector_load %arg24[%swap3A_588, %swap3A_589] {strides = array<i32>} : memref<40x128xf32, #tpu.memory_space<vmem>>, vector<1x16xf32>,
          %swap3A_591 = vector.shape_cast %swap3A_590 : vector<1x16xf32> to vector<16xf32>
          %swap3A_592 = vector.shape_cast %mul3A_587 : vector<16xf32> to vector<1x16xf32>
          tpu.vector_store %arg24[%swap3A_588, %swap3A_589], %swap3A_592 {strides = array<i32>} : memref<40x128xf32, #tpu.memory_space<vmem>>, vector<1x16xf32>,
          %get3A_593 = arith.index_cast %scan3A_528 : i32 to index
          %get3A_594 = arith.constant 48 : index
          %get3A_595 = tpu.vector_load %arg22[%get3A_593, %get3A_594] {strides = array<i32>} : memref<40x128xf32, #tpu.memory_space<vmem>>, vector<1x16xf32>,
          %get3A_596 = vector.shape_cast %get3A_595 : vector<1x16xf32> to vector<16xf32>
          %mul3A_597 = arith.mulf %get3A_596, %broadcast_in_dim3A : vector<16xf32>
          %swap3A_598 = arith.index_cast %scan3A_528 : i32 to index
          %swap3A_599 = arith.constant 48 : index
          %swap3A_600 = tpu.vector_load %arg22[%swap3A_598, %swap3A_599] {strides = array<i32>} : memref<40x128xf32, #tpu.memory_space<vmem>>, vector<1x16xf32>,
          %swap3A_601 = vector.shape_cast %swap3A_600 : vector<1x16xf32> to vector<16xf32>
          %swap3A_602 = vector.shape_cast %mul3A_597 : vector<16xf32> to vector<1x16xf32>
          tpu.vector_store %arg22[%swap3A_598, %swap3A_599], %swap3A_602 {strides = array<i32>} : memref<40x128xf32, #tpu.memory_space<vmem>>, vector<1x16xf32>,
          %get3A_603 = arith.index_cast %scan3A_528 : i32 to index
          %get3A_604 = arith.constant 48 : index
          %get3A_605 = tpu.vector_load %arg24[%get3A_603, %get3A_604] {strides = array<i32>} : memref<40x128xf32, #tpu.memory_space<vmem>>, vector<1x16xf32>,
          %get3A_606 = vector.shape_cast %get3A_605 : vector<1x16xf32> to vector<16xf32>
          %mul3A_607 = arith.mulf %get3A_606, %broadcast_in_dim3A : vector<16xf32>
          %swap3A_608 = arith.index_cast %scan3A_528 : i32 to index
          %swap3A_609 = arith.constant 48 : index
          %swap3A_610 = tpu.vector_load %arg24[%swap3A_608, %swap3A_609] {strides = array<i32>} : memref<40x128xf32, #tpu.memory_space<vmem>>, vector<1x16xf32>,
          %swap3A_611 = vector.shape_cast %swap3A_610 : vector<1x16xf32> to vector<16xf32>
          %swap3A_612 = vector.shape_cast %mul3A_607 : vector<16xf32> to vector<1x16xf32>
          tpu.vector_store %arg24[%swap3A_608, %swap3A_609], %swap3A_612 {strides = array<i32>} : memref<40x128xf32, #tpu.memory_space<vmem>>, vector<1x16xf32>,
          %get3A_613 = arith.index_cast %scan3A_528 : i32 to index
          %get3A_614 = arith.constant 64 : index
          %get3A_615 = tpu.vector_load %arg22[%get3A_613, %get3A_614] {strides = array<i32>} : memref<40x128xf32, #tpu.memory_space<vmem>>, vector<1x16xf32>,
          %get3A_616 = vector.shape_cast %get3A_615 : vector<1x16xf32> to vector<16xf32>
          %mul3A_617 = arith.mulf %get3A_616, %broadcast_in_dim3A : vector<16xf32>
          %swap3A_618 = arith.index_cast %scan3A_528 : i32 to index
          %swap3A_619 = arith.constant 64 : index
          %swap3A_620 = tpu.vector_load %arg22[%swap3A_618, %swap3A_619] {strides = array<i32>} : memref<40x128xf32, #tpu.memory_space<vmem>>, vector<1x16xf32>,
          %swap3A_621 = vector.shape_cast %swap3A_620 : vector<1x16xf32> to vector<16xf32>
          %swap3A_622 = vector.shape_cast %mul3A_617 : vector<16xf32> to vector<1x16xf32>
          tpu.vector_store %arg22[%swap3A_618, %swap3A_619], %swap3A_622 {strides = array<i32>} : memref<40x128xf32, #tpu.memory_space<vmem>>, vector<1x16xf32>,
          %get3A_623 = arith.index_cast %scan3A_528 : i32 to index
          %get3A_624 = arith.constant 64 : index
          %get3A_625 = tpu.vector_load %arg24[%get3A_623, %get3A_624] {strides = array<i32>} : memref<40x128xf32, #tpu.memory_space<vmem>>, vector<1x16xf32>,
          %get3A_626 = vector.shape_cast %get3A_625 : vector<1x16xf32> to vector<16xf32>
          %mul3A_627 = arith.mulf %get3A_626, %broadcast_in_dim3A : vector<16xf32>
          %swap3A_628 = arith.index_cast %scan3A_528 : i32 to index
          %swap3A_629 = arith.constant 64 : index
          %swap3A_630 = tpu.vector_load %arg24[%swap3A_628, %swap3A_629] {strides = array<i32>} : memref<40x128xf32, #tpu.memory_space<vmem>>, vector<1x16xf32>,
          %swap3A_631 = vector.shape_cast %swap3A_630 : vector<1x16xf32> to vector<16xf32>
          %swap3A_632 = vector.shape_cast %mul3A_627 : vector<16xf32> to vector<1x16xf32>
          tpu.vector_store %arg24[%swap3A_628, %swap3A_629], %swap3A_632 {strides = array<i32>} : memref<40x128xf32, #tpu.memory_space<vmem>>, vector<1x16xf32>,
          %get3A_633 = arith.index_cast %scan3A_528 : i32 to index
          %get3A_634 = arith.constant 80 : index
          %get3A_635 = tpu.vector_load %arg22[%get3A_633, %get3A_634] {strides = array<i32>} : memref<40x128xf32, #tpu.memory_space<vmem>>, vector<1x16xf32>,
          %get3A_636 = vector.shape_cast %get3A_635 : vector<1x16xf32> to vector<16xf32>
          %mul3A_637 = arith.mulf %get3A_636, %broadcast_in_dim3A : vector<16xf32>
          %swap3A_638 = arith.index_cast %scan3A_528 : i32 to index
          %swap3A_639 = arith.constant 80 : index
          %swap3A_640 = tpu.vector_load %arg22[%swap3A_638, %swap3A_639] {strides = array<i32>} : memref<40x128xf32, #tpu.memory_space<vmem>>, vector<1x16xf32>,
          %swap3A_641 = vector.shape_cast %swap3A_640 : vector<1x16xf32> to vector<16xf32>
          %swap3A_642 = vector.shape_cast %mul3A_637 : vector<16xf32> to vector<1x16xf32>
          tpu.vector_store %arg22[%swap3A_638, %swap3A_639], %swap3A_642 {strides = array<i32>} : memref<40x128xf32, #tpu.memory_space<vmem>>, vector<1x16xf32>,
          %get3A_643 = arith.index_cast %scan3A_528 : i32 to index
          %get3A_644 = arith.constant 80 : index
          %get3A_645 = tpu.vector_load %arg24[%get3A_643, %get3A_644] {strides = array<i32>} : memref<40x128xf32, #tpu.memory_space<vmem>>, vector<1x16xf32>,
          %get3A_646 = vector.shape_cast %get3A_645 : vector<1x16xf32> to vector<16xf32>
          %mul3A_647 = arith.mulf %get3A_646, %broadcast_in_dim3A : vector<16xf32>
          %swap3A_648 = arith.index_cast %scan3A_528 : i32 to index
          %swap3A_649 = arith.constant 80 : index
          %swap3A_650 = tpu.vector_load %arg24[%swap3A_648, %swap3A_649] {strides = array<i32>} : memref<40x128xf32, #tpu.memory_space<vmem>>, vector<1x16xf32>,
          %swap3A_651 = vector.shape_cast %swap3A_650 : vector<1x16xf32> to vector<16xf32>
          %swap3A_652 = vector.shape_cast %mul3A_647 : vector<16xf32> to vector<1x16xf32>
          tpu.vector_store %arg24[%swap3A_648, %swap3A_649], %swap3A_652 {strides = array<i32>} : memref<40x128xf32, #tpu.memory_space<vmem>>, vector<1x16xf32>,
          %get3A_653 = arith.index_cast %scan3A_528 : i32 to index
          %get3A_654 = arith.constant 96 : index
          %get3A_655 = tpu.vector_load %arg22[%get3A_653, %get3A_654] {strides = array<i32>} : memref<40x128xf32, #tpu.memory_space<vmem>>, vector<1x16xf32>,
          %get3A_656 = vector.shape_cast %get3A_655 : vector<1x16xf32> to vector<16xf32>
          %mul3A_657 = arith.mulf %get3A_656, %broadcast_in_dim3A : vector<16xf32>
          %swap3A_658 = arith.index_cast %scan3A_528 : i32 to index
          %swap3A_659 = arith.constant 96 : index
          %swap3A_660 = tpu.vector_load %arg22[%swap3A_658, %swap3A_659] {strides = array<i32>} : memref<40x128xf32, #tpu.memory_space<vmem>>, vector<1x16xf32>,
          %swap3A_661 = vector.shape_cast %swap3A_660 : vector<1x16xf32> to vector<16xf32>
          %swap3A_662 = vector.shape_cast %mul3A_657 : vector<16xf32> to vector<1x16xf32>
          tpu.vector_store %arg22[%swap3A_658, %swap3A_659], %swap3A_662 {strides = array<i32>} : memref<40x128xf32, #tpu.memory_space<vmem>>, vector<1x16xf32>,
          %get3A_663 = arith.index_cast %scan3A_528 : i32 to index
          %get3A_664 = arith.constant 96 : index
          %get3A_665 = tpu.vector_load %arg24[%get3A_663, %get3A_664] {strides = array<i32>} : memref<40x128xf32, #tpu.memory_space<vmem>>, vector<1x16xf32>,
          %get3A_666 = vector.shape_cast %get3A_665 : vector<1x16xf32> to vector<16xf32>
          %mul3A_667 = arith.mulf %get3A_666, %broadcast_in_dim3A : vector<16xf32>
          %swap3A_668 = arith.index_cast %scan3A_528 : i32 to index
          %swap3A_669 = arith.constant 96 : index
          %swap3A_670 = tpu.vector_load %arg24[%swap3A_668, %swap3A_669] {strides = array<i32>} : memref<40x128xf32, #tpu.memory_space<vmem>>, vector<1x16xf32>,
          %swap3A_671 = vector.shape_cast %swap3A_670 : vector<1x16xf32> to vector<16xf32>
          %swap3A_672 = vector.shape_cast %mul3A_667 : vector<16xf32> to vector<1x16xf32>
          tpu.vector_store %arg24[%swap3A_668, %swap3A_669], %swap3A_672 {strides = array<i32>} : memref<40x128xf32, #tpu.memory_space<vmem>>, vector<1x16xf32>,
          %get3A_673 = arith.index_cast %scan3A_528 : i32 to index
          %get3A_674 = arith.constant 112 : index
          %get3A_675 = tpu.vector_load %arg22[%get3A_673, %get3A_674] {strides = array<i32>} : memref<40x128xf32, #tpu.memory_space<vmem>>, vector<1x16xf32>,
          %get3A_676 = vector.shape_cast %get3A_675 : vector<1x16xf32> to vector<16xf32>
          %mul3A_677 = arith.mulf %get3A_676, %broadcast_in_dim3A : vector<16xf32>
          %swap3A_678 = arith.index_cast %scan3A_528 : i32 to index
          %swap3A_679 = arith.constant 112 : index
          %swap3A_680 = tpu.vector_load %arg22[%swap3A_678, %swap3A_679] {strides = array<i32>} : memref<40x128xf32, #tpu.memory_space<vmem>>, vector<1x16xf32>,
          %swap3A_681 = vector.shape_cast %swap3A_680 : vector<1x16xf32> to vector<16xf32>
          %swap3A_682 = vector.shape_cast %mul3A_677 : vector<16xf32> to vector<1x16xf32>
          tpu.vector_store %arg22[%swap3A_678, %swap3A_679], %swap3A_682 {strides = array<i32>} : memref<40x128xf32, #tpu.memory_space<vmem>>, vector<1x16xf32>,
          %get3A_683 = arith.index_cast %scan3A_528 : i32 to index
          %get3A_684 = arith.constant 112 : index
          %get3A_685 = tpu.vector_load %arg24[%get3A_683, %get3A_684] {strides = array<i32>} : memref<40x128xf32, #tpu.memory_space<vmem>>, vector<1x16xf32>,
          %get3A_686 = vector.shape_cast %get3A_685 : vector<1x16xf32> to vector<16xf32>
          %mul3A_687 = arith.mulf %get3A_686, %broadcast_in_dim3A : vector<16xf32>
          %swap3A_688 = arith.index_cast %scan3A_528 : i32 to index
          %swap3A_689 = arith.constant 112 : index
          %swap3A_690 = tpu.vector_load %arg24[%swap3A_688, %swap3A_689] {strides = array<i32>} : memref<40x128xf32, #tpu.memory_space<vmem>>, vector<1x16xf32>,
          %swap3A_691 = vector.shape_cast %swap3A_690 : vector<1x16xf32> to vector<16xf32>
          %swap3A_692 = vector.shape_cast %mul3A_687 : vector<16xf32> to vector<1x16xf32>
          tpu.vector_store %arg24[%swap3A_688, %swap3A_689], %swap3A_692 {strides = array<i32>} : memref<40x128xf32, #tpu.memory_space<vmem>>, vector<1x16xf32>,
          %scan3A_693 = arith.constant 0 : i32
          scf.yield %scan3A_693 : i32
        }
        %scan3A_399 = arith.constant 40 : i32
        %sub3A_400 = arith.constant 1 : i32
        %sub3A_401 = arith.subi %mul3A_332, %sub3A_400 : i32
        %ge3A_402 = arith.constant 0 : i32
        %ge3A_403 = arith.cmpi sge, %sub3A_401, %ge3A_402 : i32
        %convert_element_type3A_404 = arith.extui %ge3A_403 : i1 to i32
        %cond3A_405 = arith.constant 0 : i32
        %cond3A_406 = arith.cmpi ne, %convert_element_type3A_404, %cond3A_405 : i32
        scf.if %cond3A_406 {
          %mul3A_528 = arith.constant 20000 : i32
          %mul3A_529 = arith.muli %arg1, %mul3A_528 : i32
          %mul3A_530 = arith.constant 40 : i32
          %mul3A_531 = arith.muli %sub3A_401, %mul3A_530 : i32
          %add3A_532 = arith.addi %mul3A_529, %mul3A_531 : i32
          %add3A_533 = arith.constant 0 : i32
          %add3A_534 = arith.addi %add3A_533, %add3A_532 : i32
          %dma_wait3A_535 = arith.constant 0 : i32
          %dma_wait3A_536 = tpu.memref_slice %arg9[%add3A_534, %dma_wait3A_535] : memref<661600x128xf32, #tpu.memory_space<hbm>> -> memref<40x128xf32, #tpu.memory_space<hbm>>
          %dma_wait3A_537 = arith.constant 0 : i32
          %dma_wait3A_538 = tpu.memref_slice %arg9[%add3A_534, %dma_wait3A_537] : memref<661600x128xf32, #tpu.memory_space<hbm>> -> memref<40x128xf32, #tpu.memory_space<hbm>>
          tpu.wait_dma2 semaphore(%arg32 : memref<!tpu.dma_semaphore, #tpu.memory_space<semaphore_mem>>) src(%arg25 : memref<40x128xf32, #tpu.memory_space<vmem>>) dst(%dma_wait3A_538 : memref<40x128xf32, #tpu.memory_space<hbm>>)
        } else {
        }
        %add3A_407 = arith.constant 1 : i32
        %add3A_408 = arith.addi %mul3A_332, %add3A_407 : i32
        %lt3A_409 = arith.constant 500 : i32
        %lt3A_410 = arith.cmpi slt, %add3A_408, %lt3A_409 : i32
        %convert_element_type3A_411 = arith.extui %lt3A_410 : i1 to i32
        %cond3A_412 = arith.constant 0 : i32
        %cond3A_413 = arith.cmpi ne, %convert_element_type3A_411, %cond3A_412 : i32
        scf.if %cond3A_413 {
          %add3A_528 = arith.constant 1 : i32
          %add3A_529 = arith.addi %mul3A_332, %add3A_528 : i32
          %mul3A_530 = arith.constant 20000 : i32
          %mul3A_531 = arith.muli %arg1, %mul3A_530 : i32
          %mul3A_532 = arith.constant 40 : i32
          %mul3A_533 = arith.muli %add3A_529, %mul3A_532 : i32
          %add3A_534 = arith.addi %mul3A_531, %mul3A_533 : i32
          %dma_wait3A_535 = arith.constant 0 : i32
          %dma_wait3A_536 = tpu.memref_slice %arg21[%dma_wait3A_535] : memref<56xf32, #tpu.memory_space<vmem>> -> memref<40xf32, #tpu.memory_space<vmem>>
          %dma_wait3A_537 = tpu.memref_slice %arg6[%add3A_534] : memref<320000xf32, #tpu.memory_space<hbm>> -> memref<40xf32, #tpu.memory_space<hbm>>
          %dma_wait3A_538 = arith.constant 0 : i32
          %dma_wait3A_539 = tpu.memref_slice %arg21[%dma_wait3A_538] : memref<56xf32, #tpu.memory_space<vmem>> -> memref<40xf32, #tpu.memory_space<vmem>>
          %dma_wait3A_540 = tpu.memref_slice %arg6[%add3A_534] : memref<320000xf32, #tpu.memory_space<hbm>> -> memref<40xf32, #tpu.memory_space<hbm>>
          tpu.wait_dma2 semaphore(%arg28 : memref<!tpu.dma_semaphore, #tpu.memory_space<semaphore_mem>>) src(%dma_wait3A_540 : memref<40xf32, #tpu.memory_space<hbm>>) dst(%dma_wait3A_539 : memref<40xf32, #tpu.memory_space<vmem>>)
          %dma_wait3A_541 = tpu.memref_slice %arg2[%add3A_534] : memref<320000xi32, #tpu.memory_space<hbm>> -> memref<40xi32, #tpu.memory_space<hbm>>
          %dma_wait3A_542 = tpu.memref_slice %arg2[%add3A_534] : memref<320000xi32, #tpu.memory_space<hbm>> -> memref<40xi32, #tpu.memory_space<hbm>>
          tpu.wait_dma2 semaphore(%arg28 : memref<!tpu.dma_semaphore, #tpu.memory_space<semaphore_mem>>) src(%dma_wait3A_542 : memref<40xi32, #tpu.memory_space<hbm>>) dst(%arg13 : memref<40xi32, #tpu.memory_space<vmem>>)
          %dma_wait3A_543 = arith.constant 0 : i32
          %dma_wait3A_544 = tpu.memref_slice %arg8[%add3A_534, %dma_wait3A_543] : memref<320000x128xf32, #tpu.memory_space<hbm>> -> memref<40x128xf32, #tpu.memory_space<hbm>>
          %dma_wait3A_545 = arith.constant 0 : i32
          %dma_wait3A_546 = tpu.memref_slice %arg8[%add3A_534, %dma_wait3A_545] : memref<320000x128xf32, #tpu.memory_space<hbm>> -> memref<40x128xf32, #tpu.memory_space<hbm>>
          tpu.wait_dma2 semaphore(%arg28 : memref<!tpu.dma_semaphore, #tpu.memory_space<semaphore_mem>>) src(%dma_wait3A_546 : memref<40x128xf32, #tpu.memory_space<hbm>>) dst(%arg23 : memref<40x128xf32, #tpu.memory_space<vmem>>)
          %dma_wait3A_547 = tpu.memref_slice %arg3[%add3A_534] : memref<320000xi32, #tpu.memory_space<hbm>> -> memref<40xi32, #tpu.memory_space<hbm>>
          %dma_wait3A_548 = tpu.memref_slice %arg3[%add3A_534] : memref<320000xi32, #tpu.memory_space<hbm>> -> memref<40xi32, #tpu.memory_space<hbm>>
          tpu.wait_dma2 semaphore(%arg28 : memref<!tpu.dma_semaphore, #tpu.memory_space<semaphore_mem>>) src(%dma_wait3A_548 : memref<40xi32, #tpu.memory_space<hbm>>) dst(%arg17 : memref<40xi32, #tpu.memory_space<vmem>>)
          %dma_wait3A_549 = tpu.memref_slice %arg5[%add3A_534] : memref<320000xi32, #tpu.memory_space<hbm>> -> memref<40xi32, #tpu.memory_space<hbm>>
          %dma_wait3A_550 = tpu.memref_slice %arg5[%add3A_534] : memref<320000xi32, #tpu.memory_space<hbm>> -> memref<40xi32, #tpu.memory_space<hbm>>
          tpu.wait_dma2 semaphore(%arg28 : memref<!tpu.dma_semaphore, #tpu.memory_space<semaphore_mem>>) src(%dma_wait3A_550 : memref<40xi32, #tpu.memory_space<hbm>>) dst(%arg19 : memref<40xi32, #tpu.memory_space<vmem>>)
          %dma_start3A_551 = arith.constant 0 : i32
          %dma_start3A_552 = arith.constant 0 : i32
          %dma_start3A_553 = tpu.memref_slice %arg7[%dma_start3A_551, %dma_start3A_552] : memref<10000x128xf32, #tpu.memory_space<hbm>> -> memref<10000x128xf32, #tpu.memory_space<hbm>>
          tpu.enqueue_indirect_dma source(%dma_start3A_553 : memref<10000x128xf32, #tpu.memory_space<hbm>>) target(%arg25 : memref<40x128xf32, #tpu.memory_space<vmem>>) offsets(%arg13 : memref<40xi32, #tpu.memory_space<vmem>>) semaphore(%arg30 : memref<!tpu.dma_semaphore, #tpu.memory_space<semaphore_mem>>)
        } else {
        }
        %add3A_414 = arith.constant 0 : i32
        %add3A_415 = arith.addi %add3A_414, %add3A_349 : i32
        %dma_start3A_416 = arith.constant 0 : i32
        %dma_start3A_417 = tpu.memref_slice %arg9[%add3A_415, %dma_start3A_416] : memref<661600x128xf32, #tpu.memory_space<hbm>> -> memref<40x128xf32, #tpu.memory_space<hbm>>
        %dma_start3A_418 = arith.constant 0 : i32
        %dma_start3A_419 = tpu.memref_slice %arg9[%add3A_415, %dma_start3A_418] : memref<661600x128xf32, #tpu.memory_space<hbm>> -> memref<40x128xf32, #tpu.memory_space<hbm>>
        tpu.enqueue_dma source(%arg24 : memref<40x128xf32, #tpu.memory_space<vmem>>) target(%dma_start3A_419 : memref<40x128xf32, #tpu.memory_space<hbm>>) target_semaphore(%arg31 : memref<!tpu.dma_semaphore, #tpu.memory_space<semaphore_mem>>)
        %dma_start3A_420 = arith.constant 0 : i32
        %dma_start3A_421 = arith.constant 0 : i32
        %dma_start3A_422 = tpu.memref_slice %arg10[%dma_start3A_420, %dma_start3A_421] : memref<10000x128xf32, #tpu.memory_space<vmem_shared>> -> memref<10000x128xf32, #tpu.memory_space<vmem_shared>>
        tpu.enqueue_indirect_dma source(%arg22 : memref<40x128xf32, #tpu.memory_space<vmem>>) target(%dma_start3A_422 : memref<10000x128xf32, #tpu.memory_space<vmem_shared>>) offsets(%arg12 : memref<40xi32, #tpu.memory_space<vmem>>) semaphore(%arg33 : memref<!tpu.dma_semaphore, #tpu.memory_space<semaphore_mem>>) {add = true}
        %dma_start3A_423 = arith.constant 0 : i32
        %dma_start3A_424 = arith.constant 0 : i32
        %dma_start3A_425 = tpu.memref_slice %arg11[%dma_start3A_423, %dma_start3A_424] : memref<1600x128xf32, #tpu.memory_space<vmem_shared>> -> memref<1600x128xf32, #tpu.memory_space<vmem_shared>>
        tpu.enqueue_indirect_dma source(%arg22 : memref<40x128xf32, #tpu.memory_space<vmem>>) target(%dma_start3A_425 : memref<1600x128xf32, #tpu.memory_space<vmem_shared>>) offsets(%arg14 : memref<40xi32, #tpu.memory_space<vmem>>) semaphore(%arg33 : memref<!tpu.dma_semaphore, #tpu.memory_space<semaphore_mem>>) {add = true}
        %mul3A_426 = arith.constant 2 : i32
        %mul3A_427 = arith.muli %mul3A_426, %scan3A_329 : i32
        %add3A_428 = arith.constant 1 : i32
        %add3A_429 = arith.addi %mul3A_427, %add3A_428 : i32
        %sub3A_430 = arith.constant 1 : i32
        %sub3A_431 = arith.subi %add3A_429, %sub3A_430 : i32
        %ge3A_432 = arith.constant 0 : i32
        %ge3A_433 = arith.cmpi sge, %sub3A_431, %ge3A_432 : i32
        %convert_element_type3A_434 = arith.extui %ge3A_433 : i1 to i32
        %cond3A_435 = arith.constant 0 : i32
        %cond3A_436 = arith.cmpi ne, %convert_element_type3A_434, %cond3A_435 : i32
        scf.if %cond3A_436 {
          %dma_wait3A_528 = arith.constant 0 : i32
          %dma_wait3A_529 = arith.constant 0 : i32
          %dma_wait3A_530 = tpu.memref_slice %arg10[%dma_wait3A_528, %dma_wait3A_529] : memref<10000x128xf32, #tpu.memory_space<vmem_shared>> -> memref<10000x128xf32, #tpu.memory_space<vmem_shared>>
          tpu.wait_indirect_dma semaphore(%arg33 : memref<!tpu.dma_semaphore, #tpu.memory_space<semaphore_mem>>) src(%arg22 : memref<40x128xf32, #tpu.memory_space<vmem>>) dst(%dma_wait3A_530 : memref<10000x128xf32, #tpu.memory_space<vmem_shared>>)
          %dma_wait3A_531 = arith.constant 0 : i32
          %dma_wait3A_532 = arith.constant 0 : i32
          %dma_wait3A_533 = tpu.memref_slice %arg11[%dma_wait3A_531, %dma_wait3A_532] : memref<1600x128xf32, #tpu.memory_space<vmem_shared>> -> memref<1600x128xf32, #tpu.memory_space<vmem_shared>>
          tpu.wait_indirect_dma semaphore(%arg33 : memref<!tpu.dma_semaphore, #tpu.memory_space<semaphore_mem>>) src(%arg22 : memref<40x128xf32, #tpu.memory_space<vmem>>) dst(%dma_wait3A_533 : memref<1600x128xf32, #tpu.memory_space<vmem_shared>>)
        } else {
        }
        %add3A_437 = arith.constant 1 : i32
        %add3A_438 = arith.addi %add3A_429, %add3A_437 : i32
        %lt3A_439 = arith.constant 500 : i32
        %lt3A_440 = arith.cmpi slt, %add3A_438, %lt3A_439 : i32
        %convert_element_type3A_441 = arith.extui %lt3A_440 : i1 to i32
        %cond3A_442 = arith.constant 0 : i32
        %cond3A_443 = arith.cmpi ne, %convert_element_type3A_441, %cond3A_442 : i32
        scf.if %cond3A_443 {
          %mul3A_528 = arith.constant 20000 : i32
          %mul3A_529 = arith.muli %arg1, %mul3A_528 : i32
          %mul3A_530 = arith.constant 40 : i32
          %mul3A_531 = arith.muli %add3A_438, %mul3A_530 : i32
          %add3A_532 = arith.addi %mul3A_529, %mul3A_531 : i32
          %dma_start3A_533 = arith.constant 0 : i32
          %dma_start3A_534 = tpu.memref_slice %arg20[%dma_start3A_533] : memref<56xf32, #tpu.memory_space<vmem>> -> memref<40xf32, #tpu.memory_space<vmem>>
          %dma_start3A_535 = tpu.memref_slice %arg6[%add3A_532] : memref<320000xf32, #tpu.memory_space<hbm>> -> memref<40xf32, #tpu.memory_space<hbm>>
          %dma_start3A_536 = arith.constant 0 : i32
          %dma_start3A_537 = tpu.memref_slice %arg20[%dma_start3A_536] : memref<56xf32, #tpu.memory_space<vmem>> -> memref<40xf32, #tpu.memory_space<vmem>>
          %dma_start3A_538 = tpu.memref_slice %arg6[%add3A_532] : memref<320000xf32, #tpu.memory_space<hbm>> -> memref<40xf32, #tpu.memory_space<hbm>>
          tpu.enqueue_dma source(%dma_start3A_538 : memref<40xf32, #tpu.memory_space<hbm>>) target(%dma_start3A_537 : memref<40xf32, #tpu.memory_space<vmem>>) target_semaphore(%arg27 : memref<!tpu.dma_semaphore, #tpu.memory_space<semaphore_mem>>)
          %dma_start3A_539 = tpu.memref_slice %arg2[%add3A_532] : memref<320000xi32, #tpu.memory_space<hbm>> -> memref<40xi32, #tpu.memory_space<hbm>>
          %dma_start3A_540 = tpu.memref_slice %arg2[%add3A_532] : memref<320000xi32, #tpu.memory_space<hbm>> -> memref<40xi32, #tpu.memory_space<hbm>>
          tpu.enqueue_dma source(%dma_start3A_540 : memref<40xi32, #tpu.memory_space<hbm>>) target(%arg12 : memref<40xi32, #tpu.memory_space<vmem>>) target_semaphore(%arg27 : memref<!tpu.dma_semaphore, #tpu.memory_space<semaphore_mem>>)
          %dma_start3A_541 = arith.constant 0 : i32
          %dma_start3A_542 = tpu.memref_slice %arg8[%add3A_532, %dma_start3A_541] : memref<320000x128xf32, #tpu.memory_space<hbm>> -> memref<40x128xf32, #tpu.memory_space<hbm>>
          %dma_start3A_543 = arith.constant 0 : i32
          %dma_start3A_544 = tpu.memref_slice %arg8[%add3A_532, %dma_start3A_543] : memref<320000x128xf32, #tpu.memory_space<hbm>> -> memref<40x128xf32, #tpu.memory_space<hbm>>
          tpu.enqueue_dma source(%dma_start3A_544 : memref<40x128xf32, #tpu.memory_space<hbm>>) target(%arg22 : memref<40x128xf32, #tpu.memory_space<vmem>>) target_semaphore(%arg27 : memref<!tpu.dma_semaphore, #tpu.memory_space<semaphore_mem>>)
          %dma_start3A_545 = tpu.memref_slice %arg3[%add3A_532] : memref<320000xi32, #tpu.memory_space<hbm>> -> memref<40xi32, #tpu.memory_space<hbm>>
          %dma_start3A_546 = tpu.memref_slice %arg3[%add3A_532] : memref<320000xi32, #tpu.memory_space<hbm>> -> memref<40xi32, #tpu.memory_space<hbm>>
          tpu.enqueue_dma source(%dma_start3A_546 : memref<40xi32, #tpu.memory_space<hbm>>) target(%arg16 : memref<40xi32, #tpu.memory_space<vmem>>) target_semaphore(%arg27 : memref<!tpu.dma_semaphore, #tpu.memory_space<semaphore_mem>>)
          %dma_start3A_547 = tpu.memref_slice %arg5[%add3A_532] : memref<320000xi32, #tpu.memory_space<hbm>> -> memref<40xi32, #tpu.memory_space<hbm>>
          %dma_start3A_548 = tpu.memref_slice %arg5[%add3A_532] : memref<320000xi32, #tpu.memory_space<hbm>> -> memref<40xi32, #tpu.memory_space<hbm>>
          tpu.enqueue_dma source(%dma_start3A_548 : memref<40xi32, #tpu.memory_space<hbm>>) target(%arg18 : memref<40xi32, #tpu.memory_space<vmem>>) target_semaphore(%arg27 : memref<!tpu.dma_semaphore, #tpu.memory_space<semaphore_mem>>)
        } else {
        }
        %mul3A_444 = arith.constant 20000 : i32
        %mul3A_445 = arith.muli %arg1, %mul3A_444 : i32
        %mul3A_446 = arith.constant 40 : i32
        %mul3A_447 = arith.muli %add3A_429, %mul3A_446 : i32
        %add3A_448 = arith.addi %mul3A_445, %mul3A_447 : i32
        %get3A_449 = arith.constant 0 : index
        %get3A_450 = tpu.vector_load %arg17[%get3A_449] {strides = array<i32>} : memref<40xi32, #tpu.memory_space<vmem>>, vector<16xi32>,
        %get3A_451 = vector.shape_cast %get3A_450 : vector<16xi32> to vector<16xi32>
        %get3A_452 = arith.constant 0 : index
        %get3A_453 = tpu.vector_load %arg19[%get3A_452] {strides = array<i32>} : memref<40xi32, #tpu.memory_space<vmem>>, vector<16xi32>,
        %get3A_454 = vector.shape_cast %get3A_453 : vector<16xi32> to vector<16xi32>
        %mul3A_455 = arith.constant 200 : i32
        %mul3A_456 = vector.broadcast %mul3A_455 : i32 to vector<16xi32>
        %mul3A_457 = arith.muli %get3A_454, %mul3A_456 : vector<16xi32>
        %add3A_458 = arith.addi %get3A_451, %mul3A_457 : vector<16xi32>
        %swap3A_459 = arith.constant 0 : index
        %swap3A_460 = tpu.vector_load %arg15[%swap3A_459] {strides = array<i32>} : memref<40xi32, #tpu.memory_space<vmem>>, vector<16xi32>,
        %swap3A_461 = vector.shape_cast %swap3A_460 : vector<16xi32> to vector<16xi32>
        %swap3A_462 = vector.shape_cast %add3A_458 : vector<16xi32> to vector<16xi32>
        tpu.vector_store %arg15[%swap3A_459], %swap3A_462 {strides = array<i32>} : memref<40xi32, #tpu.memory_space<vmem>>, vector<16xi32>,
        %get3A_463 = arith.constant 16 : index
        %get3A_464 = tpu.vector_load %arg17[%get3A_463] {strides = array<i32>} : memref<40xi32, #tpu.memory_space<vmem>>, vector<16xi32>,
        %get3A_465 = vector.shape_cast %get3A_464 : vector<16xi32> to vector<16xi32>
        %get3A_466 = arith.constant 16 : index
        %get3A_467 = tpu.vector_load %arg19[%get3A_466] {strides = array<i32>} : memref<40xi32, #tpu.memory_space<vmem>>, vector<16xi32>,
        %get3A_468 = vector.shape_cast %get3A_467 : vector<16xi32> to vector<16xi32>
        %mul3A_469 = arith.constant 200 : i32
        %mul3A_470 = vector.broadcast %mul3A_469 : i32 to vector<16xi32>
        %mul3A_471 = arith.muli %get3A_468, %mul3A_470 : vector<16xi32>
        %add3A_472 = arith.addi %get3A_465, %mul3A_471 : vector<16xi32>
        %swap3A_473 = arith.constant 16 : index
        %swap3A_474 = tpu.vector_load %arg15[%swap3A_473] {strides = array<i32>} : memref<40xi32, #tpu.memory_space<vmem>>, vector<16xi32>,
        %swap3A_475 = vector.shape_cast %swap3A_474 : vector<16xi32> to vector<16xi32>
        %swap3A_476 = vector.shape_cast %add3A_472 : vector<16xi32> to vector<16xi32>
        tpu.vector_store %arg15[%swap3A_473], %swap3A_476 {strides = array<i32>} : memref<40xi32, #tpu.memory_space<vmem>>, vector<16xi32>,
        %get3A_477 = arith.constant 24 : index
        %get3A_478 = tpu.vector_load %arg17[%get3A_477] {strides = array<i32>} : memref<40xi32, #tpu.memory_space<vmem>>, vector<16xi32>,
        %get3A_479 = vector.shape_cast %get3A_478 : vector<16xi32> to vector<16xi32>
        %get3A_480 = arith.constant 24 : index
        %get3A_481 = tpu.vector_load %arg19[%get3A_480] {strides = array<i32>} : memref<40xi32, #tpu.memory_space<vmem>>, vector<16xi32>,
        %get3A_482 = vector.shape_cast %get3A_481 : vector<16xi32> to vector<16xi32>
        %mul3A_483 = arith.constant 200 : i32
        %mul3A_484 = vector.broadcast %mul3A_483 : i32 to vector<16xi32>
        %mul3A_485 = arith.muli %get3A_482, %mul3A_484 : vector<16xi32>
        %add3A_486 = arith.addi %get3A_479, %mul3A_485 : vector<16xi32>
        %swap3A_487 = arith.constant 24 : index
        %swap3A_488 = tpu.vector_load %arg15[%swap3A_487] {strides = array<i32>} : memref<40xi32, #tpu.memory_space<vmem>>, vector<16xi32>,
        %swap3A_489 = vector.shape_cast %swap3A_488 : vector<16xi32> to vector<16xi32>
        %swap3A_490 = vector.shape_cast %add3A_486 : vector<16xi32> to vector<16xi32>
        tpu.vector_store %arg15[%swap3A_487], %swap3A_490 {strides = array<i32>} : memref<40xi32, #tpu.memory_space<vmem>>, vector<16xi32>,
        %dma_wait3A_491 = arith.constant 0 : i32
        %dma_wait3A_492 = arith.constant 0 : i32
        %dma_wait3A_493 = tpu.memref_slice %arg7[%dma_wait3A_491, %dma_wait3A_492] : memref<10000x128xf32, #tpu.memory_space<hbm>> -> memref<10000x128xf32, #tpu.memory_space<hbm>>
        tpu.wait_indirect_dma semaphore(%arg30 : memref<!tpu.dma_semaphore, #tpu.memory_space<semaphore_mem>>) src(%dma_wait3A_493 : memref<10000x128xf32, #tpu.memory_space<hbm>>) dst(%arg25 : memref<40x128xf32, #tpu.memory_space<vmem>>)
        %scan3A_494 = arith.constant 0 : i32
        %scan3A_495 = arith.constant 0 : i32
        %scan3A_496 = arith.constant 40 : i32
        %scan3A_497 = arith.addi %scan3A_495, %scan3A_496 : i32
        %scan3A_498 = arith.constant 1 : i32
        %scan3A_499 = scf.for %scan3A_528 = %scan3A_495 to %scan3A_497 step %scan3A_498 iter_args(%scan3A_529 = %scan3A_494) -> (i32)  : i32 {
          %get3A_530 = arith.index_cast %scan3A_528 : i32 to index
          %get3A_531 = tpu.vector_load %arg21[%get3A_530] {strides = array<i32>} : memref<56xf32, #tpu.memory_space<vmem>>, vector<16xf32>,
          %get3A_532 = vector.shape_cast %get3A_531 : vector<16xf32> to vector<16xf32>
          %slice3A = vector.extract_strided_slice %get3A_532 {offsets = [0], sizes = [1], strides = [1]} : vector<16xf32> to vector<1xf32>
          %squeeze3A = vector.extract %slice3A[0] : f32 from vector<1xf32>
          %broadcast_in_dim3A = vector.broadcast %squeeze3A : f32 to vector<16xf32>
          %get3A_533 = arith.index_cast %scan3A_528 : i32 to index
          %get3A_534 = arith.constant 0 : index
          %get3A_535 = tpu.vector_load %arg23[%get3A_533, %get3A_534] {strides = array<i32>} : memref<40x128xf32, #tpu.memory_space<vmem>>, vector<1x16xf32>,
          %get3A_536 = vector.shape_cast %get3A_535 : vector<1x16xf32> to vector<16xf32>
          %mul3A_537 = arith.mulf %get3A_536, %broadcast_in_dim3A : vector<16xf32>
          %swap3A_538 = arith.index_cast %scan3A_528 : i32 to index
          %swap3A_539 = arith.constant 0 : index
          %swap3A_540 = tpu.vector_load %arg23[%swap3A_538, %swap3A_539] {strides = array<i32>} : memref<40x128xf32, #tpu.memory_space<vmem>>, vector<1x16xf32>,
          %swap3A_541 = vector.shape_cast %swap3A_540 : vector<1x16xf32> to vector<16xf32>
          %swap3A_542 = vector.shape_cast %mul3A_537 : vector<16xf32> to vector<1x16xf32>
          tpu.vector_store %arg23[%swap3A_538, %swap3A_539], %swap3A_542 {strides = array<i32>} : memref<40x128xf32, #tpu.memory_space<vmem>>, vector<1x16xf32>,
          %get3A_543 = arith.index_cast %scan3A_528 : i32 to index
          %get3A_544 = arith.constant 0 : index
          %get3A_545 = tpu.vector_load %arg25[%get3A_543, %get3A_544] {strides = array<i32>} : memref<40x128xf32, #tpu.memory_space<vmem>>, vector<1x16xf32>,
          %get3A_546 = vector.shape_cast %get3A_545 : vector<1x16xf32> to vector<16xf32>
          %mul3A_547 = arith.mulf %get3A_546, %broadcast_in_dim3A : vector<16xf32>
          %swap3A_548 = arith.index_cast %scan3A_528 : i32 to index
          %swap3A_549 = arith.constant 0 : index
          %swap3A_550 = tpu.vector_load %arg25[%swap3A_548, %swap3A_549] {strides = array<i32>} : memref<40x128xf32, #tpu.memory_space<vmem>>, vector<1x16xf32>,
          %swap3A_551 = vector.shape_cast %swap3A_550 : vector<1x16xf32> to vector<16xf32>
          %swap3A_552 = vector.shape_cast %mul3A_547 : vector<16xf32> to vector<1x16xf32>
          tpu.vector_store %arg25[%swap3A_548, %swap3A_549], %swap3A_552 {strides = array<i32>} : memref<40x128xf32, #tpu.memory_space<vmem>>, vector<1x16xf32>,
          %get3A_553 = arith.index_cast %scan3A_528 : i32 to index
          %get3A_554 = arith.constant 16 : index
          %get3A_555 = tpu.vector_load %arg23[%get3A_553, %get3A_554] {strides = array<i32>} : memref<40x128xf32, #tpu.memory_space<vmem>>, vector<1x16xf32>,
          %get3A_556 = vector.shape_cast %get3A_555 : vector<1x16xf32> to vector<16xf32>
          %mul3A_557 = arith.mulf %get3A_556, %broadcast_in_dim3A : vector<16xf32>
          %swap3A_558 = arith.index_cast %scan3A_528 : i32 to index
          %swap3A_559 = arith.constant 16 : index
          %swap3A_560 = tpu.vector_load %arg23[%swap3A_558, %swap3A_559] {strides = array<i32>} : memref<40x128xf32, #tpu.memory_space<vmem>>, vector<1x16xf32>,
          %swap3A_561 = vector.shape_cast %swap3A_560 : vector<1x16xf32> to vector<16xf32>
          %swap3A_562 = vector.shape_cast %mul3A_557 : vector<16xf32> to vector<1x16xf32>
          tpu.vector_store %arg23[%swap3A_558, %swap3A_559], %swap3A_562 {strides = array<i32>} : memref<40x128xf32, #tpu.memory_space<vmem>>, vector<1x16xf32>,
          %get3A_563 = arith.index_cast %scan3A_528 : i32 to index
          %get3A_564 = arith.constant 16 : index
          %get3A_565 = tpu.vector_load %arg25[%get3A_563, %get3A_564] {strides = array<i32>} : memref<40x128xf32, #tpu.memory_space<vmem>>, vector<1x16xf32>,
          %get3A_566 = vector.shape_cast %get3A_565 : vector<1x16xf32> to vector<16xf32>
          %mul3A_567 = arith.mulf %get3A_566, %broadcast_in_dim3A : vector<16xf32>
          %swap3A_568 = arith.index_cast %scan3A_528 : i32 to index
          %swap3A_569 = arith.constant 16 : index
          %swap3A_570 = tpu.vector_load %arg25[%swap3A_568, %swap3A_569] {strides = array<i32>} : memref<40x128xf32, #tpu.memory_space<vmem>>, vector<1x16xf32>,
          %swap3A_571 = vector.shape_cast %swap3A_570 : vector<1x16xf32> to vector<16xf32>
          %swap3A_572 = vector.shape_cast %mul3A_567 : vector<16xf32> to vector<1x16xf32>
          tpu.vector_store %arg25[%swap3A_568, %swap3A_569], %swap3A_572 {strides = array<i32>} : memref<40x128xf32, #tpu.memory_space<vmem>>, vector<1x16xf32>,
          %get3A_573 = arith.index_cast %scan3A_528 : i32 to index
          %get3A_574 = arith.constant 32 : index
          %get3A_575 = tpu.vector_load %arg23[%get3A_573, %get3A_574] {strides = array<i32>} : memref<40x128xf32, #tpu.memory_space<vmem>>, vector<1x16xf32>,
          %get3A_576 = vector.shape_cast %get3A_575 : vector<1x16xf32> to vector<16xf32>
          %mul3A_577 = arith.mulf %get3A_576, %broadcast_in_dim3A : vector<16xf32>
          %swap3A_578 = arith.index_cast %scan3A_528 : i32 to index
          %swap3A_579 = arith.constant 32 : index
          %swap3A_580 = tpu.vector_load %arg23[%swap3A_578, %swap3A_579] {strides = array<i32>} : memref<40x128xf32, #tpu.memory_space<vmem>>, vector<1x16xf32>,
          %swap3A_581 = vector.shape_cast %swap3A_580 : vector<1x16xf32> to vector<16xf32>
          %swap3A_582 = vector.shape_cast %mul3A_577 : vector<16xf32> to vector<1x16xf32>
          tpu.vector_store %arg23[%swap3A_578, %swap3A_579], %swap3A_582 {strides = array<i32>} : memref<40x128xf32, #tpu.memory_space<vmem>>, vector<1x16xf32>,
          %get3A_583 = arith.index_cast %scan3A_528 : i32 to index
          %get3A_584 = arith.constant 32 : index
          %get3A_585 = tpu.vector_load %arg25[%get3A_583, %get3A_584] {strides = array<i32>} : memref<40x128xf32, #tpu.memory_space<vmem>>, vector<1x16xf32>,
          %get3A_586 = vector.shape_cast %get3A_585 : vector<1x16xf32> to vector<16xf32>
          %mul3A_587 = arith.mulf %get3A_586, %broadcast_in_dim3A : vector<16xf32>
          %swap3A_588 = arith.index_cast %scan3A_528 : i32 to index
          %swap3A_589 = arith.constant 32 : index
          %swap3A_590 = tpu.vector_load %arg25[%swap3A_588, %swap3A_589] {strides = array<i32>} : memref<40x128xf32, #tpu.memory_space<vmem>>, vector<1x16xf32>,
          %swap3A_591 = vector.shape_cast %swap3A_590 : vector<1x16xf32> to vector<16xf32>
          %swap3A_592 = vector.shape_cast %mul3A_587 : vector<16xf32> to vector<1x16xf32>
          tpu.vector_store %arg25[%swap3A_588, %swap3A_589], %swap3A_592 {strides = array<i32>} : memref<40x128xf32, #tpu.memory_space<vmem>>, vector<1x16xf32>,
          %get3A_593 = arith.index_cast %scan3A_528 : i32 to index
          %get3A_594 = arith.constant 48 : index
          %get3A_595 = tpu.vector_load %arg23[%get3A_593, %get3A_594] {strides = array<i32>} : memref<40x128xf32, #tpu.memory_space<vmem>>, vector<1x16xf32>,
          %get3A_596 = vector.shape_cast %get3A_595 : vector<1x16xf32> to vector<16xf32>
          %mul3A_597 = arith.mulf %get3A_596, %broadcast_in_dim3A : vector<16xf32>
          %swap3A_598 = arith.index_cast %scan3A_528 : i32 to index
          %swap3A_599 = arith.constant 48 : index
          %swap3A_600 = tpu.vector_load %arg23[%swap3A_598, %swap3A_599] {strides = array<i32>} : memref<40x128xf32, #tpu.memory_space<vmem>>, vector<1x16xf32>,
          %swap3A_601 = vector.shape_cast %swap3A_600 : vector<1x16xf32> to vector<16xf32>
          %swap3A_602 = vector.shape_cast %mul3A_597 : vector<16xf32> to vector<1x16xf32>
          tpu.vector_store %arg23[%swap3A_598, %swap3A_599], %swap3A_602 {strides = array<i32>} : memref<40x128xf32, #tpu.memory_space<vmem>>, vector<1x16xf32>,
          %get3A_603 = arith.index_cast %scan3A_528 : i32 to index
          %get3A_604 = arith.constant 48 : index
          %get3A_605 = tpu.vector_load %arg25[%get3A_603, %get3A_604] {strides = array<i32>} : memref<40x128xf32, #tpu.memory_space<vmem>>, vector<1x16xf32>,
          %get3A_606 = vector.shape_cast %get3A_605 : vector<1x16xf32> to vector<16xf32>
          %mul3A_607 = arith.mulf %get3A_606, %broadcast_in_dim3A : vector<16xf32>
          %swap3A_608 = arith.index_cast %scan3A_528 : i32 to index
          %swap3A_609 = arith.constant 48 : index
          %swap3A_610 = tpu.vector_load %arg25[%swap3A_608, %swap3A_609] {strides = array<i32>} : memref<40x128xf32, #tpu.memory_space<vmem>>, vector<1x16xf32>,
          %swap3A_611 = vector.shape_cast %swap3A_610 : vector<1x16xf32> to vector<16xf32>
          %swap3A_612 = vector.shape_cast %mul3A_607 : vector<16xf32> to vector<1x16xf32>
          tpu.vector_store %arg25[%swap3A_608, %swap3A_609], %swap3A_612 {strides = array<i32>} : memref<40x128xf32, #tpu.memory_space<vmem>>, vector<1x16xf32>,
          %get3A_613 = arith.index_cast %scan3A_528 : i32 to index
          %get3A_614 = arith.constant 64 : index
          %get3A_615 = tpu.vector_load %arg23[%get3A_613, %get3A_614] {strides = array<i32>} : memref<40x128xf32, #tpu.memory_space<vmem>>, vector<1x16xf32>,
          %get3A_616 = vector.shape_cast %get3A_615 : vector<1x16xf32> to vector<16xf32>
          %mul3A_617 = arith.mulf %get3A_616, %broadcast_in_dim3A : vector<16xf32>
          %swap3A_618 = arith.index_cast %scan3A_528 : i32 to index
          %swap3A_619 = arith.constant 64 : index
          %swap3A_620 = tpu.vector_load %arg23[%swap3A_618, %swap3A_619] {strides = array<i32>} : memref<40x128xf32, #tpu.memory_space<vmem>>, vector<1x16xf32>,
          %swap3A_621 = vector.shape_cast %swap3A_620 : vector<1x16xf32> to vector<16xf32>
          %swap3A_622 = vector.shape_cast %mul3A_617 : vector<16xf32> to vector<1x16xf32>
          tpu.vector_store %arg23[%swap3A_618, %swap3A_619], %swap3A_622 {strides = array<i32>} : memref<40x128xf32, #tpu.memory_space<vmem>>, vector<1x16xf32>,
          %get3A_623 = arith.index_cast %scan3A_528 : i32 to index
          %get3A_624 = arith.constant 64 : index
          %get3A_625 = tpu.vector_load %arg25[%get3A_623, %get3A_624] {strides = array<i32>} : memref<40x128xf32, #tpu.memory_space<vmem>>, vector<1x16xf32>,
          %get3A_626 = vector.shape_cast %get3A_625 : vector<1x16xf32> to vector<16xf32>
          %mul3A_627 = arith.mulf %get3A_626, %broadcast_in_dim3A : vector<16xf32>
          %swap3A_628 = arith.index_cast %scan3A_528 : i32 to index
          %swap3A_629 = arith.constant 64 : index
          %swap3A_630 = tpu.vector_load %arg25[%swap3A_628, %swap3A_629] {strides = array<i32>} : memref<40x128xf32, #tpu.memory_space<vmem>>, vector<1x16xf32>,
          %swap3A_631 = vector.shape_cast %swap3A_630 : vector<1x16xf32> to vector<16xf32>
          %swap3A_632 = vector.shape_cast %mul3A_627 : vector<16xf32> to vector<1x16xf32>
          tpu.vector_store %arg25[%swap3A_628, %swap3A_629], %swap3A_632 {strides = array<i32>} : memref<40x128xf32, #tpu.memory_space<vmem>>, vector<1x16xf32>,
          %get3A_633 = arith.index_cast %scan3A_528 : i32 to index
          %get3A_634 = arith.constant 80 : index
          %get3A_635 = tpu.vector_load %arg23[%get3A_633, %get3A_634] {strides = array<i32>} : memref<40x128xf32, #tpu.memory_space<vmem>>, vector<1x16xf32>,
          %get3A_636 = vector.shape_cast %get3A_635 : vector<1x16xf32> to vector<16xf32>
          %mul3A_637 = arith.mulf %get3A_636, %broadcast_in_dim3A : vector<16xf32>
          %swap3A_638 = arith.index_cast %scan3A_528 : i32 to index
          %swap3A_639 = arith.constant 80 : index
          %swap3A_640 = tpu.vector_load %arg23[%swap3A_638, %swap3A_639] {strides = array<i32>} : memref<40x128xf32, #tpu.memory_space<vmem>>, vector<1x16xf32>,
          %swap3A_641 = vector.shape_cast %swap3A_640 : vector<1x16xf32> to vector<16xf32>
          %swap3A_642 = vector.shape_cast %mul3A_637 : vector<16xf32> to vector<1x16xf32>
          tpu.vector_store %arg23[%swap3A_638, %swap3A_639], %swap3A_642 {strides = array<i32>} : memref<40x128xf32, #tpu.memory_space<vmem>>, vector<1x16xf32>,
          %get3A_643 = arith.index_cast %scan3A_528 : i32 to index
          %get3A_644 = arith.constant 80 : index
          %get3A_645 = tpu.vector_load %arg25[%get3A_643, %get3A_644] {strides = array<i32>} : memref<40x128xf32, #tpu.memory_space<vmem>>, vector<1x16xf32>,
          %get3A_646 = vector.shape_cast %get3A_645 : vector<1x16xf32> to vector<16xf32>
          %mul3A_647 = arith.mulf %get3A_646, %broadcast_in_dim3A : vector<16xf32>
          %swap3A_648 = arith.index_cast %scan3A_528 : i32 to index
          %swap3A_649 = arith.constant 80 : index
          %swap3A_650 = tpu.vector_load %arg25[%swap3A_648, %swap3A_649] {strides = array<i32>} : memref<40x128xf32, #tpu.memory_space<vmem>>, vector<1x16xf32>,
          %swap3A_651 = vector.shape_cast %swap3A_650 : vector<1x16xf32> to vector<16xf32>
          %swap3A_652 = vector.shape_cast %mul3A_647 : vector<16xf32> to vector<1x16xf32>
          tpu.vector_store %arg25[%swap3A_648, %swap3A_649], %swap3A_652 {strides = array<i32>} : memref<40x128xf32, #tpu.memory_space<vmem>>, vector<1x16xf32>,
          %get3A_653 = arith.index_cast %scan3A_528 : i32 to index
          %get3A_654 = arith.constant 96 : index
          %get3A_655 = tpu.vector_load %arg23[%get3A_653, %get3A_654] {strides = array<i32>} : memref<40x128xf32, #tpu.memory_space<vmem>>, vector<1x16xf32>,
          %get3A_656 = vector.shape_cast %get3A_655 : vector<1x16xf32> to vector<16xf32>
          %mul3A_657 = arith.mulf %get3A_656, %broadcast_in_dim3A : vector<16xf32>
          %swap3A_658 = arith.index_cast %scan3A_528 : i32 to index
          %swap3A_659 = arith.constant 96 : index
          %swap3A_660 = tpu.vector_load %arg23[%swap3A_658, %swap3A_659] {strides = array<i32>} : memref<40x128xf32, #tpu.memory_space<vmem>>, vector<1x16xf32>,
          %swap3A_661 = vector.shape_cast %swap3A_660 : vector<1x16xf32> to vector<16xf32>
          %swap3A_662 = vector.shape_cast %mul3A_657 : vector<16xf32> to vector<1x16xf32>
          tpu.vector_store %arg23[%swap3A_658, %swap3A_659], %swap3A_662 {strides = array<i32>} : memref<40x128xf32, #tpu.memory_space<vmem>>, vector<1x16xf32>,
          %get3A_663 = arith.index_cast %scan3A_528 : i32 to index
          %get3A_664 = arith.constant 96 : index
          %get3A_665 = tpu.vector_load %arg25[%get3A_663, %get3A_664] {strides = array<i32>} : memref<40x128xf32, #tpu.memory_space<vmem>>, vector<1x16xf32>,
          %get3A_666 = vector.shape_cast %get3A_665 : vector<1x16xf32> to vector<16xf32>
          %mul3A_667 = arith.mulf %get3A_666, %broadcast_in_dim3A : vector<16xf32>
          %swap3A_668 = arith.index_cast %scan3A_528 : i32 to index
          %swap3A_669 = arith.constant 96 : index
          %swap3A_670 = tpu.vector_load %arg25[%swap3A_668, %swap3A_669] {strides = array<i32>} : memref<40x128xf32, #tpu.memory_space<vmem>>, vector<1x16xf32>,
          %swap3A_671 = vector.shape_cast %swap3A_670 : vector<1x16xf32> to vector<16xf32>
          %swap3A_672 = vector.shape_cast %mul3A_667 : vector<16xf32> to vector<1x16xf32>
          tpu.vector_store %arg25[%swap3A_668, %swap3A_669], %swap3A_672 {strides = array<i32>} : memref<40x128xf32, #tpu.memory_space<vmem>>, vector<1x16xf32>,
          %get3A_673 = arith.index_cast %scan3A_528 : i32 to index
          %get3A_674 = arith.constant 112 : index
          %get3A_675 = tpu.vector_load %arg23[%get3A_673, %get3A_674] {strides = array<i32>} : memref<40x128xf32, #tpu.memory_space<vmem>>, vector<1x16xf32>,
          %get3A_676 = vector.shape_cast %get3A_675 : vector<1x16xf32> to vector<16xf32>
          %mul3A_677 = arith.mulf %get3A_676, %broadcast_in_dim3A : vector<16xf32>
          %swap3A_678 = arith.index_cast %scan3A_528 : i32 to index
          %swap3A_679 = arith.constant 112 : index
          %swap3A_680 = tpu.vector_load %arg23[%swap3A_678, %swap3A_679] {strides = array<i32>} : memref<40x128xf32, #tpu.memory_space<vmem>>, vector<1x16xf32>,
          %swap3A_681 = vector.shape_cast %swap3A_680 : vector<1x16xf32> to vector<16xf32>
          %swap3A_682 = vector.shape_cast %mul3A_677 : vector<16xf32> to vector<1x16xf32>
          tpu.vector_store %arg23[%swap3A_678, %swap3A_679], %swap3A_682 {strides = array<i32>} : memref<40x128xf32, #tpu.memory_space<vmem>>, vector<1x16xf32>,
          %get3A_683 = arith.index_cast %scan3A_528 : i32 to index
          %get3A_684 = arith.constant 112 : index
          %get3A_685 = tpu.vector_load %arg25[%get3A_683, %get3A_684] {strides = array<i32>} : memref<40x128xf32, #tpu.memory_space<vmem>>, vector<1x16xf32>,
          %get3A_686 = vector.shape_cast %get3A_685 : vector<1x16xf32> to vector<16xf32>
          %mul3A_687 = arith.mulf %get3A_686, %broadcast_in_dim3A : vector<16xf32>
          %swap3A_688 = arith.index_cast %scan3A_528 : i32 to index
          %swap3A_689 = arith.constant 112 : index
          %swap3A_690 = tpu.vector_load %arg25[%swap3A_688, %swap3A_689] {strides = array<i32>} : memref<40x128xf32, #tpu.memory_space<vmem>>, vector<1x16xf32>,
          %swap3A_691 = vector.shape_cast %swap3A_690 : vector<1x16xf32> to vector<16xf32>
          %swap3A_692 = vector.shape_cast %mul3A_687 : vector<16xf32> to vector<1x16xf32>
          tpu.vector_store %arg25[%swap3A_688, %swap3A_689], %swap3A_692 {strides = array<i32>} : memref<40x128xf32, #tpu.memory_space<vmem>>, vector<1x16xf32>,
          %scan3A_693 = arith.constant 0 : i32
          scf.yield %scan3A_693 : i32
        }
        %scan3A_500 = arith.constant 40 : i32
        %sub3A_501 = arith.constant 1 : i32
        %sub3A_502 = arith.subi %add3A_429, %sub3A_501 : i32
        %ge3A_503 = arith.constant 0 : i32
        %ge3A_504 = arith.cmpi sge, %sub3A_502, %ge3A_503 : i32
        %convert_element_type3A_505 = arith.extui %ge3A_504 : i1 to i32
        %cond3A_506 = arith.constant 0 : i32
        %cond3A_507 = arith.cmpi ne, %convert_element_type3A_505, %cond3A_506 : i32
        scf.if %cond3A_507 {
          %mul3A_528 = arith.constant 20000 : i32
          %mul3A_529 = arith.muli %arg1, %mul3A_528 : i32
          %mul3A_530 = arith.constant 40 : i32
          %mul3A_531 = arith.muli %sub3A_502, %mul3A_530 : i32
          %add3A_532 = arith.addi %mul3A_529, %mul3A_531 : i32
          %add3A_533 = arith.constant 0 : i32
          %add3A_534 = arith.addi %add3A_533, %add3A_532 : i32
          %dma_wait3A_535 = arith.constant 0 : i32
          %dma_wait3A_536 = tpu.memref_slice %arg9[%add3A_534, %dma_wait3A_535] : memref<661600x128xf32, #tpu.memory_space<hbm>> -> memref<40x128xf32, #tpu.memory_space<hbm>>
          %dma_wait3A_537 = arith.constant 0 : i32
          %dma_wait3A_538 = tpu.memref_slice %arg9[%add3A_534, %dma_wait3A_537] : memref<661600x128xf32, #tpu.memory_space<hbm>> -> memref<40x128xf32, #tpu.memory_space<hbm>>
          tpu.wait_dma2 semaphore(%arg31 : memref<!tpu.dma_semaphore, #tpu.memory_space<semaphore_mem>>) src(%arg24 : memref<40x128xf32, #tpu.memory_space<vmem>>) dst(%dma_wait3A_538 : memref<40x128xf32, #tpu.memory_space<hbm>>)
        } else {
        }
        %add3A_508 = arith.constant 1 : i32
        %add3A_509 = arith.addi %add3A_429, %add3A_508 : i32
        %lt3A_510 = arith.constant 500 : i32
        %lt3A_511 = arith.cmpi slt, %add3A_509, %lt3A_510 : i32
        %convert_element_type3A_512 = arith.extui %lt3A_511 : i1 to i32
        %cond3A_513 = arith.constant 0 : i32
        %cond3A_514 = arith.cmpi ne, %convert_element_type3A_512, %cond3A_513 : i32
        scf.if %cond3A_514 {
          %add3A_528 = arith.constant 1 : i32
          %add3A_529 = arith.addi %add3A_429, %add3A_528 : i32
          %mul3A_530 = arith.constant 20000 : i32
          %mul3A_531 = arith.muli %arg1, %mul3A_530 : i32
          %mul3A_532 = arith.constant 40 : i32
          %mul3A_533 = arith.muli %add3A_529, %mul3A_532 : i32
          %add3A_534 = arith.addi %mul3A_531, %mul3A_533 : i32
          %dma_wait3A_535 = arith.constant 0 : i32
          %dma_wait3A_536 = tpu.memref_slice %arg20[%dma_wait3A_535] : memref<56xf32, #tpu.memory_space<vmem>> -> memref<40xf32, #tpu.memory_space<vmem>>
          %dma_wait3A_537 = tpu.memref_slice %arg6[%add3A_534] : memref<320000xf32, #tpu.memory_space<hbm>> -> memref<40xf32, #tpu.memory_space<hbm>>
          %dma_wait3A_538 = arith.constant 0 : i32
          %dma_wait3A_539 = tpu.memref_slice %arg20[%dma_wait3A_538] : memref<56xf32, #tpu.memory_space<vmem>> -> memref<40xf32, #tpu.memory_space<vmem>>
          %dma_wait3A_540 = tpu.memref_slice %arg6[%add3A_534] : memref<320000xf32, #tpu.memory_space<hbm>> -> memref<40xf32, #tpu.memory_space<hbm>>
          tpu.wait_dma2 semaphore(%arg27 : memref<!tpu.dma_semaphore, #tpu.memory_space<semaphore_mem>>) src(%dma_wait3A_540 : memref<40xf32, #tpu.memory_space<hbm>>) dst(%dma_wait3A_539 : memref<40xf32, #tpu.memory_space<vmem>>)
          %dma_wait3A_541 = tpu.memref_slice %arg2[%add3A_534] : memref<320000xi32, #tpu.memory_space<hbm>> -> memref<40xi32, #tpu.memory_space<hbm>>
          %dma_wait3A_542 = tpu.memref_slice %arg2[%add3A_534] : memref<320000xi32, #tpu.memory_space<hbm>> -> memref<40xi32, #tpu.memory_space<hbm>>
          tpu.wait_dma2 semaphore(%arg27 : memref<!tpu.dma_semaphore, #tpu.memory_space<semaphore_mem>>) src(%dma_wait3A_542 : memref<40xi32, #tpu.memory_space<hbm>>) dst(%arg12 : memref<40xi32, #tpu.memory_space<vmem>>)
          %dma_wait3A_543 = arith.constant 0 : i32
          %dma_wait3A_544 = tpu.memref_slice %arg8[%add3A_534, %dma_wait3A_543] : memref<320000x128xf32, #tpu.memory_space<hbm>> -> memref<40x128xf32, #tpu.memory_space<hbm>>
          %dma_wait3A_545 = arith.constant 0 : i32
          %dma_wait3A_546 = tpu.memref_slice %arg8[%add3A_534, %dma_wait3A_545] : memref<320000x128xf32, #tpu.memory_space<hbm>> -> memref<40x128xf32, #tpu.memory_space<hbm>>
          tpu.wait_dma2 semaphore(%arg27 : memref<!tpu.dma_semaphore, #tpu.memory_space<semaphore_mem>>) src(%dma_wait3A_546 : memref<40x128xf32, #tpu.memory_space<hbm>>) dst(%arg22 : memref<40x128xf32, #tpu.memory_space<vmem>>)
          %dma_wait3A_547 = tpu.memref_slice %arg3[%add3A_534] : memref<320000xi32, #tpu.memory_space<hbm>> -> memref<40xi32, #tpu.memory_space<hbm>>
          %dma_wait3A_548 = tpu.memref_slice %arg3[%add3A_534] : memref<320000xi32, #tpu.memory_space<hbm>> -> memref<40xi32, #tpu.memory_space<hbm>>
          tpu.wait_dma2 semaphore(%arg27 : memref<!tpu.dma_semaphore, #tpu.memory_space<semaphore_mem>>) src(%dma_wait3A_548 : memref<40xi32, #tpu.memory_space<hbm>>) dst(%arg16 : memref<40xi32, #tpu.memory_space<vmem>>)
          %dma_wait3A_549 = tpu.memref_slice %arg5[%add3A_534] : memref<320000xi32, #tpu.memory_space<hbm>> -> memref<40xi32, #tpu.memory_space<hbm>>
          %dma_wait3A_550 = tpu.memref_slice %arg5[%add3A_534] : memref<320000xi32, #tpu.memory_space<hbm>> -> memref<40xi32, #tpu.memory_space<hbm>>
          tpu.wait_dma2 semaphore(%arg27 : memref<!tpu.dma_semaphore, #tpu.memory_space<semaphore_mem>>) src(%dma_wait3A_550 : memref<40xi32, #tpu.memory_space<hbm>>) dst(%arg18 : memref<40xi32, #tpu.memory_space<vmem>>)
          %dma_start3A_551 = arith.constant 0 : i32
          %dma_start3A_552 = arith.constant 0 : i32
          %dma_start3A_553 = tpu.memref_slice %arg7[%dma_start3A_551, %dma_start3A_552] : memref<10000x128xf32, #tpu.memory_space<hbm>> -> memref<10000x128xf32, #tpu.memory_space<hbm>>
          tpu.enqueue_indirect_dma source(%dma_start3A_553 : memref<10000x128xf32, #tpu.memory_space<hbm>>) target(%arg24 : memref<40x128xf32, #tpu.memory_space<vmem>>) offsets(%arg12 : memref<40xi32, #tpu.memory_space<vmem>>) semaphore(%arg29 : memref<!tpu.dma_semaphore, #tpu.memory_space<semaphore_mem>>)
        } else {
        }
        %add3A_515 = arith.constant 0 : i32
        %add3A_516 = arith.addi %add3A_515, %add3A_448 : i32
        %dma_start3A_517 = arith.constant 0 : i32
        %dma_start3A_518 = tpu.memref_slice %arg9[%add3A_516, %dma_start3A_517] : memref<661600x128xf32, #tpu.memory_space<hbm>> -> memref<40x128xf32, #tpu.memory_space<hbm>>
        %dma_start3A_519 = arith.constant 0 : i32
        %dma_start3A_520 = tpu.memref_slice %arg9[%add3A_516, %dma_start3A_519] : memref<661600x128xf32, #tpu.memory_space<hbm>> -> memref<40x128xf32, #tpu.memory_space<hbm>>
        tpu.enqueue_dma source(%arg25 : memref<40x128xf32, #tpu.memory_space<vmem>>) target(%dma_start3A_520 : memref<40x128xf32, #tpu.memory_space<hbm>>) target_semaphore(%arg32 : memref<!tpu.dma_semaphore, #tpu.memory_space<semaphore_mem>>)
        %dma_start3A_521 = arith.constant 0 : i32
        %dma_start3A_522 = arith.constant 0 : i32
        %dma_start3A_523 = tpu.memref_slice %arg10[%dma_start3A_521, %dma_start3A_522] : memref<10000x128xf32, #tpu.memory_space<vmem_shared>> -> memref<10000x128xf32, #tpu.memory_space<vmem_shared>>
        tpu.enqueue_indirect_dma source(%arg23 : memref<40x128xf32, #tpu.memory_space<vmem>>) target(%dma_start3A_523 : memref<10000x128xf32, #tpu.memory_space<vmem_shared>>) offsets(%arg13 : memref<40xi32, #tpu.memory_space<vmem>>) semaphore(%arg34 : memref<!tpu.dma_semaphore, #tpu.memory_space<semaphore_mem>>) {add = true}
        %dma_start3A_524 = arith.constant 0 : i32
        %dma_start3A_525 = arith.constant 0 : i32
        %dma_start3A_526 = tpu.memref_slice %arg11[%dma_start3A_524, %dma_start3A_525] : memref<1600x128xf32, #tpu.memory_space<vmem_shared>> -> memref<1600x128xf32, #tpu.memory_space<vmem_shared>>
        tpu.enqueue_indirect_dma source(%arg23 : memref<40x128xf32, #tpu.memory_space<vmem>>) target(%dma_start3A_526 : memref<1600x128xf32, #tpu.memory_space<vmem_shared>>) offsets(%arg15 : memref<40xi32, #tpu.memory_space<vmem>>) semaphore(%arg34 : memref<!tpu.dma_semaphore, #tpu.memory_space<semaphore_mem>>) {add = true}
        %scan3A_527 = arith.constant 0 : i32
        scf.yield %scan3A_527 : i32
      }
      %scan3A_312 = arith.constant 250 : i32
      %mul3A_313 = arith.constant 20000 : i32
      %mul3A_314 = arith.muli %arg1, %mul3A_313 : i32
      %add3A_315 = arith.constant 19960 : i32
      %add3A_316 = arith.addi %mul3A_314, %add3A_315 : i32
      %add3A_317 = arith.constant 0 : i32
      %add3A_318 = arith.addi %add3A_317, %add3A_316 : i32
      %dma_wait3A_319 = arith.constant 0 : i32
      %dma_wait3A_320 = tpu.memref_slice %arg9[%add3A_318, %dma_wait3A_319] : memref<661600x128xf32, #tpu.memory_space<hbm>> -> memref<40x128xf32, #tpu.memory_space<hbm>>
      %dma_wait3A_321 = arith.constant 0 : i32
      %dma_wait3A_322 = tpu.memref_slice %arg9[%add3A_318, %dma_wait3A_321] : memref<661600x128xf32, #tpu.memory_space<hbm>> -> memref<40x128xf32, #tpu.memory_space<hbm>>
      tpu.wait_dma2 semaphore(%arg32 : memref<!tpu.dma_semaphore, #tpu.memory_space<semaphore_mem>>) src(%arg25 : memref<40x128xf32, #tpu.memory_space<vmem>>) dst(%dma_wait3A_322 : memref<40x128xf32, #tpu.memory_space<hbm>>)
      %dma_wait3A_323 = arith.constant 0 : i32
      %dma_wait3A_324 = arith.constant 0 : i32
      %dma_wait3A_325 = tpu.memref_slice %arg10[%dma_wait3A_323, %dma_wait3A_324] : memref<10000x128xf32, #tpu.memory_space<vmem_shared>> -> memref<10000x128xf32, #tpu.memory_space<vmem_shared>>
      tpu.wait_indirect_dma semaphore(%arg34 : memref<!tpu.dma_semaphore, #tpu.memory_space<semaphore_mem>>) src(%arg23 : memref<40x128xf32, #tpu.memory_space<vmem>>) dst(%dma_wait3A_325 : memref<10000x128xf32, #tpu.memory_space<vmem_shared>>)
      %dma_wait3A_326 = arith.constant 0 : i32
      %dma_wait3A_327 = arith.constant 0 : i32
      %dma_wait3A_328 = tpu.memref_slice %arg11[%dma_wait3A_326, %dma_wait3A_327] : memref<1600x128xf32, #tpu.memory_space<vmem_shared>> -> memref<1600x128xf32, #tpu.memory_space<vmem_shared>>
      tpu.wait_indirect_dma semaphore(%arg34 : memref<!tpu.dma_semaphore, #tpu.memory_space<semaphore_mem>>) src(%arg23 : memref<40x128xf32, #tpu.memory_space<vmem>>) dst(%dma_wait3A_328 : memref<1600x128xf32, #tpu.memory_space<vmem_shared>>)
    } else {
    }
    %barrier3A_144 = arith.constant 0 : index
    tpu.barrier barrier_id(%barrier3A_144)
    %mul3A = arith.constant 10000 : i32
    %mul3A_145 = arith.muli %arg0, %mul3A : i32
    %add3A_146 = arith.constant 640000 : i32
    %add3A_147 = arith.addi %add3A_146, %mul3A_145 : i32
    %add3A_148 = arith.constant 0 : i32
    %add3A_149 = arith.addi %add3A_148, %arg1 : i32
    %lt3A_150 = arith.constant 250 : i32
    %lt3A_151 = arith.cmpi slt, %add3A_149, %lt3A_150 : i32
    %convert_element_type3A_152 = arith.extui %lt3A_151 : i1 to i32
    %cond3A_153 = arith.constant 0 : i32
    %cond3A_154 = arith.cmpi ne, %convert_element_type3A_152, %cond3A_153 : i32
    scf.if %cond3A_154 {
      %mul3A_265 = arith.constant 40 : i32
      %mul3A_266 = arith.muli %add3A_149, %mul3A_265 : i32
      %mul3A_267 = arith.constant 40 : i32
      %mul3A_268 = arith.muli %add3A_149, %mul3A_267 : i32
      %add3A_269 = arith.addi %add3A_147, %mul3A_268 : i32
      "tpu.region"() ({
        %run_scoped3A = tpu.sem_alloc : memref<!tpu.dma_semaphore, #tpu.memory_space<semaphore_mem>>
        %dma_start3A = arith.constant 0 : i32
        %dma_start3A_270 = tpu.memref_slice %arg9[%add3A_269, %dma_start3A] : memref<661600x128xf32, #tpu.memory_space<hbm>> -> memref<40x128xf32, #tpu.memory_space<hbm>>
        %dma_start3A_271 = arith.constant 0 : i32
        %dma_start3A_272 = tpu.memref_slice %arg10[%mul3A_266, %dma_start3A_271] : memref<10000x128xf32, #tpu.memory_space<vmem_shared>> -> memref<40x128xf32, #tpu.memory_space<vmem_shared>>
        tpu.enqueue_dma source(%dma_start3A_272 : memref<40x128xf32, #tpu.memory_space<vmem_shared>>) target(%dma_start3A_270 : memref<40x128xf32, #tpu.memory_space<hbm>>) target_semaphore(%run_scoped3A : memref<!tpu.dma_semaphore, #tpu.memory_space<semaphore_mem>>)
        %dma_wait3A = arith.constant 0 : i32
        %dma_wait3A_273 = tpu.memref_slice %arg9[%add3A_269, %dma_wait3A] : memref<661600x128xf32, #tpu.memory_space<hbm>> -> memref<40x128xf32, #tpu.memory_space<hbm>>
        %dma_wait3A_274 = arith.constant 0 : i32
        %dma_wait3A_275 = tpu.memref_slice %arg10[%mul3A_266, %dma_wait3A_274] : memref<10000x128xf32, #tpu.memory_space<vmem_shared>> -> memref<40x128xf32, #tpu.memory_space<vmem_shared>>
        tpu.wait_dma2 semaphore(%run_scoped3A : memref<!tpu.dma_semaphore, #tpu.memory_space<semaphore_mem>>) src(%dma_wait3A_275 : memref<40x128xf32, #tpu.memory_space<vmem_shared>>) dst(%dma_wait3A_273 : memref<40x128xf32, #tpu.memory_space<hbm>>)
        tpu.yield
      }) : () -> ()
    } else {
    }
    %add3A_155 = arith.constant 16 : i32
    %add3A_156 = arith.addi %add3A_155, %arg1 : i32
    %lt3A_157 = arith.constant 250 : i32
    %lt3A_158 = arith.cmpi slt, %add3A_156, %lt3A_157 : i32
    %convert_element_type3A_159 = arith.extui %lt3A_158 : i1 to i32
    %cond3A_160 = arith.constant 0 : i32
    %cond3A_161 = arith.cmpi ne, %convert_element_type3A_159, %cond3A_160 : i32
    scf.if %cond3A_161 {
      %mul3A_265 = arith.constant 40 : i32
      %mul3A_266 = arith.muli %add3A_156, %mul3A_265 : i32
      %mul3A_267 = arith.constant 40 : i32
      %mul3A_268 = arith.muli %add3A_156, %mul3A_267 : i32
      %add3A_269 = arith.addi %add3A_147, %mul3A_268 : i32
      "tpu.region"() ({
        %run_scoped3A = tpu.sem_alloc : memref<!tpu.dma_semaphore, #tpu.memory_space<semaphore_mem>>
        %dma_start3A = arith.constant 0 : i32
        %dma_start3A_270 = tpu.memref_slice %arg9[%add3A_269, %dma_start3A] : memref<661600x128xf32, #tpu.memory_space<hbm>> -> memref<40x128xf32, #tpu.memory_space<hbm>>
        %dma_start3A_271 = arith.constant 0 : i32
        %dma_start3A_272 = tpu.memref_slice %arg10[%mul3A_266, %dma_start3A_271] : memref<10000x128xf32, #tpu.memory_space<vmem_shared>> -> memref<40x128xf32, #tpu.memory_space<vmem_shared>>
        tpu.enqueue_dma source(%dma_start3A_272 : memref<40x128xf32, #tpu.memory_space<vmem_shared>>) target(%dma_start3A_270 : memref<40x128xf32, #tpu.memory_space<hbm>>) target_semaphore(%run_scoped3A : memref<!tpu.dma_semaphore, #tpu.memory_space<semaphore_mem>>)
        %dma_wait3A = arith.constant 0 : i32
        %dma_wait3A_273 = tpu.memref_slice %arg9[%add3A_269, %dma_wait3A] : memref<661600x128xf32, #tpu.memory_space<hbm>> -> memref<40x128xf32, #tpu.memory_space<hbm>>
        %dma_wait3A_274 = arith.constant 0 : i32
        %dma_wait3A_275 = tpu.memref_slice %arg10[%mul3A_266, %dma_wait3A_274] : memref<10000x128xf32, #tpu.memory_space<vmem_shared>> -> memref<40x128xf32, #tpu.memory_space<vmem_shared>>
        tpu.wait_dma2 semaphore(%run_scoped3A : memref<!tpu.dma_semaphore, #tpu.memory_space<semaphore_mem>>) src(%dma_wait3A_275 : memref<40x128xf32, #tpu.memory_space<vmem_shared>>) dst(%dma_wait3A_273 : memref<40x128xf32, #tpu.memory_space<hbm>>)
        tpu.yield
      }) : () -> ()
    } else {
    }
    %add3A_162 = arith.constant 32 : i32
    %add3A_163 = arith.addi %add3A_162, %arg1 : i32
    %lt3A_164 = arith.constant 250 : i32
    %lt3A_165 = arith.cmpi slt, %add3A_163, %lt3A_164 : i32
    %convert_element_type3A_166 = arith.extui %lt3A_165 : i1 to i32
    %cond3A_167 = arith.constant 0 : i32
    %cond3A_168 = arith.cmpi ne, %convert_element_type3A_166, %cond3A_167 : i32
    scf.if %cond3A_168 {
      %mul3A_265 = arith.constant 40 : i32
      %mul3A_266 = arith.muli %add3A_163, %mul3A_265 : i32
      %mul3A_267 = arith.constant 40 : i32
      %mul3A_268 = arith.muli %add3A_163, %mul3A_267 : i32
      %add3A_269 = arith.addi %add3A_147, %mul3A_268 : i32
      "tpu.region"() ({
        %run_scoped3A = tpu.sem_alloc : memref<!tpu.dma_semaphore, #tpu.memory_space<semaphore_mem>>
        %dma_start3A = arith.constant 0 : i32
        %dma_start3A_270 = tpu.memref_slice %arg9[%add3A_269, %dma_start3A] : memref<661600x128xf32, #tpu.memory_space<hbm>> -> memref<40x128xf32, #tpu.memory_space<hbm>>
        %dma_start3A_271 = arith.constant 0 : i32
        %dma_start3A_272 = tpu.memref_slice %arg10[%mul3A_266, %dma_start3A_271] : memref<10000x128xf32, #tpu.memory_space<vmem_shared>> -> memref<40x128xf32, #tpu.memory_space<vmem_shared>>
        tpu.enqueue_dma source(%dma_start3A_272 : memref<40x128xf32, #tpu.memory_space<vmem_shared>>) target(%dma_start3A_270 : memref<40x128xf32, #tpu.memory_space<hbm>>) target_semaphore(%run_scoped3A : memref<!tpu.dma_semaphore, #tpu.memory_space<semaphore_mem>>)
        %dma_wait3A = arith.constant 0 : i32
        %dma_wait3A_273 = tpu.memref_slice %arg9[%add3A_269, %dma_wait3A] : memref<661600x128xf32, #tpu.memory_space<hbm>> -> memref<40x128xf32, #tpu.memory_space<hbm>>
        %dma_wait3A_274 = arith.constant 0 : i32
        %dma_wait3A_275 = tpu.memref_slice %arg10[%mul3A_266, %dma_wait3A_274] : memref<10000x128xf32, #tpu.memory_space<vmem_shared>> -> memref<40x128xf32, #tpu.memory_space<vmem_shared>>
        tpu.wait_dma2 semaphore(%run_scoped3A : memref<!tpu.dma_semaphore, #tpu.memory_space<semaphore_mem>>) src(%dma_wait3A_275 : memref<40x128xf32, #tpu.memory_space<vmem_shared>>) dst(%dma_wait3A_273 : memref<40x128xf32, #tpu.memory_space<hbm>>)
        tpu.yield
      }) : () -> ()
    } else {
    }
    %add3A_169 = arith.constant 48 : i32
    %add3A_170 = arith.addi %add3A_169, %arg1 : i32
    %lt3A_171 = arith.constant 250 : i32
    %lt3A_172 = arith.cmpi slt, %add3A_170, %lt3A_171 : i32
    %convert_element_type3A_173 = arith.extui %lt3A_172 : i1 to i32
    %cond3A_174 = arith.constant 0 : i32
    %cond3A_175 = arith.cmpi ne, %convert_element_type3A_173, %cond3A_174 : i32
    scf.if %cond3A_175 {
      %mul3A_265 = arith.constant 40 : i32
      %mul3A_266 = arith.muli %add3A_170, %mul3A_265 : i32
      %mul3A_267 = arith.constant 40 : i32
      %mul3A_268 = arith.muli %add3A_170, %mul3A_267 : i32
      %add3A_269 = arith.addi %add3A_147, %mul3A_268 : i32
      "tpu.region"() ({
        %run_scoped3A = tpu.sem_alloc : memref<!tpu.dma_semaphore, #tpu.memory_space<semaphore_mem>>
        %dma_start3A = arith.constant 0 : i32
        %dma_start3A_270 = tpu.memref_slice %arg9[%add3A_269, %dma_start3A] : memref<661600x128xf32, #tpu.memory_space<hbm>> -> memref<40x128xf32, #tpu.memory_space<hbm>>
        %dma_start3A_271 = arith.constant 0 : i32
        %dma_start3A_272 = tpu.memref_slice %arg10[%mul3A_266, %dma_start3A_271] : memref<10000x128xf32, #tpu.memory_space<vmem_shared>> -> memref<40x128xf32, #tpu.memory_space<vmem_shared>>
        tpu.enqueue_dma source(%dma_start3A_272 : memref<40x128xf32, #tpu.memory_space<vmem_shared>>) target(%dma_start3A_270 : memref<40x128xf32, #tpu.memory_space<hbm>>) target_semaphore(%run_scoped3A : memref<!tpu.dma_semaphore, #tpu.memory_space<semaphore_mem>>)
        %dma_wait3A = arith.constant 0 : i32
        %dma_wait3A_273 = tpu.memref_slice %arg9[%add3A_269, %dma_wait3A] : memref<661600x128xf32, #tpu.memory_space<hbm>> -> memref<40x128xf32, #tpu.memory_space<hbm>>
        %dma_wait3A_274 = arith.constant 0 : i32
        %dma_wait3A_275 = tpu.memref_slice %arg10[%mul3A_266, %dma_wait3A_274] : memref<10000x128xf32, #tpu.memory_space<vmem_shared>> -> memref<40x128xf32, #tpu.memory_space<vmem_shared>>
        tpu.wait_dma2 semaphore(%run_scoped3A : memref<!tpu.dma_semaphore, #tpu.memory_space<semaphore_mem>>) src(%dma_wait3A_275 : memref<40x128xf32, #tpu.memory_space<vmem_shared>>) dst(%dma_wait3A_273 : memref<40x128xf32, #tpu.memory_space<hbm>>)
        tpu.yield
      }) : () -> ()
    } else {
    }
    %add3A_176 = arith.constant 64 : i32
    %add3A_177 = arith.addi %add3A_176, %arg1 : i32
    %lt3A_178 = arith.constant 250 : i32
    %lt3A_179 = arith.cmpi slt, %add3A_177, %lt3A_178 : i32
    %convert_element_type3A_180 = arith.extui %lt3A_179 : i1 to i32
    %cond3A_181 = arith.constant 0 : i32
    %cond3A_182 = arith.cmpi ne, %convert_element_type3A_180, %cond3A_181 : i32
    scf.if %cond3A_182 {
      %mul3A_265 = arith.constant 40 : i32
      %mul3A_266 = arith.muli %add3A_177, %mul3A_265 : i32
      %mul3A_267 = arith.constant 40 : i32
      %mul3A_268 = arith.muli %add3A_177, %mul3A_267 : i32
      %add3A_269 = arith.addi %add3A_147, %mul3A_268 : i32
      "tpu.region"() ({
        %run_scoped3A = tpu.sem_alloc : memref<!tpu.dma_semaphore, #tpu.memory_space<semaphore_mem>>
        %dma_start3A = arith.constant 0 : i32
        %dma_start3A_270 = tpu.memref_slice %arg9[%add3A_269, %dma_start3A] : memref<661600x128xf32, #tpu.memory_space<hbm>> -> memref<40x128xf32, #tpu.memory_space<hbm>>
        %dma_start3A_271 = arith.constant 0 : i32
        %dma_start3A_272 = tpu.memref_slice %arg10[%mul3A_266, %dma_start3A_271] : memref<10000x128xf32, #tpu.memory_space<vmem_shared>> -> memref<40x128xf32, #tpu.memory_space<vmem_shared>>
        tpu.enqueue_dma source(%dma_start3A_272 : memref<40x128xf32, #tpu.memory_space<vmem_shared>>) target(%dma_start3A_270 : memref<40x128xf32, #tpu.memory_space<hbm>>) target_semaphore(%run_scoped3A : memref<!tpu.dma_semaphore, #tpu.memory_space<semaphore_mem>>)
        %dma_wait3A = arith.constant 0 : i32
        %dma_wait3A_273 = tpu.memref_slice %arg9[%add3A_269, %dma_wait3A] : memref<661600x128xf32, #tpu.memory_space<hbm>> -> memref<40x128xf32, #tpu.memory_space<hbm>>
        %dma_wait3A_274 = arith.constant 0 : i32
        %dma_wait3A_275 = tpu.memref_slice %arg10[%mul3A_266, %dma_wait3A_274] : memref<10000x128xf32, #tpu.memory_space<vmem_shared>> -> memref<40x128xf32, #tpu.memory_space<vmem_shared>>
        tpu.wait_dma2 semaphore(%run_scoped3A : memref<!tpu.dma_semaphore, #tpu.memory_space<semaphore_mem>>) src(%dma_wait3A_275 : memref<40x128xf32, #tpu.memory_space<vmem_shared>>) dst(%dma_wait3A_273 : memref<40x128xf32, #tpu.memory_space<hbm>>)
        tpu.yield
      }) : () -> ()
    } else {
    }
    %add3A_183 = arith.constant 80 : i32
    %add3A_184 = arith.addi %add3A_183, %arg1 : i32
    %lt3A_185 = arith.constant 250 : i32
    %lt3A_186 = arith.cmpi slt, %add3A_184, %lt3A_185 : i32
    %convert_element_type3A_187 = arith.extui %lt3A_186 : i1 to i32
    %cond3A_188 = arith.constant 0 : i32
    %cond3A_189 = arith.cmpi ne, %convert_element_type3A_187, %cond3A_188 : i32
    scf.if %cond3A_189 {
      %mul3A_265 = arith.constant 40 : i32
      %mul3A_266 = arith.muli %add3A_184, %mul3A_265 : i32
      %mul3A_267 = arith.constant 40 : i32
      %mul3A_268 = arith.muli %add3A_184, %mul3A_267 : i32
      %add3A_269 = arith.addi %add3A_147, %mul3A_268 : i32
      "tpu.region"() ({
        %run_scoped3A = tpu.sem_alloc : memref<!tpu.dma_semaphore, #tpu.memory_space<semaphore_mem>>
        %dma_start3A = arith.constant 0 : i32
        %dma_start3A_270 = tpu.memref_slice %arg9[%add3A_269, %dma_start3A] : memref<661600x128xf32, #tpu.memory_space<hbm>> -> memref<40x128xf32, #tpu.memory_space<hbm>>
        %dma_start3A_271 = arith.constant 0 : i32
        %dma_start3A_272 = tpu.memref_slice %arg10[%mul3A_266, %dma_start3A_271] : memref<10000x128xf32, #tpu.memory_space<vmem_shared>> -> memref<40x128xf32, #tpu.memory_space<vmem_shared>>
        tpu.enqueue_dma source(%dma_start3A_272 : memref<40x128xf32, #tpu.memory_space<vmem_shared>>) target(%dma_start3A_270 : memref<40x128xf32, #tpu.memory_space<hbm>>) target_semaphore(%run_scoped3A : memref<!tpu.dma_semaphore, #tpu.memory_space<semaphore_mem>>)
        %dma_wait3A = arith.constant 0 : i32
        %dma_wait3A_273 = tpu.memref_slice %arg9[%add3A_269, %dma_wait3A] : memref<661600x128xf32, #tpu.memory_space<hbm>> -> memref<40x128xf32, #tpu.memory_space<hbm>>
        %dma_wait3A_274 = arith.constant 0 : i32
        %dma_wait3A_275 = tpu.memref_slice %arg10[%mul3A_266, %dma_wait3A_274] : memref<10000x128xf32, #tpu.memory_space<vmem_shared>> -> memref<40x128xf32, #tpu.memory_space<vmem_shared>>
        tpu.wait_dma2 semaphore(%run_scoped3A : memref<!tpu.dma_semaphore, #tpu.memory_space<semaphore_mem>>) src(%dma_wait3A_275 : memref<40x128xf32, #tpu.memory_space<vmem_shared>>) dst(%dma_wait3A_273 : memref<40x128xf32, #tpu.memory_space<hbm>>)
        tpu.yield
      }) : () -> ()
    } else {
    }
    %add3A_190 = arith.constant 96 : i32
    %add3A_191 = arith.addi %add3A_190, %arg1 : i32
    %lt3A_192 = arith.constant 250 : i32
    %lt3A_193 = arith.cmpi slt, %add3A_191, %lt3A_192 : i32
    %convert_element_type3A_194 = arith.extui %lt3A_193 : i1 to i32
    %cond3A_195 = arith.constant 0 : i32
    %cond3A_196 = arith.cmpi ne, %convert_element_type3A_194, %cond3A_195 : i32
    scf.if %cond3A_196 {
      %mul3A_265 = arith.constant 40 : i32
      %mul3A_266 = arith.muli %add3A_191, %mul3A_265 : i32
      %mul3A_267 = arith.constant 40 : i32
      %mul3A_268 = arith.muli %add3A_191, %mul3A_267 : i32
      %add3A_269 = arith.addi %add3A_147, %mul3A_268 : i32
      "tpu.region"() ({
        %run_scoped3A = tpu.sem_alloc : memref<!tpu.dma_semaphore, #tpu.memory_space<semaphore_mem>>
        %dma_start3A = arith.constant 0 : i32
        %dma_start3A_270 = tpu.memref_slice %arg9[%add3A_269, %dma_start3A] : memref<661600x128xf32, #tpu.memory_space<hbm>> -> memref<40x128xf32, #tpu.memory_space<hbm>>
        %dma_start3A_271 = arith.constant 0 : i32
        %dma_start3A_272 = tpu.memref_slice %arg10[%mul3A_266, %dma_start3A_271] : memref<10000x128xf32, #tpu.memory_space<vmem_shared>> -> memref<40x128xf32, #tpu.memory_space<vmem_shared>>
        tpu.enqueue_dma source(%dma_start3A_272 : memref<40x128xf32, #tpu.memory_space<vmem_shared>>) target(%dma_start3A_270 : memref<40x128xf32, #tpu.memory_space<hbm>>) target_semaphore(%run_scoped3A : memref<!tpu.dma_semaphore, #tpu.memory_space<semaphore_mem>>)
        %dma_wait3A = arith.constant 0 : i32
        %dma_wait3A_273 = tpu.memref_slice %arg9[%add3A_269, %dma_wait3A] : memref<661600x128xf32, #tpu.memory_space<hbm>> -> memref<40x128xf32, #tpu.memory_space<hbm>>
        %dma_wait3A_274 = arith.constant 0 : i32
        %dma_wait3A_275 = tpu.memref_slice %arg10[%mul3A_266, %dma_wait3A_274] : memref<10000x128xf32, #tpu.memory_space<vmem_shared>> -> memref<40x128xf32, #tpu.memory_space<vmem_shared>>
        tpu.wait_dma2 semaphore(%run_scoped3A : memref<!tpu.dma_semaphore, #tpu.memory_space<semaphore_mem>>) src(%dma_wait3A_275 : memref<40x128xf32, #tpu.memory_space<vmem_shared>>) dst(%dma_wait3A_273 : memref<40x128xf32, #tpu.memory_space<hbm>>)
        tpu.yield
      }) : () -> ()
    } else {
    }
    %add3A_197 = arith.constant 112 : i32
    %add3A_198 = arith.addi %add3A_197, %arg1 : i32
    %lt3A_199 = arith.constant 250 : i32
    %lt3A_200 = arith.cmpi slt, %add3A_198, %lt3A_199 : i32
    %convert_element_type3A_201 = arith.extui %lt3A_200 : i1 to i32
    %cond3A_202 = arith.constant 0 : i32
    %cond3A_203 = arith.cmpi ne, %convert_element_type3A_201, %cond3A_202 : i32
    scf.if %cond3A_203 {
      %mul3A_265 = arith.constant 40 : i32
      %mul3A_266 = arith.muli %add3A_198, %mul3A_265 : i32
      %mul3A_267 = arith.constant 40 : i32
      %mul3A_268 = arith.muli %add3A_198, %mul3A_267 : i32
      %add3A_269 = arith.addi %add3A_147, %mul3A_268 : i32
      "tpu.region"() ({
        %run_scoped3A = tpu.sem_alloc : memref<!tpu.dma_semaphore, #tpu.memory_space<semaphore_mem>>
        %dma_start3A = arith.constant 0 : i32
        %dma_start3A_270 = tpu.memref_slice %arg9[%add3A_269, %dma_start3A] : memref<661600x128xf32, #tpu.memory_space<hbm>> -> memref<40x128xf32, #tpu.memory_space<hbm>>
        %dma_start3A_271 = arith.constant 0 : i32
        %dma_start3A_272 = tpu.memref_slice %arg10[%mul3A_266, %dma_start3A_271] : memref<10000x128xf32, #tpu.memory_space<vmem_shared>> -> memref<40x128xf32, #tpu.memory_space<vmem_shared>>
        tpu.enqueue_dma source(%dma_start3A_272 : memref<40x128xf32, #tpu.memory_space<vmem_shared>>) target(%dma_start3A_270 : memref<40x128xf32, #tpu.memory_space<hbm>>) target_semaphore(%run_scoped3A : memref<!tpu.dma_semaphore, #tpu.memory_space<semaphore_mem>>)
        %dma_wait3A = arith.constant 0 : i32
        %dma_wait3A_273 = tpu.memref_slice %arg9[%add3A_269, %dma_wait3A] : memref<661600x128xf32, #tpu.memory_space<hbm>> -> memref<40x128xf32, #tpu.memory_space<hbm>>
        %dma_wait3A_274 = arith.constant 0 : i32
        %dma_wait3A_275 = tpu.memref_slice %arg10[%mul3A_266, %dma_wait3A_274] : memref<10000x128xf32, #tpu.memory_space<vmem_shared>> -> memref<40x128xf32, #tpu.memory_space<vmem_shared>>
        tpu.wait_dma2 semaphore(%run_scoped3A : memref<!tpu.dma_semaphore, #tpu.memory_space<semaphore_mem>>) src(%dma_wait3A_275 : memref<40x128xf32, #tpu.memory_space<vmem_shared>>) dst(%dma_wait3A_273 : memref<40x128xf32, #tpu.memory_space<hbm>>)
        tpu.yield
      }) : () -> ()
    } else {
    }
    %add3A_204 = arith.constant 128 : i32
    %add3A_205 = arith.addi %add3A_204, %arg1 : i32
    %lt3A_206 = arith.constant 250 : i32
    %lt3A_207 = arith.cmpi slt, %add3A_205, %lt3A_206 : i32
    %convert_element_type3A_208 = arith.extui %lt3A_207 : i1 to i32
    %cond3A_209 = arith.constant 0 : i32
    %cond3A_210 = arith.cmpi ne, %convert_element_type3A_208, %cond3A_209 : i32
    scf.if %cond3A_210 {
      %mul3A_265 = arith.constant 40 : i32
      %mul3A_266 = arith.muli %add3A_205, %mul3A_265 : i32
      %mul3A_267 = arith.constant 40 : i32
      %mul3A_268 = arith.muli %add3A_205, %mul3A_267 : i32
      %add3A_269 = arith.addi %add3A_147, %mul3A_268 : i32
      "tpu.region"() ({
        %run_scoped3A = tpu.sem_alloc : memref<!tpu.dma_semaphore, #tpu.memory_space<semaphore_mem>>
        %dma_start3A = arith.constant 0 : i32
        %dma_start3A_270 = tpu.memref_slice %arg9[%add3A_269, %dma_start3A] : memref<661600x128xf32, #tpu.memory_space<hbm>> -> memref<40x128xf32, #tpu.memory_space<hbm>>
        %dma_start3A_271 = arith.constant 0 : i32
        %dma_start3A_272 = tpu.memref_slice %arg10[%mul3A_266, %dma_start3A_271] : memref<10000x128xf32, #tpu.memory_space<vmem_shared>> -> memref<40x128xf32, #tpu.memory_space<vmem_shared>>
        tpu.enqueue_dma source(%dma_start3A_272 : memref<40x128xf32, #tpu.memory_space<vmem_shared>>) target(%dma_start3A_270 : memref<40x128xf32, #tpu.memory_space<hbm>>) target_semaphore(%run_scoped3A : memref<!tpu.dma_semaphore, #tpu.memory_space<semaphore_mem>>)
        %dma_wait3A = arith.constant 0 : i32
        %dma_wait3A_273 = tpu.memref_slice %arg9[%add3A_269, %dma_wait3A] : memref<661600x128xf32, #tpu.memory_space<hbm>> -> memref<40x128xf32, #tpu.memory_space<hbm>>
        %dma_wait3A_274 = arith.constant 0 : i32
        %dma_wait3A_275 = tpu.memref_slice %arg10[%mul3A_266, %dma_wait3A_274] : memref<10000x128xf32, #tpu.memory_space<vmem_shared>> -> memref<40x128xf32, #tpu.memory_space<vmem_shared>>
        tpu.wait_dma2 semaphore(%run_scoped3A : memref<!tpu.dma_semaphore, #tpu.memory_space<semaphore_mem>>) src(%dma_wait3A_275 : memref<40x128xf32, #tpu.memory_space<vmem_shared>>) dst(%dma_wait3A_273 : memref<40x128xf32, #tpu.memory_space<hbm>>)
        tpu.yield
      }) : () -> ()
    } else {
    }
    %add3A_211 = arith.constant 144 : i32
    %add3A_212 = arith.addi %add3A_211, %arg1 : i32
    %lt3A_213 = arith.constant 250 : i32
    %lt3A_214 = arith.cmpi slt, %add3A_212, %lt3A_213 : i32
    %convert_element_type3A_215 = arith.extui %lt3A_214 : i1 to i32
    %cond3A_216 = arith.constant 0 : i32
    %cond3A_217 = arith.cmpi ne, %convert_element_type3A_215, %cond3A_216 : i32
    scf.if %cond3A_217 {
      %mul3A_265 = arith.constant 40 : i32
      %mul3A_266 = arith.muli %add3A_212, %mul3A_265 : i32
      %mul3A_267 = arith.constant 40 : i32
      %mul3A_268 = arith.muli %add3A_212, %mul3A_267 : i32
      %add3A_269 = arith.addi %add3A_147, %mul3A_268 : i32
      "tpu.region"() ({
        %run_scoped3A = tpu.sem_alloc : memref<!tpu.dma_semaphore, #tpu.memory_space<semaphore_mem>>
        %dma_start3A = arith.constant 0 : i32
        %dma_start3A_270 = tpu.memref_slice %arg9[%add3A_269, %dma_start3A] : memref<661600x128xf32, #tpu.memory_space<hbm>> -> memref<40x128xf32, #tpu.memory_space<hbm>>
        %dma_start3A_271 = arith.constant 0 : i32
        %dma_start3A_272 = tpu.memref_slice %arg10[%mul3A_266, %dma_start3A_271] : memref<10000x128xf32, #tpu.memory_space<vmem_shared>> -> memref<40x128xf32, #tpu.memory_space<vmem_shared>>
        tpu.enqueue_dma source(%dma_start3A_272 : memref<40x128xf32, #tpu.memory_space<vmem_shared>>) target(%dma_start3A_270 : memref<40x128xf32, #tpu.memory_space<hbm>>) target_semaphore(%run_scoped3A : memref<!tpu.dma_semaphore, #tpu.memory_space<semaphore_mem>>)
        %dma_wait3A = arith.constant 0 : i32
        %dma_wait3A_273 = tpu.memref_slice %arg9[%add3A_269, %dma_wait3A] : memref<661600x128xf32, #tpu.memory_space<hbm>> -> memref<40x128xf32, #tpu.memory_space<hbm>>
        %dma_wait3A_274 = arith.constant 0 : i32
        %dma_wait3A_275 = tpu.memref_slice %arg10[%mul3A_266, %dma_wait3A_274] : memref<10000x128xf32, #tpu.memory_space<vmem_shared>> -> memref<40x128xf32, #tpu.memory_space<vmem_shared>>
        tpu.wait_dma2 semaphore(%run_scoped3A : memref<!tpu.dma_semaphore, #tpu.memory_space<semaphore_mem>>) src(%dma_wait3A_275 : memref<40x128xf32, #tpu.memory_space<vmem_shared>>) dst(%dma_wait3A_273 : memref<40x128xf32, #tpu.memory_space<hbm>>)
        tpu.yield
      }) : () -> ()
    } else {
    }
    %add3A_218 = arith.constant 160 : i32
    %add3A_219 = arith.addi %add3A_218, %arg1 : i32
    %lt3A_220 = arith.constant 250 : i32
    %lt3A_221 = arith.cmpi slt, %add3A_219, %lt3A_220 : i32
    %convert_element_type3A_222 = arith.extui %lt3A_221 : i1 to i32
    %cond3A_223 = arith.constant 0 : i32
    %cond3A_224 = arith.cmpi ne, %convert_element_type3A_222, %cond3A_223 : i32
    scf.if %cond3A_224 {
      %mul3A_265 = arith.constant 40 : i32
      %mul3A_266 = arith.muli %add3A_219, %mul3A_265 : i32
      %mul3A_267 = arith.constant 40 : i32
      %mul3A_268 = arith.muli %add3A_219, %mul3A_267 : i32
      %add3A_269 = arith.addi %add3A_147, %mul3A_268 : i32
      "tpu.region"() ({
        %run_scoped3A = tpu.sem_alloc : memref<!tpu.dma_semaphore, #tpu.memory_space<semaphore_mem>>
        %dma_start3A = arith.constant 0 : i32
        %dma_start3A_270 = tpu.memref_slice %arg9[%add3A_269, %dma_start3A] : memref<661600x128xf32, #tpu.memory_space<hbm>> -> memref<40x128xf32, #tpu.memory_space<hbm>>
        %dma_start3A_271 = arith.constant 0 : i32
        %dma_start3A_272 = tpu.memref_slice %arg10[%mul3A_266, %dma_start3A_271] : memref<10000x128xf32, #tpu.memory_space<vmem_shared>> -> memref<40x128xf32, #tpu.memory_space<vmem_shared>>
        tpu.enqueue_dma source(%dma_start3A_272 : memref<40x128xf32, #tpu.memory_space<vmem_shared>>) target(%dma_start3A_270 : memref<40x128xf32, #tpu.memory_space<hbm>>) target_semaphore(%run_scoped3A : memref<!tpu.dma_semaphore, #tpu.memory_space<semaphore_mem>>)
        %dma_wait3A = arith.constant 0 : i32
        %dma_wait3A_273 = tpu.memref_slice %arg9[%add3A_269, %dma_wait3A] : memref<661600x128xf32, #tpu.memory_space<hbm>> -> memref<40x128xf32, #tpu.memory_space<hbm>>
        %dma_wait3A_274 = arith.constant 0 : i32
        %dma_wait3A_275 = tpu.memref_slice %arg10[%mul3A_266, %dma_wait3A_274] : memref<10000x128xf32, #tpu.memory_space<vmem_shared>> -> memref<40x128xf32, #tpu.memory_space<vmem_shared>>
        tpu.wait_dma2 semaphore(%run_scoped3A : memref<!tpu.dma_semaphore, #tpu.memory_space<semaphore_mem>>) src(%dma_wait3A_275 : memref<40x128xf32, #tpu.memory_space<vmem_shared>>) dst(%dma_wait3A_273 : memref<40x128xf32, #tpu.memory_space<hbm>>)
        tpu.yield
      }) : () -> ()
    } else {
    }
    %add3A_225 = arith.constant 176 : i32
    %add3A_226 = arith.addi %add3A_225, %arg1 : i32
    %lt3A_227 = arith.constant 250 : i32
    %lt3A_228 = arith.cmpi slt, %add3A_226, %lt3A_227 : i32
    %convert_element_type3A_229 = arith.extui %lt3A_228 : i1 to i32
    %cond3A_230 = arith.constant 0 : i32
    %cond3A_231 = arith.cmpi ne, %convert_element_type3A_229, %cond3A_230 : i32
    scf.if %cond3A_231 {
      %mul3A_265 = arith.constant 40 : i32
      %mul3A_266 = arith.muli %add3A_226, %mul3A_265 : i32
      %mul3A_267 = arith.constant 40 : i32
      %mul3A_268 = arith.muli %add3A_226, %mul3A_267 : i32
      %add3A_269 = arith.addi %add3A_147, %mul3A_268 : i32
      "tpu.region"() ({
        %run_scoped3A = tpu.sem_alloc : memref<!tpu.dma_semaphore, #tpu.memory_space<semaphore_mem>>
        %dma_start3A = arith.constant 0 : i32
        %dma_start3A_270 = tpu.memref_slice %arg9[%add3A_269, %dma_start3A] : memref<661600x128xf32, #tpu.memory_space<hbm>> -> memref<40x128xf32, #tpu.memory_space<hbm>>
        %dma_start3A_271 = arith.constant 0 : i32
        %dma_start3A_272 = tpu.memref_slice %arg10[%mul3A_266, %dma_start3A_271] : memref<10000x128xf32, #tpu.memory_space<vmem_shared>> -> memref<40x128xf32, #tpu.memory_space<vmem_shared>>
        tpu.enqueue_dma source(%dma_start3A_272 : memref<40x128xf32, #tpu.memory_space<vmem_shared>>) target(%dma_start3A_270 : memref<40x128xf32, #tpu.memory_space<hbm>>) target_semaphore(%run_scoped3A : memref<!tpu.dma_semaphore, #tpu.memory_space<semaphore_mem>>)
        %dma_wait3A = arith.constant 0 : i32
        %dma_wait3A_273 = tpu.memref_slice %arg9[%add3A_269, %dma_wait3A] : memref<661600x128xf32, #tpu.memory_space<hbm>> -> memref<40x128xf32, #tpu.memory_space<hbm>>
        %dma_wait3A_274 = arith.constant 0 : i32
        %dma_wait3A_275 = tpu.memref_slice %arg10[%mul3A_266, %dma_wait3A_274] : memref<10000x128xf32, #tpu.memory_space<vmem_shared>> -> memref<40x128xf32, #tpu.memory_space<vmem_shared>>
        tpu.wait_dma2 semaphore(%run_scoped3A : memref<!tpu.dma_semaphore, #tpu.memory_space<semaphore_mem>>) src(%dma_wait3A_275 : memref<40x128xf32, #tpu.memory_space<vmem_shared>>) dst(%dma_wait3A_273 : memref<40x128xf32, #tpu.memory_space<hbm>>)
        tpu.yield
      }) : () -> ()
    } else {
    }
    %add3A_232 = arith.constant 192 : i32
    %add3A_233 = arith.addi %add3A_232, %arg1 : i32
    %lt3A_234 = arith.constant 250 : i32
    %lt3A_235 = arith.cmpi slt, %add3A_233, %lt3A_234 : i32
    %convert_element_type3A_236 = arith.extui %lt3A_235 : i1 to i32
    %cond3A_237 = arith.constant 0 : i32
    %cond3A_238 = arith.cmpi ne, %convert_element_type3A_236, %cond3A_237 : i32
    scf.if %cond3A_238 {
      %mul3A_265 = arith.constant 40 : i32
      %mul3A_266 = arith.muli %add3A_233, %mul3A_265 : i32
      %mul3A_267 = arith.constant 40 : i32
      %mul3A_268 = arith.muli %add3A_233, %mul3A_267 : i32
      %add3A_269 = arith.addi %add3A_147, %mul3A_268 : i32
      "tpu.region"() ({
        %run_scoped3A = tpu.sem_alloc : memref<!tpu.dma_semaphore, #tpu.memory_space<semaphore_mem>>
        %dma_start3A = arith.constant 0 : i32
        %dma_start3A_270 = tpu.memref_slice %arg9[%add3A_269, %dma_start3A] : memref<661600x128xf32, #tpu.memory_space<hbm>> -> memref<40x128xf32, #tpu.memory_space<hbm>>
        %dma_start3A_271 = arith.constant 0 : i32
        %dma_start3A_272 = tpu.memref_slice %arg10[%mul3A_266, %dma_start3A_271] : memref<10000x128xf32, #tpu.memory_space<vmem_shared>> -> memref<40x128xf32, #tpu.memory_space<vmem_shared>>
        tpu.enqueue_dma source(%dma_start3A_272 : memref<40x128xf32, #tpu.memory_space<vmem_shared>>) target(%dma_start3A_270 : memref<40x128xf32, #tpu.memory_space<hbm>>) target_semaphore(%run_scoped3A : memref<!tpu.dma_semaphore, #tpu.memory_space<semaphore_mem>>)
        %dma_wait3A = arith.constant 0 : i32
        %dma_wait3A_273 = tpu.memref_slice %arg9[%add3A_269, %dma_wait3A] : memref<661600x128xf32, #tpu.memory_space<hbm>> -> memref<40x128xf32, #tpu.memory_space<hbm>>
        %dma_wait3A_274 = arith.constant 0 : i32
        %dma_wait3A_275 = tpu.memref_slice %arg10[%mul3A_266, %dma_wait3A_274] : memref<10000x128xf32, #tpu.memory_space<vmem_shared>> -> memref<40x128xf32, #tpu.memory_space<vmem_shared>>
        tpu.wait_dma2 semaphore(%run_scoped3A : memref<!tpu.dma_semaphore, #tpu.memory_space<semaphore_mem>>) src(%dma_wait3A_275 : memref<40x128xf32, #tpu.memory_space<vmem_shared>>) dst(%dma_wait3A_273 : memref<40x128xf32, #tpu.memory_space<hbm>>)
        tpu.yield
      }) : () -> ()
    } else {
    }
    %add3A_239 = arith.constant 208 : i32
    %add3A_240 = arith.addi %add3A_239, %arg1 : i32
    %lt3A_241 = arith.constant 250 : i32
    %lt3A_242 = arith.cmpi slt, %add3A_240, %lt3A_241 : i32
    %convert_element_type3A_243 = arith.extui %lt3A_242 : i1 to i32
    %cond3A_244 = arith.constant 0 : i32
    %cond3A_245 = arith.cmpi ne, %convert_element_type3A_243, %cond3A_244 : i32
    scf.if %cond3A_245 {
      %mul3A_265 = arith.constant 40 : i32
      %mul3A_266 = arith.muli %add3A_240, %mul3A_265 : i32
      %mul3A_267 = arith.constant 40 : i32
      %mul3A_268 = arith.muli %add3A_240, %mul3A_267 : i32
      %add3A_269 = arith.addi %add3A_147, %mul3A_268 : i32
      "tpu.region"() ({
        %run_scoped3A = tpu.sem_alloc : memref<!tpu.dma_semaphore, #tpu.memory_space<semaphore_mem>>
        %dma_start3A = arith.constant 0 : i32
        %dma_start3A_270 = tpu.memref_slice %arg9[%add3A_269, %dma_start3A] : memref<661600x128xf32, #tpu.memory_space<hbm>> -> memref<40x128xf32, #tpu.memory_space<hbm>>
        %dma_start3A_271 = arith.constant 0 : i32
        %dma_start3A_272 = tpu.memref_slice %arg10[%mul3A_266, %dma_start3A_271] : memref<10000x128xf32, #tpu.memory_space<vmem_shared>> -> memref<40x128xf32, #tpu.memory_space<vmem_shared>>
        tpu.enqueue_dma source(%dma_start3A_272 : memref<40x128xf32, #tpu.memory_space<vmem_shared>>) target(%dma_start3A_270 : memref<40x128xf32, #tpu.memory_space<hbm>>) target_semaphore(%run_scoped3A : memref<!tpu.dma_semaphore, #tpu.memory_space<semaphore_mem>>)
        %dma_wait3A = arith.constant 0 : i32
        %dma_wait3A_273 = tpu.memref_slice %arg9[%add3A_269, %dma_wait3A] : memref<661600x128xf32, #tpu.memory_space<hbm>> -> memref<40x128xf32, #tpu.memory_space<hbm>>
        %dma_wait3A_274 = arith.constant 0 : i32
        %dma_wait3A_275 = tpu.memref_slice %arg10[%mul3A_266, %dma_wait3A_274] : memref<10000x128xf32, #tpu.memory_space<vmem_shared>> -> memref<40x128xf32, #tpu.memory_space<vmem_shared>>
        tpu.wait_dma2 semaphore(%run_scoped3A : memref<!tpu.dma_semaphore, #tpu.memory_space<semaphore_mem>>) src(%dma_wait3A_275 : memref<40x128xf32, #tpu.memory_space<vmem_shared>>) dst(%dma_wait3A_273 : memref<40x128xf32, #tpu.memory_space<hbm>>)
        tpu.yield
      }) : () -> ()
    } else {
    }
    %add3A_246 = arith.constant 224 : i32
    %add3A_247 = arith.addi %add3A_246, %arg1 : i32
    %lt3A_248 = arith.constant 250 : i32
    %lt3A_249 = arith.cmpi slt, %add3A_247, %lt3A_248 : i32
    %convert_element_type3A_250 = arith.extui %lt3A_249 : i1 to i32
    %cond3A_251 = arith.constant 0 : i32
    %cond3A_252 = arith.cmpi ne, %convert_element_type3A_250, %cond3A_251 : i32
    scf.if %cond3A_252 {
      %mul3A_265 = arith.constant 40 : i32
      %mul3A_266 = arith.muli %add3A_247, %mul3A_265 : i32
      %mul3A_267 = arith.constant 40 : i32
      %mul3A_268 = arith.muli %add3A_247, %mul3A_267 : i32
      %add3A_269 = arith.addi %add3A_147, %mul3A_268 : i32
      "tpu.region"() ({
        %run_scoped3A = tpu.sem_alloc : memref<!tpu.dma_semaphore, #tpu.memory_space<semaphore_mem>>
        %dma_start3A = arith.constant 0 : i32
        %dma_start3A_270 = tpu.memref_slice %arg9[%add3A_269, %dma_start3A] : memref<661600x128xf32, #tpu.memory_space<hbm>> -> memref<40x128xf32, #tpu.memory_space<hbm>>
        %dma_start3A_271 = arith.constant 0 : i32
        %dma_start3A_272 = tpu.memref_slice %arg10[%mul3A_266, %dma_start3A_271] : memref<10000x128xf32, #tpu.memory_space<vmem_shared>> -> memref<40x128xf32, #tpu.memory_space<vmem_shared>>
        tpu.enqueue_dma source(%dma_start3A_272 : memref<40x128xf32, #tpu.memory_space<vmem_shared>>) target(%dma_start3A_270 : memref<40x128xf32, #tpu.memory_space<hbm>>) target_semaphore(%run_scoped3A : memref<!tpu.dma_semaphore, #tpu.memory_space<semaphore_mem>>)
        %dma_wait3A = arith.constant 0 : i32
        %dma_wait3A_273 = tpu.memref_slice %arg9[%add3A_269, %dma_wait3A] : memref<661600x128xf32, #tpu.memory_space<hbm>> -> memref<40x128xf32, #tpu.memory_space<hbm>>
        %dma_wait3A_274 = arith.constant 0 : i32
        %dma_wait3A_275 = tpu.memref_slice %arg10[%mul3A_266, %dma_wait3A_274] : memref<10000x128xf32, #tpu.memory_space<vmem_shared>> -> memref<40x128xf32, #tpu.memory_space<vmem_shared>>
        tpu.wait_dma2 semaphore(%run_scoped3A : memref<!tpu.dma_semaphore, #tpu.memory_space<semaphore_mem>>) src(%dma_wait3A_275 : memref<40x128xf32, #tpu.memory_space<vmem_shared>>) dst(%dma_wait3A_273 : memref<40x128xf32, #tpu.memory_space<hbm>>)
        tpu.yield
      }) : () -> ()
    } else {
    }
    %add3A_253 = arith.constant 240 : i32
    %add3A_254 = arith.addi %add3A_253, %arg1 : i32
    %lt3A_255 = arith.constant 250 : i32
    %lt3A_256 = arith.cmpi slt, %add3A_254, %lt3A_255 : i32
    %convert_element_type3A_257 = arith.extui %lt3A_256 : i1 to i32
    %cond3A_258 = arith.constant 0 : i32
    %cond3A_259 = arith.cmpi ne, %convert_element_type3A_257, %cond3A_258 : i32
    scf.if %cond3A_259 {
      %mul3A_265 = arith.constant 40 : i32
      %mul3A_266 = arith.muli %add3A_254, %mul3A_265 : i32
      %mul3A_267 = arith.constant 40 : i32
      %mul3A_268 = arith.muli %add3A_254, %mul3A_267 : i32
      %add3A_269 = arith.addi %add3A_147, %mul3A_268 : i32
      "tpu.region"() ({
        %run_scoped3A = tpu.sem_alloc : memref<!tpu.dma_semaphore, #tpu.memory_space<semaphore_mem>>
        %dma_start3A = arith.constant 0 : i32
        %dma_start3A_270 = tpu.memref_slice %arg9[%add3A_269, %dma_start3A] : memref<661600x128xf32, #tpu.memory_space<hbm>> -> memref<40x128xf32, #tpu.memory_space<hbm>>
        %dma_start3A_271 = arith.constant 0 : i32
        %dma_start3A_272 = tpu.memref_slice %arg10[%mul3A_266, %dma_start3A_271] : memref<10000x128xf32, #tpu.memory_space<vmem_shared>> -> memref<40x128xf32, #tpu.memory_space<vmem_shared>>
        tpu.enqueue_dma source(%dma_start3A_272 : memref<40x128xf32, #tpu.memory_space<vmem_shared>>) target(%dma_start3A_270 : memref<40x128xf32, #tpu.memory_space<hbm>>) target_semaphore(%run_scoped3A : memref<!tpu.dma_semaphore, #tpu.memory_space<semaphore_mem>>)
        %dma_wait3A = arith.constant 0 : i32
        %dma_wait3A_273 = tpu.memref_slice %arg9[%add3A_269, %dma_wait3A] : memref<661600x128xf32, #tpu.memory_space<hbm>> -> memref<40x128xf32, #tpu.memory_space<hbm>>
        %dma_wait3A_274 = arith.constant 0 : i32
        %dma_wait3A_275 = tpu.memref_slice %arg10[%mul3A_266, %dma_wait3A_274] : memref<10000x128xf32, #tpu.memory_space<vmem_shared>> -> memref<40x128xf32, #tpu.memory_space<vmem_shared>>
        tpu.wait_dma2 semaphore(%run_scoped3A : memref<!tpu.dma_semaphore, #tpu.memory_space<semaphore_mem>>) src(%dma_wait3A_275 : memref<40x128xf32, #tpu.memory_space<vmem_shared>>) dst(%dma_wait3A_273 : memref<40x128xf32, #tpu.memory_space<hbm>>)
        tpu.yield
      }) : () -> ()
    } else {
    }
    %eq3A_260 = arith.constant 1 : i32
    %eq3A_261 = arith.cmpi eq, %arg0, %eq3A_260 : i32
    %convert_element_type3A_262 = arith.extui %eq3A_261 : i1 to i32
    %cond3A_263 = arith.constant 0 : i32
    %cond3A_264 = arith.cmpi ne, %convert_element_type3A_262, %cond3A_263 : i32
    scf.if %cond3A_264 {
      %add3A_265 = arith.constant 0 : i32
      %add3A_266 = arith.addi %add3A_265, %arg1 : i32
      %lt3A_267 = arith.constant 40 : i32
      %lt3A_268 = arith.cmpi slt, %add3A_266, %lt3A_267 : i32
      %convert_element_type3A_269 = arith.extui %lt3A_268 : i1 to i32
      %cond3A_270 = arith.constant 0 : i32
      %cond3A_271 = arith.cmpi ne, %convert_element_type3A_269, %cond3A_270 : i32
      scf.if %cond3A_271 {
        %mul3A_286 = arith.constant 40 : i32
        %mul3A_287 = arith.muli %add3A_266, %mul3A_286 : i32
        %mul3A_288 = arith.constant 40 : i32
        %mul3A_289 = arith.muli %add3A_266, %mul3A_288 : i32
        %add3A_290 = arith.constant 660000 : i32
        %add3A_291 = arith.addi %add3A_290, %mul3A_289 : i32
        "tpu.region"() ({
          %run_scoped3A = tpu.sem_alloc : memref<!tpu.dma_semaphore, #tpu.memory_space<semaphore_mem>>
          %dma_start3A = arith.constant 0 : i32
          %dma_start3A_292 = tpu.memref_slice %arg9[%add3A_291, %dma_start3A] : memref<661600x128xf32, #tpu.memory_space<hbm>> -> memref<40x128xf32, #tpu.memory_space<hbm>>
          %dma_start3A_293 = arith.constant 0 : i32
          %dma_start3A_294 = tpu.memref_slice %arg11[%mul3A_287, %dma_start3A_293] : memref<1600x128xf32, #tpu.memory_space<vmem_shared>> -> memref<40x128xf32, #tpu.memory_space<vmem_shared>>
          tpu.enqueue_dma source(%dma_start3A_294 : memref<40x128xf32, #tpu.memory_space<vmem_shared>>) target(%dma_start3A_292 : memref<40x128xf32, #tpu.memory_space<hbm>>) target_semaphore(%run_scoped3A : memref<!tpu.dma_semaphore, #tpu.memory_space<semaphore_mem>>)
          %dma_wait3A = arith.constant 0 : i32
          %dma_wait3A_295 = tpu.memref_slice %arg9[%add3A_291, %dma_wait3A] : memref<661600x128xf32, #tpu.memory_space<hbm>> -> memref<40x128xf32, #tpu.memory_space<hbm>>
          %dma_wait3A_296 = arith.constant 0 : i32
          %dma_wait3A_297 = tpu.memref_slice %arg11[%mul3A_287, %dma_wait3A_296] : memref<1600x128xf32, #tpu.memory_space<vmem_shared>> -> memref<40x128xf32, #tpu.memory_space<vmem_shared>>
          tpu.wait_dma2 semaphore(%run_scoped3A : memref<!tpu.dma_semaphore, #tpu.memory_space<semaphore_mem>>) src(%dma_wait3A_297 : memref<40x128xf32, #tpu.memory_space<vmem_shared>>) dst(%dma_wait3A_295 : memref<40x128xf32, #tpu.memory_space<hbm>>)
          tpu.yield
        }) : () -> ()
      } else {
      }
      %add3A_272 = arith.constant 16 : i32
      %add3A_273 = arith.addi %add3A_272, %arg1 : i32
      %lt3A_274 = arith.constant 40 : i32
      %lt3A_275 = arith.cmpi slt, %add3A_273, %lt3A_274 : i32
      %convert_element_type3A_276 = arith.extui %lt3A_275 : i1 to i32
      %cond3A_277 = arith.constant 0 : i32
      %cond3A_278 = arith.cmpi ne, %convert_element_type3A_276, %cond3A_277 : i32
      scf.if %cond3A_278 {
        %mul3A_286 = arith.constant 40 : i32
        %mul3A_287 = arith.muli %add3A_273, %mul3A_286 : i32
        %mul3A_288 = arith.constant 40 : i32
        %mul3A_289 = arith.muli %add3A_273, %mul3A_288 : i32
        %add3A_290 = arith.constant 660000 : i32
        %add3A_291 = arith.addi %add3A_290, %mul3A_289 : i32
        "tpu.region"() ({
          %run_scoped3A = tpu.sem_alloc : memref<!tpu.dma_semaphore, #tpu.memory_space<semaphore_mem>>
          %dma_start3A = arith.constant 0 : i32
          %dma_start3A_292 = tpu.memref_slice %arg9[%add3A_291, %dma_start3A] : memref<661600x128xf32, #tpu.memory_space<hbm>> -> memref<40x128xf32, #tpu.memory_space<hbm>>
          %dma_start3A_293 = arith.constant 0 : i32
          %dma_start3A_294 = tpu.memref_slice %arg11[%mul3A_287, %dma_start3A_293] : memref<1600x128xf32, #tpu.memory_space<vmem_shared>> -> memref<40x128xf32, #tpu.memory_space<vmem_shared>>
          tpu.enqueue_dma source(%dma_start3A_294 : memref<40x128xf32, #tpu.memory_space<vmem_shared>>) target(%dma_start3A_292 : memref<40x128xf32, #tpu.memory_space<hbm>>) target_semaphore(%run_scoped3A : memref<!tpu.dma_semaphore, #tpu.memory_space<semaphore_mem>>)
          %dma_wait3A = arith.constant 0 : i32
          %dma_wait3A_295 = tpu.memref_slice %arg9[%add3A_291, %dma_wait3A] : memref<661600x128xf32, #tpu.memory_space<hbm>> -> memref<40x128xf32, #tpu.memory_space<hbm>>
          %dma_wait3A_296 = arith.constant 0 : i32
          %dma_wait3A_297 = tpu.memref_slice %arg11[%mul3A_287, %dma_wait3A_296] : memref<1600x128xf32, #tpu.memory_space<vmem_shared>> -> memref<40x128xf32, #tpu.memory_space<vmem_shared>>
          tpu.wait_dma2 semaphore(%run_scoped3A : memref<!tpu.dma_semaphore, #tpu.memory_space<semaphore_mem>>) src(%dma_wait3A_297 : memref<40x128xf32, #tpu.memory_space<vmem_shared>>) dst(%dma_wait3A_295 : memref<40x128xf32, #tpu.memory_space<hbm>>)
          tpu.yield
        }) : () -> ()
      } else {
      }
      %add3A_279 = arith.constant 32 : i32
      %add3A_280 = arith.addi %add3A_279, %arg1 : i32
      %lt3A_281 = arith.constant 40 : i32
      %lt3A_282 = arith.cmpi slt, %add3A_280, %lt3A_281 : i32
      %convert_element_type3A_283 = arith.extui %lt3A_282 : i1 to i32
      %cond3A_284 = arith.constant 0 : i32
      %cond3A_285 = arith.cmpi ne, %convert_element_type3A_283, %cond3A_284 : i32
      scf.if %cond3A_285 {
        %mul3A_286 = arith.constant 40 : i32
        %mul3A_287 = arith.muli %add3A_280, %mul3A_286 : i32
        %mul3A_288 = arith.constant 40 : i32
        %mul3A_289 = arith.muli %add3A_280, %mul3A_288 : i32
        %add3A_290 = arith.constant 660000 : i32
        %add3A_291 = arith.addi %add3A_290, %mul3A_289 : i32
        "tpu.region"() ({
          %run_scoped3A = tpu.sem_alloc : memref<!tpu.dma_semaphore, #tpu.memory_space<semaphore_mem>>
          %dma_start3A = arith.constant 0 : i32
          %dma_start3A_292 = tpu.memref_slice %arg9[%add3A_291, %dma_start3A] : memref<661600x128xf32, #tpu.memory_space<hbm>> -> memref<40x128xf32, #tpu.memory_space<hbm>>
          %dma_start3A_293 = arith.constant 0 : i32
          %dma_start3A_294 = tpu.memref_slice %arg11[%mul3A_287, %dma_start3A_293] : memref<1600x128xf32, #tpu.memory_space<vmem_shared>> -> memref<40x128xf32, #tpu.memory_space<vmem_shared>>
          tpu.enqueue_dma source(%dma_start3A_294 : memref<40x128xf32, #tpu.memory_space<vmem_shared>>) target(%dma_start3A_292 : memref<40x128xf32, #tpu.memory_space<hbm>>) target_semaphore(%run_scoped3A : memref<!tpu.dma_semaphore, #tpu.memory_space<semaphore_mem>>)
          %dma_wait3A = arith.constant 0 : i32
          %dma_wait3A_295 = tpu.memref_slice %arg9[%add3A_291, %dma_wait3A] : memref<661600x128xf32, #tpu.memory_space<hbm>> -> memref<40x128xf32, #tpu.memory_space<hbm>>
          %dma_wait3A_296 = arith.constant 0 : i32
          %dma_wait3A_297 = tpu.memref_slice %arg11[%mul3A_287, %dma_wait3A_296] : memref<1600x128xf32, #tpu.memory_space<vmem_shared>> -> memref<40x128xf32, #tpu.memory_space<vmem_shared>>
          tpu.wait_dma2 semaphore(%run_scoped3A : memref<!tpu.dma_semaphore, #tpu.memory_space<semaphore_mem>>) src(%dma_wait3A_297 : memref<40x128xf32, #tpu.memory_space<vmem_shared>>) dst(%dma_wait3A_295 : memref<40x128xf32, #tpu.memory_space<hbm>>)
          tpu.yield
        }) : () -> ()
      } else {
      }
    } else {
    }
    return
  }
}

</mosaic_0001>

<sc_bundles>
// kernel: kernel.3.cloned.1.call-start
scs
__scs_entry_jumppad:
0x0: {  	(pc) =	sbr.rel $0x88, $3  }
0x1: {  	(tag) =	ssettag $0x0;
	lr =	simm.s32 $0x1  }
0x2: {  	[smem:$0x3F9A] =	sst lr;
	_ =	strace $0xD0000000  }
0x3: {  	_ = 	snop  }
0x4: {  	_ = 	snop  }
0x5: {  	_ = 	snop  }
0x6: {  	_ = 	snop  }
0x7: {  	_ = 	snop  }
__scs_overlays_trampoline_lowered:
0x8: {  	[smem:$0x3FA9] =	sst s0  }
0x9: {  	[smem:$0x3FAA] =	sst s1  }
0xa: {  	[smem:$0x3FAB] =	sst s2  }
0xb: {  	[smem:$0x3FAC] =	sst s3  }
0xc: {  	[smem:$0x3FAD] =	sst s4  }
0xd: {  	[smem:$0x3FAE] =	sst s5  }
0xe: {  	[smem:$0x3FAF] =	sst s6  }
0xf: {  	[smem:$0x3FB0] =	sst s7  }
0x10: {  	[smem:$0x3FB1] =	sst s8  }
0x11: {  	[smem:$0x3FB2] =	sst s9;
	s0 =	simm.s32 @!p0 $0x0  }
0x12: {  	s1 =	sld [smem:$0x3F98];
	s0 =	simm.s32 @p0 $0x1  }
0x13: {  	[smem:$0x3FB3] =	sst s0;
	s0 =	simm.s32 @!p1 $0x0  }
0x14: {  	s2 =	sld [smem:$0x3F97];
	s0 =	simm.s32 @p1 $0x1  }
0x15: {  	[smem:$0x3FB4] =	sst s0;
	s0 =	simm.s32 @!p2 $0x0  }
0x16: {  	s3 =	sld [smem:$0x3FDB];
	s0 =	simm.s32 @p2 $0x1  }
0x17: {  	s4 =	simm.s32 $0x1BF5;
	[smem:$0x3FB6] =	sst s0  }
0x18: {  	s0 =	sld [smem:$0x3F99];
	_ =	swait.ge [sflag:s4], $0x0  }
0x19: {  	s7 =	sld [smem:$0x3F9A]  }
0x1a: {  	s8 =	sadd.s32 $0xFFFFE003, lr  }
0x1b: {  	s9 =	sadd.s32 $0xFFFFFEF7, lr;
	s5 =	simm.s32 $0xFFFFFFFF;
	p2 =	slt.u32 s8, $0xFFFFF086  }
0x1c: {  	p1 =	slt.u32 s9, $0xF7A;
	s5 =	simm.s32 @!p2 $0x0  }
0x1d: {  	s5 =	simm.s32 @p1 $0x1;
	p0 =	seq.s32 s7, s2  }
0x1e: {  	s7 =	smul.u32 @!p0 $0xF7A, s2;
	p2 =	seq.s32 @!p0 s5, $0x0  }
0x1f: {  	s9 =	smul.u32 $0xF7A, s1;
	s8 =	simm.s32 @!p0 $0x1BF5;
	p2 =	por !p2, p0  }
0x20: {  	[sflag:s8] =	ssyncset.s32 @!p0 $0xFFFFF086;
	s6 =	sadd.s32 @!p0 s3, s7;
	s7 =	simm.s32 @!p0 $0x108  }
0x21: {  	s3 =	sadd.s32 s3, s9;
	s6 =	sadd.s32 @!p0 $0x88, s6;
	s7 =	simm.s32 @p2 $0x1082  }
0x22: {  	[simem:s7], [sflag:s8] =	dma.local @!p0 [hbm:s6], $0xF7A  }
0x23: {  	s9 =	sor.u32 $0xD0000000, s2;
	s6 =	simm.s32 $0x108;
	_ =	swait.ge @!p0 [sflag:s8], $0x0  }
0x24: {  	s3 =	sadd.s32 $0x88, s3;
	s6 =	simm.s32 @!p1 $0x1082;
	[sflag:s4] =	ssyncset.s32 $0xFFFFF086  }
0x25: {  	[simem:s6], [sflag:s4] =	dma.local [hbm:s3], $0xF7A  }
0x26: {  	[smem:$0x3F9A] =	sst s1;
	(tag) =	ssettag s2;
	_ =	strace s9  }
0x27: {  	s1 =	sld [smem:$0x3FAA]  }
0x28: {  	s2 =	sld [smem:$0x3FAB]  }
0x29: {  	s4 =	sld [smem:$0x3FAD]  }
0x2a: {  	p0 =	seq.s32 s5, $0x0;
	s5 =	sld [smem:$0x3FAE]  }
0x2b: {  	s6 =	sld [smem:$0x3FAF]  }
0x2c: {  	s7 =	sld [smem:$0x3FB0]  }
0x2d: {  	s3 =	simm.s32 $0x108;
	s8 =	sld [smem:$0x3FB1]  }
0x2e: {  	s3 =	simm.s32 @!p0 $0x1082;
	s9 =	sld [smem:$0x3FB2]  }
0x2f: {  	lr =	sadd.s32 s0, s3;
	s0 =	sld [smem:$0x3FA9]  }
0x30: {  	s3 =	sld [smem:$0x3FAC]  }
0x31: {  	[smem:$0x3FB5] =	sst s10  }
0x32: {  	s10 =	sld [smem:$0x3FB3];
	_ =	sdelay $0x3  }
0x33: {  	p0 =	seq.s32 s10, $0x1;
	s10 =	sld [smem:$0x3FB5];
	_ =	sdelay $0x3  }
0x34: {  	[smem:$0x3FB5] =	sst s10  }
0x35: {  	s10 =	sld [smem:$0x3FB4];
	_ =	sdelay $0x3  }
0x36: {  	p1 =	seq.s32 s10, $0x1;
	s10 =	sld [smem:$0x3FB5];
	_ =	sdelay $0x3  }
0x37: {  	[smem:$0x3FB5] =	sst s10  }
0x38: {  	s10 =	sld [smem:$0x3FB6]  }
0x39: {  	_ = 	snop;
	(pc) =	sbr.ind lr, $3  }
0x3a: {  	_ = 	snop  }
0x3b: {  	_ = 	snop  }
0x3c: {  	p2 =	seq.s32 s10, $0x1;
	s10 =	sld [smem:$0x3FB5]  }
0x3d: {  	_ =	shalt  }
0x3e: {  	_ =	shalt  }
0x3f: {  	_ =	shalt  }
0x40: {  	_ =	shalt  }
0x41: {  	_ =	shalt  }
0x42: {  	_ =	shalt  }
0x43: {  	_ =	shalt  }
0x44: {  	_ =	shalt  }
0x45: {  	_ =	shalt  }
0x46: {  	_ =	shalt  }
0x47: {  	_ =	shalt  }
0x48: {  	_ =	shalt  }
0x49: {  	_ =	shalt  }
0x4a: {  	_ =	shalt  }
0x4b: {  	_ =	shalt  }
0x4c: {  	_ =	shalt  }
0x4d: {  	_ =	shalt  }
0x4e: {  	_ =	shalt  }
0x4f: {  	_ =	shalt  }
0x50: {  	_ =	shalt  }
0x51: {  	_ =	shalt  }
0x52: {  	_ =	shalt  }
0x53: {  	_ =	shalt  }
0x54: {  	_ =	shalt  }
0x55: {  	_ =	shalt  }
0x56: {  	_ =	shalt  }
0x57: {  	_ =	shalt  }
0x58: {  	_ =	shalt  }
0x59: {  	_ =	shalt  }
0x5a: {  	_ =	shalt  }
0x5b: {  	_ =	shalt  }
0x5c: {  	_ =	shalt  }
0x5d: {  	_ =	shalt  }
0x5e: {  	_ =	shalt  }
0x5f: {  	_ =	shalt  }
0x60: {  	_ =	shalt  }
0x61: {  	_ =	shalt  }
0x62: {  	_ =	shalt  }
0x63: {  	_ =	shalt  }
0x64: {  	_ =	shalt  }
0x65: {  	_ =	shalt  }
0x66: {  	_ =	shalt  }
0x67: {  	_ =	shalt  }
0x68: {  	_ =	shalt  }
0x69: {  	_ =	shalt  }
0x6a: {  	_ =	shalt  }
0x6b: {  	_ =	shalt  }
0x6c: {  	_ =	shalt  }
0x6d: {  	_ =	shalt  }
0x6e: {  	_ =	shalt  }
0x6f: {  	_ =	shalt  }
0x70: {  	_ =	shalt  }
0x71: {  	_ =	shalt  }
0x72: {  	_ =	shalt  }
0x73: {  	_ =	shalt  }
0x74: {  	_ =	shalt  }
0x75: {  	_ =	shalt  }
0x76: {  	_ =	shalt  }
0x77: {  	_ =	shalt  }
0x78: {  	_ =	shalt  }
0x79: {  	_ =	shalt  }
0x7a: {  	_ =	shalt  }
0x7b: {  	_ =	shalt  }
0x7c: {  	_ =	shalt  }
0x7d: {  	_ =	shalt  }
0x7e: {  	_ =	shalt  }
0x7f: {  	_ =	shalt  }
0x80: {  	_ =	shalt  }
0x81: {  	_ =	shalt  }
0x82: {  	_ =	shalt  }
0x83: {  	_ =	shalt  }
0x84: {  	_ =	shalt  }
0x85: {  	_ =	shalt  }
0x86: {  	_ =	shalt  }
0x87: {  	_ =	shalt  }
.Lfunc_end0:
.L_simem_size_0:
called_computation_lowered:
.L_overlay_start_0:
0x88: {  	s2 =	sld [smem:$0x3FD9]  }
0x89: {  	s3 =	sld [smem:$0x3FFE];
	_ =	sdelay $0x1  }
0x8a: {  	s1 =	srdreg.scid  }
0x8b: {  	s0 =	sand.u32 $0x1, s1  }
0x8c: {  	s18 =	sshll.u32 s0, $0xA;
	s2 =	sadd.s32 s3, s2  }
0x8d: {  	s2 =	sadd.s32 s2, s18  }
0x8e: {  	[smem:$0x3FC1] =	sst s2  }
0x8f: {  	_ = 	snop  }
0x90: {  	s2 =	sld [smem:$0x3FC9]  }
0x91: {  	s19 =	sld [smem:$0x3FC8]  }
0x92: {  	s4 =	sld [smem:$0x3FC7]  }
0x93: {  	s5 =	sld [smem:$0x3FC6]  }
0x94: {  	s6 =	sld [smem:$0x3FC5]  }
0x95: {  	s7 =	sld [smem:$0x3FC4]  }
0x96: {  	s8 =	sld [smem:$0x3FC3]  }
0x97: {  	s9 =	sld [smem:$0x3FD0];
	(tm) =	ssettm $0x1  }
0x98: {  	s10 =	sld [smem:$0x3FFB];
	_ =	sdelay $0x3  }
0x99: {  	_ =	strace s10  }
0x9a: {  	s10 =	sld [smem:$0x3FFC];
	_ =	sdelay $0x3  }
0x9b: {  	_ =	strace s10  }
0x9c: {  	s10 =	sld [smem:$0x3FFD];
	_ =	sdelay $0x3  }
0x9d: {  	_ =	strace s10  }
0x9e: {  	_ =	strace $0x8FFFFFFF  }
0x9f: {  	s20 =	sld [smem:$0x3FDB];
	_ =	sdelay $0x1  }
0xa0: {  	s11 =	simm.s32 $_scs_section_size  }
0xa1: {  	s12 =	simm.s32 $_size__tile_overlayer_lowered;
	s13 =	simm.s32 $_tile_overlayer_lowered  }
0xa2: {  	s23 =	simm.s32 $0x1BFF;
	s22 =	sshll.u32 s13, $0x1;
	s10 =	sadd.s32 s11, s20  }
0xa3: {  	s14 =	simm.s32 $0x0;
	s21 =	sshll.u32 s12, $0x1;
	s12 =	sadd.s32 s22, s10  }
0xa4: {  	[timem:s14], [sflag:s23] =	dma.local [hbm:s12], s21  }
0xa5: {  	_ =	swait.ge [sflag:s23], s21  }
0xa6: {  	s11 =	ssub.s32 $0x0, s21;
	[sflag:s23] =	ssyncset.done $0x0  }
0xa7: {  	[sflag:s23] =	ssyncadd.s32 s11;
	_ =	sdelay $0x1  }
0xa8: {  	s24 =	simm.s32 $0x1B8B  }
0xa9: {  	_ =	swait.ge [sflag:s24], $0x1  }
0xaa: {  	[sflag:s24] =	ssyncset.done $0x0  }
0xab: {  	s25 =	simm.s32 $0x1B8E;
	[sflag:s24] =	ssyncadd.s32 $0xFFFFFFFF  }
0xac: {  	s26 =	simm.s32 $execute0_lowered;
	[smem:$0x3FD2] =	sst s25  }
0xad: {  	s11 =	sshll.u32 s26, $0x1;
	_ =	strace $0x80000046;
	[dreg:$0x1] =	wrdreg $0xFFFFFFFF  }
0xae: {  	s28 =	simm.s32 $_size_execute0_lowered;
	s10 =	sadd.s32 s10, s11;
	[dreg:$0x0] =	wrdreg $0x0  }
0xaf: {  	s11 =	sshll.u32 s28, $0x1;
	[dreg:$0x2] =	wrdreg s10  }
0xb0: {  	[dreg:$0x3] =	wrdreg s11  }
0xb1: {  	[dreg:$0x4] =	wrdreg $0xC0  }
0xb2: {  	_ =	task [dreg:s14], $0x5FFFF  }
0xb3: {  	[dreg:$0x1] =	wrdreg $0xFFFFFFFF  }
0xb4: {  	[dreg:$0x0] =	wrdreg $0x60  }
0xb5: {  	[dreg:$0x2] =	wrdreg s2  }
0xb6: {  	[dreg:$0x3] =	wrdreg s19  }
0xb7: {  	[dreg:$0x4] =	wrdreg s4  }
0xb8: {  	[dreg:$0x5] =	wrdreg s5  }
0xb9: {  	[dreg:$0x6] =	wrdreg s6  }
0xba: {  	[dreg:$0x7] =	wrdreg s7  }
0xbb: {  	[dreg:$0x8] =	wrdreg s8  }
0xbc: {  	[dreg:$0x9] =	wrdreg s9  }
0xbd: {  	[dreg:$0xa] =	wrdreg $0x0  }
0xbe: {  	[dreg:$0xb] =	wrdreg $0x138800  }
0xbf: {  	[dreg:$0xc] =	wrdreg $0x9  }
0xc0: {  	_ =	task.clear_ibuf [dreg:s14], $0xDFFFF;
	_ =	strace $0x90000046  }
0xc1: {  	s29 =	simm.s32 $0x9;
	_ =	strace $0x80000048  }
0xc2: {  	_ =	swait.ge [sflag:s29], $0x1  }
0xc3: {  	[sflag:s29] =	ssyncadd.s32 $0xFFFFFFFF  }
0xc4: {  	_ =	strace $0x90000048  }
0xc5: {  	_ =	sfence  }
0xc6: {  	s30 =	sld [smem:$0x0];
	_ =	sdelay $0x2  }
0xc7: {  	s31 =	sshll.u32 s1, $0xD;
	s1 =	sshrl.u32 s1, $0x2  }
0xc8: {  	s3 =	sand.u32 $0x4000, s31;
	s1 =	sadd.s32 s1, s30  }
0xc9: {  	s0 =	sor.u32 s3, s0;
	s1 =	sshll.u32 s1, $0x11  }
0xca: {  	s0 =	sor.u32 s1, s0  }
0xcb: {  	s0 =	sadd.s32 $0x8F2B, s0  }
0xcc: {  	[sflag:s0] =	ssyncadd.remote.s32 $0x1  }
0xcd: {  	_ =	sfence.sel $0xFFFF  }
0xce: {  	[dreg:$0x0] =	wrdreg $0xFFFFFFFF;
	(pc) =	sbr.abs _section_cstart, $3  }
0xcf: {  	[dreg:$0x1] =	wrdreg $0xFFFFFFFF  }
0xd0: {  	_ =	task.clear_ibuf [dreg:s14], $0x2FFFF;
	_ =	strace $0x9FFFFFFF  }
0xd1: {  	(tm) =	ssettm $0x7FFFFFFF  }
tec
execute0_lowered:
.L_overlay_start_1:
0x0: {  	(tag) =	ssettag $0x1  }
0x1: {  	s25 =	stileid.u32  }
0x2: {  	s4 =	sor.u32 $0x30, s25;
	s9 =	smul.u32 $0x28, s25  }
0x3: {  	s6 =	sor.u32 $0x40, s25;
	s20 =	smul.u32 $0x5000, s4  }
0x4: {  	s0 =	srdreg.scid;
	s7 =	sor.u32 $0x50, s25;
	s19 =	smul.u32 $0x5000, s6  }
0x5: {  	s29 =	sand.u32 $0x1, s0;
	s28 =	smul.u32 $0x5000, s7  }
0x6: {  	s18 =	sor.u32 $0x10, s25;
	s8 =	smul.u32 $0x2710, s29  }
0x7: {  	s21 =	sor.u32 $0x20, s25;
	s10 =	smul.u32 $0x28, s18  }
0x8: {  	s13 =	smul.u32 $0x28, s21  }
0x9: {  	s2 =	simm.s32 $0x0;
	s4 =	smul.u32 $0x28, s4  }
0xa: {  	[smem:$0x7FF] =	sst s2;
	s30 =	sor.u32 $0x60, s25;
	s6 =	smul.u32 $0x28, s6  }
0xb: {  	s31 =	sor.u32 $0x70, s25;
	s14 =	sor.u32 $0x80, s25;
	s7 =	smul.u32 $0x28, s7  }
0xc: {  	s16 =	sor.u32 $0x90, s25;
	s0 =	ssub.s32 $0x2, s29;
	s17 =	smul.u32 $0x28, s30  }
0xd: {  	s15 =	sor.u32 $0xA0, s25;
	s26 =	smul.u32 $0x28, s31;
	s11 =	sshrl.u32 s0, $0x1  }
0xe: {  	p0 =	sne.s32 s29, $0x0;
	p1 =	seq.s32 s29, $0x0;
	s0 =	ssub.s32 s0, s11  }
0xf: {  	s29 =	smul.u32 $0x5000, s21;
	s24 =	sadd.s32 $0x9C400, s8;
	[smem:$0x7FC] =	sst s0  }
0x10: {  	s12 =	sadd.s32 s9, s24;
	s3 =	sadd.s32 s6, s24;
	s6 =	rddreg [dreg:$0x4]  }
0x11: {  	s30 =	smul.u32 $0x5000, s30;
	s22 =	sadd.s32 s10, s24;
	[smem:$0x7DD] =	sst s12  }
0x12: {  	s8 =	smul.u32 $0x28, s16;
	s23 =	sadd.s32 s13, s24;
	[smem:$0x7DE] =	sst s22  }
0x13: {  	s20 =	sshrl.u32 s20, $0x2;
	s1 =	sadd.s32 s4, s24;
	[smem:$0x7DF] =	sst s23  }
0x14: {  	s19 =	sshrl.u32 s19, $0x2;
	s16 =	smul.u32 $0x5000, s16;
	[smem:$0x7E3] =	sst s1  }
0x15: {  	s4 =	smul.u32 $0x28, s14;
	s5 =	sadd.s32 s7, s24;
	[smem:$0x7E4] =	sst s3  }
0x16: {  	s7 =	sadd.s32 s17, s24;
	s10 =	smul.u32 $0x28, s15;
	[smem:$0x7E5] =	sst s5  }
0x17: {  	s9 =	sadd.s32 s26, s24;
	s14 =	smul.u32 $0x5000, s14;
	[smem:$0x7E9] =	sst s7  }
0x18: {  	s13 =	sor.u32 $0xB0, s25;
	s15 =	smul.u32 $0x5000, s15;
	[smem:$0x7EA] =	sst s9  }
0x19: {  	s12 =	smul.u32 $0x28, s13;
	s17 =	sadd.s32 s8, s24;
	s7 =	rddreg [dreg:$0x5]  }
0x1a: {  	s5 =	sor.u32 $0xD0, s25;
	s8 =	rddreg [dreg:$0x6];
	s9 =	smul.u32 $0x5000, s18  }
0x1b: {  	s3 =	rddreg [dreg:$0x7];
	s13 =	smul.u32 $0x5000, s13;
	s16 =	sshrl.u32 s16, $0x2  }
0x1c: {  	s11 =	sadd.s32 s4, s24;
	[smem:$0x7EF] =	sst s17;
	s22 =	sadd.s32 s10, s24  }
0x1d: {  	s4 =	sor.u32 $0xC0, s25;
	s10 =	sor.u32 $0xE0, s25;
	s17 =	rddreg [dreg:$0x9]  }
0x1e: {  	s0 =	smul.u32 $0x28, s5;
	s14 =	sshrl.u32 s14, $0x2;
	[smem:$0x7EB] =	sst s11  }
0x1f: {  	[smem:$0x7F0] =	sst s22;
	s23 =	sadd.s32 s12, s24;
	s26 =	smul.u32 $0x28, s4  }
0x20: {  	s12 =	sor.u32 $0xF0, s25;
	s11 =	rddreg [dreg:$0x8];
	s4 =	smul.u32 $0x5000, s4  }
0x21: {  	s13 =	sshrl.u32 s13, $0x2;
	[smem:$0x7F1] =	sst s23;
	s23 =	smul.u32 $0x28, s10  }
0x22: {  	s1 =	smul.u32 $0x28, s12;
	s20 =	sadd.s32 s20, s11;
	s19 =	sadd.s32 s19, s11  }
0x23: {  	s14 =	sadd.s32 s14, s11;
	s16 =	sadd.s32 s16, s11;
	s10 =	smul.u32 $0x5000, s10  }
0x24: {  	s13 =	sadd.s32 s13, s11;
	_ =	strace $0x80000047;
	[dreg:$0xc] =	wrdreg s19  }
0x25: {  	s22 =	sadd.s32 s26, s24;
	s26 =	sadd.s32 s0, s24;
	[dreg:$0x10] =	wrdreg s14  }
0x26: {  	s0 =	sshrl.u32 s9, $0x2;
	s19 =	sshrl.u32 s28, $0x2;
	[dreg:$0x13] =	wrdreg s13  }
0x27: {  	s9 =	sshrl.u32 s29, $0x2;
	[dreg:$0xb] =	wrdreg s20;
	s19 =	sadd.s32 s19, s11  }
0x28: {  	s29 =	smul.u32 $0x5000, s31;
	[dreg:$0xd] =	wrdreg s19;
	s19 =	sshrl.u32 s30, $0x2  }
0x29: {  	s4 =	sshrl.u32 s4, $0x2;
	[dreg:$0x11] =	wrdreg s16;
	s19 =	sadd.s32 s19, s11  }
0x2a: {  	s23 =	sadd.s32 s23, s24;
	[dreg:$0xe] =	wrdreg s19;
	s19 =	sshrl.u32 s29, $0x2  }
0x2b: {  	s24 =	sadd.s32 s1, s24;
	s1 =	smul.u32 $0x5000, s25;
	s19 =	sadd.s32 s19, s11  }
0x2c: {  	s4 =	sadd.s32 s4, s11;
	[dreg:$0xf] =	wrdreg s19;
	s19 =	sshrl.u32 s15, $0x2  }
0x2d: {  	[dreg:$0x14] =	wrdreg s4;
	s15 =	sshrl.u32 s10, $0x2;
	s14 =	sadd.s32 s19, s11  }
0x2e: {  	s1 =	sshrl.u32 s1, $0x2;
	s13 =	sadd.s32 s15, s11;
	[dreg:$0x12] =	wrdreg s14  }
0x2f: {  	s15 =	sadd.s32 s1, s11;
	[dreg:$0x16] =	wrdreg s13  }
0x30: {  	s5 =	smul.u32 $0x5000, s5;
	s1 =	sadd.s32 s1, s17;
	[dreg:$0x18] =	wrdreg s15  }
0x31: {  	s12 =	smul.u32 $0x5000, s12;
	[dreg:$0x19] =	wrdreg s1  }
0x32: {  	s29 =	smul.u32 $0x4E20, s25;
	s15 =	rddreg [dreg:$0x1]  }
0x33: {  	s14 =	sshrl.u32 s5, $0x2;
	s5 =	sadd.s32 s9, s11;
	s1 =	sld [smem:$0x7DD]  }
0x34: {  	s10 =	sshrl.u32 s29, $0x3;
	s9 =	sadd.s32 s9, s17;
	[dreg:$0x1c] =	wrdreg s5  }
0x35: {  	s19 =	sshrl.u32 s12, $0x2;
	s13 =	sadd.s32 s6, s10;
	[dreg:$0x1d] =	wrdreg s9  }
0x36: {  	s12 =	sadd.s32 s14, s11;
	s14 =	sadd.s32 s19, s11;
	[dreg:$0x1f] =	wrdreg s13  }
0x37: {  	s19 =	sadd.s32 s0, s11;
	s0 =	sadd.s32 s0, s17;
	s17 =	rddreg [dreg:$0x3]  }
0x38: {  	s5 =	sld [smem:$0x7DF]  }
0x39: {  	s13 =	sld [smem:$0x7E3]  }
0x3a: {  	[dreg:$0x17] =	wrdreg s14  }
0x3b: {  	[dreg:$0x1a] =	wrdreg s19  }
0x3c: {  	[dreg:$0x1b] =	wrdreg s0  }
0x3d: {  	s4 =	smul.u32 $0x4E200, s25;
	s14 =	rddreg [dreg:$0x0]  }
0x3e: {  	s19 =	rddreg [dreg:$0x2]  }
0x3f: {  	s0 =	sadd.s32 s8, s4;
	s4 =	sld [smem:$0x7DE]  }
0x40: {  	[dreg:$0x15] =	wrdreg s12  }
0x41: {  	[dreg:$0x1e] =	wrdreg s0  }
0x42: {  	s0 =	sadd.s32 s14, s10;
	s14 =	sld [smem:$0x7E4]  }
0x43: {  	[smem:$0x7D9] =	sst s0  }
0x44: {  	s0 =	sadd.s32 s15, s10;
	s15 =	sld [smem:$0x7E5]  }
0x45: {  	[smem:$0x7DA] =	sst s0;
	s0 =	sadd.s32 s17, s10  }
0x46: {  	[smem:$0x7DB] =	sst s0;
	s0 =	sadd.s32 s19, s10  }
0x47: {  	[smem:$0x7DC] =	sst s0;
	s0 =	sshll.u32 s1, $0x4;
	s1 =	sshll.u32 s4, $0x4  }
0x48: {  	s4 =	sshll.u32 s5, $0x4;
	s5 =	sld [smem:$0x7EB];
	s0 =	sadd.s32 s3, s0  }
0x49: {  	s9 =	sadd.s32 s3, s1;
	s1 =	sshll.u32 s14, $0x4;
	s14 =	sld [smem:$0x7F0]  }
0x4a: {  	s10 =	sadd.s32 s3, s4;
	s4 =	sshll.u32 s15, $0x4;
	s15 =	sld [smem:$0x7F1]  }
0x4b: {  	[smem:$0x7E0] =	sst s0  }
0x4c: {  	[smem:$0x7E1] =	sst s9  }
0x4d: {  	[smem:$0x7E2] =	sst s10  }
0x4e: {  	p2 =	sgt.u32 s25, $0x9;
	s17 =	sadd.s32 s3, s1;
	s1 =	sld [smem:$0x7E9]  }
0x4f: {  	p3 =	sgt.u32 s25, $0x7;
	s19 =	sadd.s32 s3, s4;
	s4 =	sld [smem:$0x7EA]  }
0x50: {  	p4 =	sgt.u32 @!p1 s25, $0x7;
	s0 =	sshll.u32 s13, $0x4;
	s13 =	sld [smem:$0x7EF]  }
0x51: {  	p4 =	por p4, p1;
	s28 =	simm.s32 $0x2;
	[smem:$0x7E7] =	sst s17  }
0x52: {  	s31 =	simm.s32 $0x7;
	s0 =	sadd.s32 s3, s0;
	[smem:$0x7E8] =	sst s19  }
0x53: {  	s30 =	simm.s32 $0x1AB80;
	[smem:$0x7E6] =	sst s0;
	s0 =	sshll.u32 s1, $0x4  }
0x54: {  	s1 =	sshll.u32 s4, $0x4;
	s4 =	sshll.u32 s5, $0x4;
	s5 =	smul.u32 $0x1400, s18  }
0x55: {  	s0 =	sadd.s32 s3, s0;
	s9 =	sadd.s32 s3, s1;
	s10 =	sadd.s32 s3, s4  }
0x56: {  	s1 =	sshll.u32 s14, $0x4;
	s4 =	sshll.u32 s15, $0x4;
	[smem:$0x7EC] =	sst s0  }
0x57: {  	s14 =	sshll.u32 s23, $0x4;
	s15 =	sshll.u32 s24, $0x4;
	[smem:$0x7ED] =	sst s9  }
0x58: {  	[smem:$0x7EE] =	sst s10;
	s0 =	sshll.u32 s13, $0x4;
	s17 =	sadd.s32 s3, s1  }
0x59: {  	s19 =	sadd.s32 s3, s4;
	s1 =	sshll.u32 s22, $0x4;
	s4 =	sshll.u32 s26, $0x4  }
0x5a: {  	s13 =	smul.u32 $0x1400, s25;
	s18 =	sadd.s32 s3, s15;
	s26 =	sld [smem:$0x7FC]  }
0x5b: {  	s15 =	sadd.s32 $0x4E2000, s3;
	s25 =	simm.s32 $0x18380;
	[smem:$0x7F3] =	sst s17  }
0x5c: {  	s9 =	simm.s32 $0x0;
	s0 =	sadd.s32 s3, s0;
	[smem:$0x7F4] =	sst s19  }
0x5d: {  	s10 =	sadd.s32 s3, s4;
	s17 =	smul.u32 $0x1400, s21;
	[smem:$0x7F8] =	sst s18  }
0x5e: {  	s19 =	sshrl.u32 s5, $0x3;
	s18 =	simm.s32 $0x16A80;
	[smem:$0x7F2] =	sst s0  }
0x5f: {  	s0 =	sadd.s32 s3, s1;
	[smem:$0x7F6] =	sst s10;
	s1 =	sadd.s32 s3, s14  }
0x60: {  	s22 =	sadd.s32 s3, s19;
	s14 =	sadd.s32 $0x50, s29;
	[smem:$0x7F5] =	sst s0  }
0x61: {  	s19 =	simm.s32 $0x16F80;
	s10 =	simm.s32 $0x4;
	[smem:$0x7F7] =	sst s1  }
0x62: {  	s0 =	sshrl.u32 s13, $0x3;
	s21 =	sshrl.u32 s17, $0x3;
	s13 =	sadd.s32 $0x28, s29  }
0x63: {  	s17 =	simm.s32 $0x9;
	s0 =	sadd.s32 s3, s0;
	s23 =	sadd.s32 s3, s21  }
.Ltmp0:
0x64: {  	s21 =	simm.s32 $0x28;
	s0 =	sadd.s32 $0xA12200, s0;
	(pc) =	sbr.rel .LBB2_1-.Ltmp0, $4  }
0x65: {  	s24 =	sadd.s32 $0xA12200, s23;
	s23 =	smov.u32 s3;
	[smem:$0x7F9] =	sst s0  }
0x66: {  	s0 =	sadd.s32 $0xA12200, s22;
	[smem:$0x7FB] =	sst s24;
	s22 =	simm.s32 $0x19780  }
0x67: {  	s24 =	simm.s32 $0x16B00;
	[smem:$0x7FA] =	sst s0;
	s0 =	smax.u32 s26, $0x1  }
0x68: {  	v0 =	vimm.f32 $0.0e+00;
	s26 =	simm.s32 $0x3;
	[smem:$0x7FD] =	sst s0;
	s0 =	simm.s32 $0x5  }
.LBB2_18:
0x69: {  	_ =	swait.ge [sflag:s1], $0x1400  }
0x6a: {  	[sflag:s1] =	ssyncset.done $0x0  }
0x6b: {  	s3 =	simm.s32 $0x8;
	[sflag:s1] =	ssyncadd.s32 $0xFFFFEC00  }
0x6c: {  	_ =	swait.ge [sflag:s3], $0x1400  }
0x6d: {  	[sflag:s3] =	ssyncset.done $0x0  }
0x6e: {  	[sflag:s3] =	ssyncadd.s32 $0xFFFFEC00  }
0x6f: {  	s4 =	stileid.u32;
	[bflag:$0x0] =	sbarrier.arrive $0xFFFF  }
0x70: {  	s1 =	sshll.u32 s4, $0x6;
	s4 =	sld [smem:$0x7E0]  }
0x71: {  	s3 =	rddreg [dreg:$0x18]  }
0x72: {  	s1 =	sor.u32 $0x1C09, s1;
	s3 =	sshrl.u32 s3, $0x3  }
0x73: {  	[hbm:s4], [sflag:s1] =	dma.local [spmem:s3], $0x280  }
0x74: {  	_ =	swait.ge [sflag:s17], $0x280  }
0x75: {  	s12 =	sld [smem:$0x7E1]  }
0x76: {  	[sflag:s17] =	ssyncset.done $0x0;
	s5 =	rddreg [dreg:$0x1a]  }
0x77: {  	[sflag:s17] =	ssyncadd.s32 $0xFFFFFD80;
	s3 =	sshrl.u32 s5, $0x3  }
0x78: {  	[hbm:s12], [sflag:s1] =	dma.local [spmem:s3], $0x280  }
0x79: {  	_ =	swait.ge [sflag:s17], $0x280  }
0x7a: {  	s20 =	sld [smem:$0x7E2]  }
0x7b: {  	[sflag:s17] =	ssyncset.done $0x0;
	s16 =	rddreg [dreg:$0x1c]  }
0x7c: {  	[sflag:s17] =	ssyncadd.s32 $0xFFFFFD80;
	s3 =	sshrl.u32 s16, $0x3  }
0x7d: {  	[hbm:s20], [sflag:s1] =	dma.local [spmem:s3], $0x280  }
0x7e: {  	_ =	swait.ge [sflag:s17], $0x280  }
0x7f: {  	s5 =	sld [smem:$0x7E6]  }
0x80: {  	[sflag:s17] =	ssyncset.done $0x0;
	s20 =	rddreg [dreg:$0xb]  }
0x81: {  	[sflag:s17] =	ssyncadd.s32 $0xFFFFFD80;
	s4 =	sshrl.u32 s20, $0x3  }
0x82: {  	[hbm:s5], [sflag:s1] =	dma.local [spmem:s4], $0x280  }
0x83: {  	_ =	swait.ge [sflag:s17], $0x280  }
0x84: {  	s16 =	sld [smem:$0x7E7]  }
0x85: {  	[sflag:s17] =	ssyncset.done $0x0;
	s12 =	rddreg [dreg:$0xc]  }
0x86: {  	[sflag:s17] =	ssyncadd.s32 $0xFFFFFD80;
	s3 =	sshrl.u32 s12, $0x3  }
0x87: {  	[hbm:s16], [sflag:s1] =	dma.local [spmem:s3], $0x280  }
0x88: {  	_ =	swait.ge [sflag:s17], $0x280  }
0x89: {  	s5 =	sld [smem:$0x7E8]  }
0x8a: {  	[sflag:s17] =	ssyncset.done $0x0;
	s4 =	rddreg [dreg:$0xd]  }
0x8b: {  	[sflag:s17] =	ssyncadd.s32 $0xFFFFFD80;
	s3 =	sshrl.u32 s4, $0x3  }
0x8c: {  	[hbm:s5], [sflag:s1] =	dma.local [spmem:s3], $0x280  }
0x8d: {  	_ =	swait.ge [sflag:s17], $0x280  }
0x8e: {  	s16 =	sld [smem:$0x7EC]  }
0x8f: {  	[sflag:s17] =	ssyncset.done $0x0;
	s12 =	rddreg [dreg:$0xe]  }
0x90: {  	[sflag:s17] =	ssyncadd.s32 $0xFFFFFD80;
	s3 =	sshrl.u32 s12, $0x3  }
0x91: {  	[hbm:s16], [sflag:s1] =	dma.local [spmem:s3], $0x280  }
0x92: {  	_ =	swait.ge [sflag:s17], $0x280  }
0x93: {  	s5 =	sld [smem:$0x7ED]  }
0x94: {  	[sflag:s17] =	ssyncset.done $0x0;
	s4 =	rddreg [dreg:$0xf]  }
0x95: {  	[sflag:s17] =	ssyncadd.s32 $0xFFFFFD80;
	s3 =	sshrl.u32 s4, $0x3  }
0x96: {  	[hbm:s5], [sflag:s1] =	dma.local [spmem:s3], $0x280  }
0x97: {  	_ =	swait.ge [sflag:s17], $0x280  }
0x98: {  	s16 =	sld [smem:$0x7EE]  }
0x99: {  	[sflag:s17] =	ssyncset.done $0x0;
	s12 =	rddreg [dreg:$0x10]  }
0x9a: {  	[sflag:s17] =	ssyncadd.s32 $0xFFFFFD80;
	s3 =	sshrl.u32 s12, $0x3  }
0x9b: {  	[hbm:s16], [sflag:s1] =	dma.local [spmem:s3], $0x280  }
0x9c: {  	_ =	swait.ge [sflag:s17], $0x280  }
0x9d: {  	s12 =	sld [smem:$0x7F2]  }
0x9e: {  	[sflag:s17] =	ssyncset.done $0x0;
	s16 =	rddreg [dreg:$0x11]  }
0x9f: {  	[sflag:s17] =	ssyncadd.s32 $0xFFFFFD80;
	s5 =	sshrl.u32 s16, $0x3  }
0xa0: {  	[hbm:s12], [sflag:s1] =	dma.local [spmem:s5], $0x280  }
0xa1: {  	_ =	swait.ge [sflag:s17], $0x280  }
0xa2: {  	s12 =	sld [smem:$0x7F3]  }
0xa3: {  	[sflag:s17] =	ssyncset.done $0x0;
	s5 =	rddreg [dreg:$0x12]  }
0xa4: {  	[sflag:s17] =	ssyncadd.s32 $0xFFFFFD80;
	s3 =	sshrl.u32 s5, $0x3  }
0xa5: {  	[hbm:s12], [sflag:s1] =	dma.local [spmem:s3], $0x280  }
0xa6: {  	_ =	swait.ge [sflag:s17], $0x280  }
0xa7: {  	s12 =	sld [smem:$0x7F4]  }
0xa8: {  	[sflag:s17] =	ssyncset.done $0x0;
	s5 =	rddreg [dreg:$0x13]  }
0xa9: {  	[sflag:s17] =	ssyncadd.s32 $0xFFFFFD80;
	s3 =	sshrl.u32 s5, $0x3  }
0xaa: {  	[hbm:s12], [sflag:s1] =	dma.local [spmem:s3], $0x280  }
0xab: {  	_ =	swait.ge [sflag:s17], $0x280  }
0xac: {  	s12 =	sld [smem:$0x7F5]  }
0xad: {  	[sflag:s17] =	ssyncset.done $0x0;
	s5 =	rddreg [dreg:$0x14]  }
0xae: {  	[sflag:s17] =	ssyncadd.s32 $0xFFFFFD80;
	s3 =	sshrl.u32 s5, $0x3  }
0xaf: {  	[hbm:s12], [sflag:s1] =	dma.local [spmem:s3], $0x280  }
0xb0: {  	_ =	swait.ge [sflag:s17], $0x280  }
0xb1: {  	s5 =	sld [smem:$0x7F6]  }
0xb2: {  	[sflag:s17] =	ssyncset.done $0x0;
	s12 =	rddreg [dreg:$0x15]  }
0xb3: {  	[sflag:s17] =	ssyncadd.s32 $0xFFFFFD80;
	s4 =	sshrl.u32 s12, $0x3  }
0xb4: {  	[hbm:s5], [sflag:s1] =	dma.local [spmem:s4], $0x280  }
0xb5: {  	_ =	swait.ge [sflag:s17], $0x280  }
0xb6: {  	s5 =	sld [smem:$0x7F7]  }
0xb7: {  	[sflag:s17] =	ssyncset.done $0x0;
	s4 =	rddreg [dreg:$0x16]  }
0xb8: {  	[sflag:s17] =	ssyncadd.s32 $0xFFFFFD80;
	s3 =	sshrl.u32 s4, $0x3  }
0xb9: {  	[hbm:s5], [sflag:s1] =	dma.local [spmem:s3], $0x280  }
0xba: {  	_ =	swait.ge [sflag:s17], $0x280  }
0xbb: {  	s4 =	sld [smem:$0x7F8]  }
0xbc: {  	[sflag:s17] =	ssyncset.done $0x0;
	s3 =	rddreg [dreg:$0x17]  }
0xbd: {  	[sflag:s17] =	ssyncadd.s32 $0xFFFFFD80;
	s3 =	sshrl.u32 @!p2 s3, $0x3  }
0xbe: {  	[hbm:s4], [sflag:s1] =	dma.local @!p2 [spmem:s3], $0x280  }
0xbf: {  	s3 =	simm.s32 @!p2 $0x9  }
0xc0: {  	_ =	swait.ge @!p2 [sflag:s3], $0x280  }
0xc1: {  	[sflag:s3] =	ssyncset.done @!p2 $0x0;
	s4 =	sld [smem:$0x7F9]  }
0xc2: {  	[sflag:s3] =	ssyncadd.s32 @!p2 $0xFFFFFD80;
	s3 =	rddreg [dreg:$0x19]  }
0xc3: {  	s3 =	sshrl.u32 @!p1 s3, $0x3  }
0xc4: {  	[hbm:s4], [sflag:s1] =	dma.local @!p1 [spmem:s3], $0x280  }
0xc5: {  	s3 =	simm.s32 @!p1 $0x9  }
0xc6: {  	_ =	swait.ge @!p1 [sflag:s3], $0x280  }
0xc7: {  	s5 =	sld [smem:$0x7FA]  }
0xc8: {  	[sflag:s3] =	ssyncset.done @!p1 $0x0;
	s4 =	rddreg [dreg:$0x1b]  }
0xc9: {  	[sflag:s3] =	ssyncadd.s32 @!p1 $0xFFFFFD80;
	s4 =	sshrl.u32 @!p1 s4, $0x3  }
0xca: {  	[hbm:s5], [sflag:s1] =	dma.local @!p1 [spmem:s4], $0x280  }
0xcb: {  	_ =	swait.ge @!p1 [sflag:s3], $0x280  }
0xcc: {  	[sflag:s3] =	ssyncset.done @!p1 $0x0;
	s4 =	sld [smem:$0x7FB]  }
0xcd: {  	[sflag:s3] =	ssyncadd.s32 @!p1 $0xFFFFFD80;
	s3 =	rddreg [dreg:$0x1d]  }
0xce: {  	s3 =	sshrl.u32 @!p4 s3, $0x3  }
0xcf: {  	[hbm:s4], [sflag:s1] =	dma.local @!p4 [spmem:s3], $0x280  }
0xd0: {  	s1 =	simm.s32 @!p4 $0x9  }
0xd1: {  	_ =	swait.ge @!p4 [sflag:s1], $0x280  }
0xd2: {  	s5 =	sld [smem:$0x7FD];
	_ =	sdelay $0x1  }
0xd3: {  	s9 =	sadd.s32 $0x1, s9  }
0xd4: {  	p5 =	sne.s32 s9, s5  }
.Ltmp1:
0xd5: {  	_ = 	snop;
	(pc) =	sbr.rel @!p5 .LBB2_19-.Ltmp1, $3  }
0xd6: {  	_ =	sdelay $0x1  }
0xd7: {  	[sflag:s1] =	ssyncset.done @!p4 $0x0  }
0xd8: {  	[sflag:s1] =	ssyncadd.s32 @!p4 $0xFFFFFD80  }
.LBB2_1:
0xd9: {  	[smem:$0x7D8] =	sst s9;
	s1 =	simm.s32 $0x0;
	s3 =	simm.s32 $0x200  }
.LBB2_2:
0xda: {  	p5 =	sne.s32 s3, $0x4E00;
	[tilespmem:s1+$0x1BFF0] =	vst v0  }
0xdb: {  	[tilespmem:s1+$0x1BF80] =	vst v0  }
0xdc: {  	[tilespmem:s1+$0x1BF90] =	vst v0  }
.Ltmp2:
0xdd: {  	[tilespmem:s1+$0x1BFA0] =	vst v0;
	(pc) =	sbr.rel @p5 .LBB2_2-.Ltmp2, $4  }
0xde: {  	[tilespmem:s1+$0x1BFB0] =	vst v0  }
0xdf: {  	[tilespmem:s1+$0x1BFC0] =	vst v0  }
0xe0: {  	[tilespmem:s1+$0x1BFD0] =	vst v0  }
0xe1: {  	[tilespmem:s1+$0x1BFE0] =	vst v0;
	s1 =	sshra.s32 s3, $0x2;
	s3 =	sadd.s32 $0x200, s3  }
0xe2: {  	[tilespmem:s1+$0x1BFF0] =	vst v0  }
0xe3: {  	[tilespmem:s1+$0x1BF80] =	vst v0  }
0xe4: {  	[tilespmem:s1+$0x1BF90] =	vst v0  }
0xe5: {  	[tilespmem:s1+$0x1BFA0] =	vst v0  }
0xe6: {  	[tilespmem:s1+$0x1BFB0] =	vst v0  }
0xe7: {  	[tilespmem:s1+$0x1BFC0] =	vst v0  }
0xe8: {  	[tilespmem:s1+$0x1BFD0] =	vst v0  }
0xe9: {  	[tilespmem:s1+$0x1BFE0] =	vst v0;
	s9 =	rddreg [dreg:$0x18];
	s4 =	simm.s32 $0x1BF80  }
0xea: {  	[spmem:s9] =	stream.linear.scatter [tilespmem:s4], [sflag:$0x9], $0x1400, $0x38;
	[tilespmem:$0x1D380] =	vst v63  }
0xeb: {  	_ =	swait.ge [sflag:s17], $0x1400  }
0xec: {  	[sflag:s17] =	ssyncset.done $0x0  }
0xed: {  	s3 =	rddreg [dreg:$0x1a];
	[sflag:s17] =	ssyncadd.s32 $0xFFFFEC00  }
0xee: {  	[spmem:s3] =	stream.linear.scatter [tilespmem:s4], [sflag:$0x9], $0x1400, $0x38;
	[tilespmem:$0x1D380] =	vst v63  }
0xef: {  	_ =	swait.ge [sflag:s17], $0x1400  }
0xf0: {  	[sflag:s17] =	ssyncset.done $0x0  }
0xf1: {  	s5 =	rddreg [dreg:$0x1c];
	[sflag:s17] =	ssyncadd.s32 $0xFFFFEC00  }
0xf2: {  	[spmem:s5] =	stream.linear.scatter [tilespmem:s4], [sflag:$0x9], $0x1400, $0x38;
	[tilespmem:$0x1D380] =	vst v63  }
0xf3: {  	_ =	swait.ge [sflag:s17], $0x1400  }
0xf4: {  	[sflag:s17] =	ssyncset.done $0x0  }
0xf5: {  	[sflag:s17] =	ssyncadd.s32 $0xFFFFEC00  }
0xf6: {  	[spmem:s20] =	stream.linear.scatter [tilespmem:s4], [sflag:$0x9], $0x1400, $0x38;
	[tilespmem:$0x1D380] =	vst v63  }
0xf7: {  	_ =	swait.ge [sflag:s17], $0x1400  }
0xf8: {  	[sflag:s17] =	ssyncset.done $0x0  }
0xf9: {  	s9 =	rddreg [dreg:$0xc];
	[sflag:s17] =	ssyncadd.s32 $0xFFFFEC00  }
0xfa: {  	[spmem:s9] =	stream.linear.scatter [tilespmem:s4], [sflag:$0x9], $0x1400, $0x38;
	[tilespmem:$0x1D380] =	vst v63  }
0xfb: {  	_ =	swait.ge [sflag:s17], $0x1400  }
0xfc: {  	[sflag:s17] =	ssyncset.done $0x0  }
0xfd: {  	s20 =	rddreg [dreg:$0xd];
	[sflag:s17] =	ssyncadd.s32 $0xFFFFEC00  }
0xfe: {  	[spmem:s20] =	stream.linear.scatter [tilespmem:s4], [sflag:$0x9], $0x1400, $0x38;
	[tilespmem:$0x1D380] =	vst v63  }
0xff: {  	_ =	swait.ge [sflag:s17], $0x1400  }
0x100: {  	[sflag:s17] =	ssyncset.done $0x0  }
0x101: {  	s3 =	rddreg [dreg:$0xe];
	[sflag:s17] =	ssyncadd.s32 $0xFFFFEC00  }
0x102: {  	[spmem:s3] =	stream.linear.scatter [tilespmem:s4], [sflag:$0x9], $0x1400, $0x38;
	[tilespmem:$0x1D380] =	vst v63  }
0x103: {  	_ =	swait.ge [sflag:s17], $0x1400  }
0x104: {  	[sflag:s17] =	ssyncset.done $0x0  }
0x105: {  	s5 =	rddreg [dreg:$0xf];
	[sflag:s17] =	ssyncadd.s32 $0xFFFFEC00  }
0x106: {  	[spmem:s5] =	stream.linear.scatter [tilespmem:s4], [sflag:$0x9], $0x1400, $0x38;
	[tilespmem:$0x1D380] =	vst v63  }
0x107: {  	_ =	swait.ge [sflag:s17], $0x1400  }
0x108: {  	[sflag:s17] =	ssyncset.done $0x0  }
0x109: {  	s9 =	rddreg [dreg:$0x10];
	[sflag:s17] =	ssyncadd.s32 $0xFFFFEC00  }
0x10a: {  	[spmem:s9] =	stream.linear.scatter [tilespmem:s4], [sflag:$0x9], $0x1400, $0x38;
	[tilespmem:$0x1D380] =	vst v63  }
0x10b: {  	_ =	swait.ge [sflag:s17], $0x1400  }
0x10c: {  	[sflag:s17] =	ssyncset.done $0x0  }
0x10d: {  	[sflag:s17] =	ssyncadd.s32 $0xFFFFEC00  }
0x10e: {  	[spmem:s16] =	stream.linear.scatter [tilespmem:s4], [sflag:$0x9], $0x1400, $0x38;
	[tilespmem:$0x1D380] =	vst v63  }
0x10f: {  	_ =	swait.ge [sflag:s17], $0x1400  }
0x110: {  	[sflag:s17] =	ssyncset.done $0x0  }
0x111: {  	s16 =	rddreg [dreg:$0x12];
	[sflag:s17] =	ssyncadd.s32 $0xFFFFEC00  }
0x112: {  	[spmem:s16] =	stream.linear.scatter [tilespmem:s4], [sflag:$0x9], $0x1400, $0x38;
	[tilespmem:$0x1D380] =	vst v63  }
0x113: {  	_ =	swait.ge [sflag:s17], $0x1400  }
0x114: {  	[sflag:s17] =	ssyncset.done $0x0  }
0x115: {  	s20 =	rddreg [dreg:$0x13];
	[sflag:s17] =	ssyncadd.s32 $0xFFFFEC00  }
0x116: {  	[spmem:s20] =	stream.linear.scatter [tilespmem:s4], [sflag:$0x9], $0x1400, $0x38;
	[tilespmem:$0x1D380] =	vst v63  }
0x117: {  	_ =	swait.ge [sflag:s17], $0x1400  }
0x118: {  	[sflag:s17] =	ssyncset.done $0x0  }
0x119: {  	s3 =	rddreg [dreg:$0x14];
	[sflag:s17] =	ssyncadd.s32 $0xFFFFEC00  }
0x11a: {  	[spmem:s3] =	stream.linear.scatter [tilespmem:s4], [sflag:$0x9], $0x1400, $0x38;
	[tilespmem:$0x1D380] =	vst v63  }
0x11b: {  	_ =	swait.ge [sflag:s17], $0x1400  }
0x11c: {  	[sflag:s17] =	ssyncset.done $0x0  }
0x11d: {  	[sflag:s17] =	ssyncadd.s32 $0xFFFFEC00  }
0x11e: {  	[spmem:s12] =	stream.linear.scatter [tilespmem:s4], [sflag:$0x9], $0x1400, $0x38;
	[tilespmem:$0x1D380] =	vst v63  }
0x11f: {  	_ =	swait.ge [sflag:s17], $0x1400  }
0x120: {  	[sflag:s17] =	ssyncset.done $0x0  }
0x121: {  	s5 =	rddreg [dreg:$0x16];
	[sflag:s17] =	ssyncadd.s32 $0xFFFFEC00  }
0x122: {  	[spmem:s5] =	stream.linear.scatter [tilespmem:s4], [sflag:$0x9], $0x1400, $0x38;
	[tilespmem:$0x1D380] =	vst v63  }
0x123: {  	_ =	swait.ge [sflag:s17], $0x1400  }
0x124: {  	[sflag:s17] =	ssyncset.done $0x0  }
0x125: {  	s1 =	simm.s32 @!p2 $0x1BF80;
	s3 =	rddreg [dreg:$0x17];
	[sflag:s17] =	ssyncadd.s32 $0xFFFFEC00  }
0x126: {  	[spmem:s3] =	stream.linear.scatter @!p2 [tilespmem:s1], [sflag:$0x9], $0x1400, $0x38;
	[tilespmem:$0x1D380] =	vst v63  }
0x127: {  	s1 =	simm.s32 @!p2 $0x9  }
0x128: {  	_ =	swait.ge @!p2 [sflag:s1], $0x1400  }
0x129: {  	[sflag:s1] =	ssyncset.done @!p2 $0x0  }
0x12a: {  	s9 =	rddreg [dreg:$0x19];
	[sflag:s1] =	ssyncadd.s32 @!p2 $0xFFFFEC00  }
0x12b: {  	[spmem:s9] =	stream.linear.scatter [tilespmem:s4], [sflag:$0x9], $0x1400, $0x38;
	[tilespmem:$0x1D380] =	vst v63  }
0x12c: {  	_ =	swait.ge [sflag:s17], $0x1400  }
0x12d: {  	[sflag:s17] =	ssyncset.done $0x0  }
0x12e: {  	s12 =	rddreg [dreg:$0x1b];
	[sflag:s17] =	ssyncadd.s32 $0xFFFFEC00  }
0x12f: {  	[spmem:s12] =	stream.linear.scatter [tilespmem:s4], [sflag:$0x9], $0x1400, $0x38;
	[tilespmem:$0x1D380] =	vst v63  }
0x130: {  	_ =	swait.ge [sflag:s17], $0x1400  }
0x131: {  	[sflag:s17] =	ssyncset.done $0x0  }
0x132: {  	s1 =	simm.s32 @!p3 $0x1BF80;
	s3 =	rddreg [dreg:$0x1d];
	[sflag:s17] =	ssyncadd.s32 $0xFFFFEC00  }
0x133: {  	[spmem:s3] =	stream.linear.scatter @!p3 [tilespmem:s1], [sflag:$0x9], $0x1400, $0x38;
	[tilespmem:$0x1D380] =	vst v63  }
0x134: {  	s1 =	simm.s32 @!p3 $0x9  }
0x135: {  	_ =	swait.ge @!p3 [sflag:s1], $0x1400  }
.Ltmp3:
0x136: {  	[sflag:s1] =	ssyncset.done @!p3 $0x0;
	(pc) =	sbr.rel @p0 .LBB2_11-.Ltmp3, $4  }
0x137: {  	[sflag:s1] =	ssyncadd.s32 @!p3 $0xFFFFEC00  }
0x138: {  	[bflag:$0x0] =	sbarrier.arrive $0xFFFF  }
0x139: {  	s20 =	simm.s32 $0x16E80;
	s16 =	rddreg [dreg:$0x1f]  }
0x13a: {  	[tilespmem:s20], [sflag:$0x1] =	stream.linear.gather [hbm4b:s16+s2], $0x28, $0x38;
	[tilespmem:$0x1D380] =	vst v63  }
0x13b: {  	s3 =	sld [smem:$0x7DC];
	_ =	sdelay $0x1  }
0x13c: {  	s1 =	simm.s32 $0x0  }
0x13d: {  	[tilespmem:s18], [sflag:$0x1] =	stream.linear.gather [hbm4b:s3+s1], $0x28, $0x38;
	[tilespmem:$0x1D380] =	vst v63  }
0x13e: {  	s16 =	rddreg [dreg:$0x1e];
	s20 =	simm.s32 $0x1  }
0x13f: {  	[tilespmem:s19], [sflag:$0x1] =	stream.linear.gather [hbm4b:s16+s1], $0x1400, $0x38;
	[tilespmem:$0x1D380] =	vst v63  }
0x140: {  	_ =	swait.ge [sflag:s20], $0x28  }
0x141: {  	[sflag:s20] =	ssyncset.done $0x0  }
0x142: {  	[sflag:s20] =	ssyncadd.s32 $0xFFFFFFD8  }
0x143: {  	_ =	swait.ge [sflag:s20], $0x28  }
0x144: {  	[sflag:s20] =	ssyncset.done $0x0  }
0x145: {  	[sflag:s20] =	ssyncadd.s32 $0xFFFFFFD8  }
0x146: {  	_ =	swait.ge [sflag:s20], $0x1400  }
0x147: {  	[sflag:s20] =	ssyncset.done $0x0  }
0x148: {  	s16 =	simm.s32 $0x0;
	[sflag:s20] =	ssyncadd.s32 $0xFFFFEC00  }
0x149: {  	[tilespmem:s22], [sflag:$0x3] =	stream.indirect.gather [hbm4b:s7+s21], $0x80, s18, s21, $0xb8;
	[tilespmem:$0x1D380] =	vst v63  }
.LBB2_5:
0x14a: {  	p5 =	seq.s32 s16, $0x0;
	s3 =	smul.u32 $0x50, s16  }
0x14b: {  	s4 =	simm.s32 @!p5 $0x8  }
0x14c: {  	_ =	swait.ge @!p5 [sflag:s4], $0x1400;
	s5 =	sadd.s32 s3, s13  }
0x14d: {  	[sflag:s4] =	ssyncset.done @!p5 $0x0;
	s12 =	sshrl.u32 s5, $0x3  }
0x14e: {  	s9 =	simm.s32 $0x16F00;
	[sflag:s4] =	ssyncadd.s32 @!p5 $0xFFFFEC00;
	s20 =	sadd.s32 s6, s12  }
0x14f: {  	[tilespmem:s9], [sflag:$0x2] =	stream.linear.gather [hbm4b:s20+s1], $0x28, $0x38;
	[tilespmem:$0x1D380] =	vst v63  }
0x150: {  	s9 =	rddreg [dreg:$0x2]  }
0x151: {  	s20 =	sshll.u32 s5, $0x4;
	s4 =	sadd.s32 s9, s12  }
0x152: {  	[tilespmem:s24], [sflag:$0x2] =	stream.linear.gather [hbm4b:s4+s1], $0x28, $0x38;
	[tilespmem:$0x1D380] =	vst v63  }
0x153: {  	s12 =	sadd.s32 s8, s20  }
0x154: {  	[tilespmem:s25], [sflag:$0x2] =	stream.linear.gather [hbm4b:s12+s1], $0x1400, $0x38;
	[tilespmem:$0x1D380] =	vst v63  }
0x155: {  	_ =	swait.ge [sflag:s26], $0x1400  }
0x156: {  	[sflag:s26] =	ssyncset.done $0x0  }
0x157: {  	s4 =	simm.s32 $0x0;
	[sflag:s26] =	ssyncadd.s32 $0xFFFFEC00  }
0x158: {  	s5 =	simm.s32 $0x16E80;
	v6 =	vld [tilespmem:s4+$0x197F0]  }
0x159: {  	v1 =	vld.msk [tilespmem:s5+$0x0 ss:$0x0], $0xffff  }
0x15a: {  	v2 =	vld [tilespmem:s4+$0x16FF0]  }
0x15b: {  	v7 =	vld [tilespmem:s4+$0x197D0]  }
0x15c: {  	v5 =	vld [tilespmem:s4+$0x197E0]  }
0x15d: {  	v4 =	vld [tilespmem:s4+$0x16F90]  }
0x15e: {  	s12 =	simm.s32 $0x200;
	v3 =	vld [tilespmem:s4+$0x197C0]  }
.LBB2_6:
0x15f: {  	p6 =	sne.s32 s12, $0x4E00  }
0x160: {  	v8 =	vld [tilespmem:s4+$0x16FB0];
	v6 =	vmul.f32 v6, v1;
	s5 =	sadd.s32 $0x1, s5;
	s9 =	smov.u32 s12;
	s12 =	sadd.s32 $0x200, s12  }
0x161: {  	v9 =	vld [tilespmem:s4+$0x16FC0];
	v7 =	vmul.f32 v7, v1  }
0x162: {  	v10 =	vld [tilespmem:s4+$0x197A0];
	v5 =	vmul.f32 v5, v1;
	[tilespmem:s4+$0x197F0] =	vst v6  }
0x163: {  	v4 =	vmul.f32 v4, v1;
	v6 =	vld [tilespmem:s4+$0x16FA0];
	[tilespmem:s4+$0x197D0] =	vst v7  }
0x164: {  	v3 =	vmul.f32 v3, v1;
	v7 =	vld [tilespmem:s4+$0x16FE0];
	[tilespmem:s4+$0x197E0] =	vst v5  }
0x165: {  	[tilespmem:s4+$0x16F90] =	vst v4;
	v4 =	vmul.f32 v8, v1;
	v5 =	vld [tilespmem:s4+$0x16FD0]  }
0x166: {  	v8 =	vld [tilespmem:s4+$0x19790];
	v9 =	vmul.f32 v9, v1;
	[tilespmem:s4+$0x197C0] =	vst v3  }
0x167: {  	v3 =	vld [tilespmem:s4+$0x16F80];
	v10 =	vmul.f32 v10, v1;
	[tilespmem:s4+$0x16FB0] =	vst v4  }
0x168: {  	v4 =	vmul.f32 v6, v1;
	v6 =	vld [tilespmem:s4+$0x197B0];
	[tilespmem:s4+$0x16FC0] =	vst v9  }
0x169: {  	v9 =	vld [tilespmem:s4+$0x19780];
	[tilespmem:s4+$0x197A0] =	vst v10;
	v7 =	vmul.f32 v7, v1  }
0x16a: {  	[tilespmem:s4+$0x16FA0] =	vst v4;
	v4 =	vmul.f32 v5, v1  }
0x16b: {  	v5 =	vmul.f32 v8, v1;
	[tilespmem:s4+$0x16FE0] =	vst v7  }
0x16c: {  	v3 =	vmul.f32 v1, v3;
	[tilespmem:s4+$0x16FD0] =	vst v4  }
0x16d: {  	[tilespmem:s4+$0x19790] =	vst v5;
	v4 =	vmul.f32 v6, v1  }
0x16e: {  	[tilespmem:s4+$0x16F80] =	vst v3;
	v3 =	vmul.f32 v9, v1;
	v1 =	vmul.f32 v2, v1  }
0x16f: {  	[tilespmem:s4+$0x197B0] =	vst v4  }
0x170: {  	s9 =	sshra.s32 s9, $0x2;
	[tilespmem:s4+$0x16FF0] =	vst v1  }
0x171: {  	v6 =	vld [tilespmem:s9+$0x197F0];
	[tilespmem:s4+$0x19780] =	vst v3;
	s4 =	smov.u32 s9  }
0x172: {  	v1 =	vld.msk [tilespmem:s5+$0x0 ss:$0x0], $0xffff  }
.Ltmp4:
0x173: {  	v2 =	vld [tilespmem:s4+$0x16FF0];
	(pc) =	sbr.rel @p6 .LBB2_6-.Ltmp4, $4  }
0x174: {  	v7 =	vld [tilespmem:s4+$0x197D0]  }
0x175: {  	v5 =	vld [tilespmem:s4+$0x197E0]  }
0x176: {  	v4 =	vld [tilespmem:s4+$0x16F90]  }
0x177: {  	v3 =	vld [tilespmem:s4+$0x197C0]  }
0x178: {  	v6 =	vmul.f32 v6, v1  }
0x179: {  	v8 =	vld [tilespmem:s4+$0x16FB0];
	v2 =	vmul.f32 v2, v1  }
0x17a: {  	v9 =	vld [tilespmem:s4+$0x16FC0];
	v7 =	vmul.f32 v7, v1;
	[tilespmem:s4+$0x197F0] =	vst v6  }
0x17b: {  	v10 =	vld [tilespmem:s4+$0x197A0];
	v5 =	vmul.f32 v5, v1;
	[tilespmem:s4+$0x16FF0] =	vst v2  }
0x17c: {  	v6 =	vld [tilespmem:s4+$0x16FA0];
	[tilespmem:s4+$0x197D0] =	vst v7;
	v4 =	vmul.f32 v4, v1  }
0x17d: {  	v7 =	vld [tilespmem:s4+$0x16FE0];
	[tilespmem:s4+$0x197E0] =	vst v5;
	v3 =	vmul.f32 v3, v1  }
0x17e: {  	v5 =	vld [tilespmem:s4+$0x19790];
	[tilespmem:s4+$0x16F90] =	vst v4;
	v8 =	vmul.f32 v8, v1  }
0x17f: {  	v4 =	vld [tilespmem:s4+$0x16FD0];
	v9 =	vmul.f32 v9, v1;
	[tilespmem:s4+$0x197C0] =	vst v3  }
0x180: {  	v10 =	vmul.f32 v10, v1;
	v3 =	vld [tilespmem:s4+$0x16F80];
	[tilespmem:s4+$0x16FB0] =	vst v8  }
0x181: {  	v8 =	vld [tilespmem:s4+$0x197B0];
	[tilespmem:s4+$0x16FC0] =	vst v9;
	v6 =	vmul.f32 v6, v1  }
0x182: {  	v63 =	vld [tilespmem:s4+$0x19780];
	[tilespmem:s4+$0x197A0] =	vst v10;
	v7 =	vmul.f32 v7, v1  }
0x183: {  	[tilespmem:s4+$0x16FA0] =	vst v6;
	v5 =	vmul.f32 v5, v1  }
0x184: {  	v4 =	vmul.f32 v4, v1;
	[tilespmem:s4+$0x16FE0] =	vst v7  }
0x185: {  	v3 =	vmul.f32 v1, v3;
	[tilespmem:s4+$0x19790] =	vst v5  }
0x186: {  	[tilespmem:s4+$0x16FD0] =	vst v4;
	v4 =	vmul.f32 v8, v1  }
0x187: {  	v1 =	vmul.f32 v63, v1;
	[tilespmem:s4+$0x16F80] =	vst v3  }
0x188: {  	[tilespmem:s4+$0x197B0] =	vst v4  }
0x189: {  	[tilespmem:s4+$0x19780] =	vst v1;
	s4 =	simm.s32 @!p5 $0x6  }
0x18a: {  	_ =	swait.ge @!p5 [sflag:s4], $0x1400  }
0x18b: {  	[sflag:s4] =	ssyncset.done @!p5 $0x0  }
0x18c: {  	[sflag:s4] =	ssyncadd.s32 @!p5 $0xFFFFEC00  }
0x18d: {  	_ =	swait.ge [sflag:s28], $0x28  }
0x18e: {  	[sflag:s28] =	ssyncset.done $0x0  }
0x18f: {  	[sflag:s28] =	ssyncadd.s32 $0xFFFFFFD8  }
0x190: {  	_ =	swait.ge [sflag:s28], $0x28  }
0x191: {  	[sflag:s28] =	ssyncset.done $0x0  }
0x192: {  	[sflag:s28] =	ssyncadd.s32 $0xFFFFFFD8  }
0x193: {  	_ =	swait.ge [sflag:s28], $0x1400  }
0x194: {  	s12 =	sadd.s32 s29, s3;
	[sflag:s28] =	ssyncset.done $0x0  }
0x195: {  	s4 =	sshll.u32 s12, $0x4;
	[sflag:s28] =	ssyncadd.s32 $0xFFFFEC00  }
0x196: {  	[tilespmem:s30], [sflag:$0x4] =	stream.indirect.gather [hbm4b:s7+s21], $0x80, s24, s21, $0xb8;
	[tilespmem:$0x1D380] =	vst v63  }
0x197: {  	s4 =	sadd.s32 s4, s15  }
0x198: {  	[hbm4b:s4+s2] =	stream.linear.scatter [tilespmem:s22], [sflag:$0x5], $0x1400, $0x38;
	[tilespmem:$0x1D380] =	vst v63  }
0x199: {  	p5 =	seq.s32 s16, $0xF9  }
0x19a: {  	[spmem:s11] =	stream.indirect.scatter.add.f32 [tilespmem:s19], [sflag:$0x7], $0x80, s18, s21, $0xb8;
	[tilespmem:$0x1D380] =	vst v63  }
0x19b: {  	s3 =	sadd.s32 @!p5 s3, s14;
	_ =	swait.ge [sflag:s31], $0x1400  }
0x19c: {  	s9 =	simm.s32 @!p5 $0x0;
	s4 =	sshrl.u32 @!p5 s3, $0x3;
	[sflag:s31] =	ssyncset.done $0x0  }
0x19d: {  	s12 =	simm.s32 @!p5 $0x16E80;
	s5 =	sadd.s32 @!p5 s6, s4;
	[sflag:s31] =	ssyncadd.s32 $0xFFFFEC00  }
0x19e: {  	[tilespmem:s12], [sflag:$0x1] =	stream.linear.gather @!p5 [hbm4b:s5+s9], $0x28, $0x38;
	[tilespmem:$0x1D380] =	vst v63  }
0x19f: {  	s5 =	rddreg [dreg:$0x2]  }
0x1a0: {  	s3 =	sshll.u32 @!p5 s3, $0x4;
	s4 =	sadd.s32 @!p5 s5, s4;
	s5 =	simm.s32 @!p5 $0x16A80  }
0x1a1: {  	[tilespmem:s5], [sflag:$0x1] =	stream.linear.gather @!p5 [hbm4b:s4+s9], $0x28, $0x38;
	[tilespmem:$0x1D380] =	vst v63  }
0x1a2: {  	s3 =	sadd.s32 @!p5 s8, s3;
	s4 =	simm.s32 @!p5 $0x16F80  }
0x1a3: {  	[tilespmem:s4], [sflag:$0x1] =	stream.linear.gather @!p5 [hbm4b:s3+s9], $0x1400, $0x38;
	[tilespmem:$0x1D380] =	vst v63  }
0x1a4: {  	_ =	swait.ge [sflag:s10], $0x1400  }
0x1a5: {  	[sflag:s10] =	ssyncset.done $0x0  }
0x1a6: {  	s3 =	simm.s32 $0x0;
	[sflag:s10] =	ssyncadd.s32 $0xFFFFEC00  }
0x1a7: {  	s4 =	simm.s32 $0x16F00;
	v6 =	vld [tilespmem:s3+$0x1ABF0]  }
0x1a8: {  	v1 =	vld.msk [tilespmem:s4+$0x0 ss:$0x0], $0xffff  }
0x1a9: {  	v2 =	vld [tilespmem:s3+$0x183F0]  }
0x1aa: {  	v7 =	vld [tilespmem:s3+$0x1ABD0]  }
0x1ab: {  	v5 =	vld [tilespmem:s3+$0x1ABE0]  }
0x1ac: {  	v4 =	vld [tilespmem:s3+$0x18390]  }
0x1ad: {  	s5 =	simm.s32 $0x200;
	v3 =	vld [tilespmem:s3+$0x1ABC0]  }
.LBB2_8:
0x1ae: {  	p6 =	sne.s32 s5, $0x4E00  }
0x1af: {  	v8 =	vld [tilespmem:s3+$0x183B0];
	v6 =	vmul.f32 v6, v1;
	s4 =	sadd.s32 $0x1, s4;
	s9 =	smov.u32 s5;
	s5 =	sadd.s32 $0x200, s5  }
0x1b0: {  	v9 =	vld [tilespmem:s3+$0x183C0];
	v7 =	vmul.f32 v7, v1  }
0x1b1: {  	v10 =	vld [tilespmem:s3+$0x1ABA0];
	v5 =	vmul.f32 v5, v1;
	[tilespmem:s3+$0x1ABF0] =	vst v6  }
0x1b2: {  	v4 =	vmul.f32 v4, v1;
	v6 =	vld [tilespmem:s3+$0x183A0];
	[tilespmem:s3+$0x1ABD0] =	vst v7  }
0x1b3: {  	v3 =	vmul.f32 v3, v1;
	v7 =	vld [tilespmem:s3+$0x183E0];
	[tilespmem:s3+$0x1ABE0] =	vst v5  }
0x1b4: {  	[tilespmem:s3+$0x18390] =	vst v4;
	v4 =	vmul.f32 v8, v1;
	v5 =	vld [tilespmem:s3+$0x183D0]  }
0x1b5: {  	v8 =	vld [tilespmem:s3+$0x1AB90];
	v9 =	vmul.f32 v9, v1;
	[tilespmem:s3+$0x1ABC0] =	vst v3  }
0x1b6: {  	v3 =	vld [tilespmem:s3+$0x18380];
	v10 =	vmul.f32 v10, v1;
	[tilespmem:s3+$0x183B0] =	vst v4  }
0x1b7: {  	v4 =	vmul.f32 v6, v1;
	v6 =	vld [tilespmem:s3+$0x1ABB0];
	[tilespmem:s3+$0x183C0] =	vst v9  }
0x1b8: {  	v9 =	vld [tilespmem:s3+$0x1AB80];
	[tilespmem:s3+$0x1ABA0] =	vst v10;
	v7 =	vmul.f32 v7, v1  }
0x1b9: {  	[tilespmem:s3+$0x183A0] =	vst v4;
	v4 =	vmul.f32 v5, v1  }
0x1ba: {  	v5 =	vmul.f32 v8, v1;
	[tilespmem:s3+$0x183E0] =	vst v7  }
0x1bb: {  	v3 =	vmul.f32 v1, v3;
	[tilespmem:s3+$0x183D0] =	vst v4  }
0x1bc: {  	[tilespmem:s3+$0x1AB90] =	vst v5;
	v4 =	vmul.f32 v6, v1  }
0x1bd: {  	[tilespmem:s3+$0x18380] =	vst v3;
	v3 =	vmul.f32 v9, v1;
	v1 =	vmul.f32 v2, v1  }
0x1be: {  	[tilespmem:s3+$0x1ABB0] =	vst v4  }
0x1bf: {  	s9 =	sshra.s32 s9, $0x2;
	[tilespmem:s3+$0x183F0] =	vst v1  }
0x1c0: {  	v6 =	vld [tilespmem:s9+$0x1ABF0];
	[tilespmem:s3+$0x1AB80] =	vst v3;
	s3 =	smov.u32 s9  }
0x1c1: {  	v1 =	vld.msk [tilespmem:s4+$0x0 ss:$0x0], $0xffff  }
.Ltmp5:
0x1c2: {  	v2 =	vld [tilespmem:s3+$0x183F0];
	(pc) =	sbr.rel @p6 .LBB2_8-.Ltmp5, $4  }
0x1c3: {  	v7 =	vld [tilespmem:s3+$0x1ABD0]  }
0x1c4: {  	v5 =	vld [tilespmem:s3+$0x1ABE0]  }
0x1c5: {  	v4 =	vld [tilespmem:s3+$0x18390]  }
0x1c6: {  	v3 =	vld [tilespmem:s3+$0x1ABC0]  }
0x1c7: {  	v6 =	vmul.f32 v6, v1  }
0x1c8: {  	v8 =	vld [tilespmem:s3+$0x183B0];
	v2 =	vmul.f32 v2, v1  }
0x1c9: {  	v9 =	vld [tilespmem:s3+$0x183C0];
	v7 =	vmul.f32 v7, v1;
	[tilespmem:s3+$0x1ABF0] =	vst v6  }
0x1ca: {  	v10 =	vld [tilespmem:s3+$0x1ABA0];
	v5 =	vmul.f32 v5, v1;
	[tilespmem:s3+$0x183F0] =	vst v2  }
0x1cb: {  	v57 =	vld [tilespmem:s3+$0x183A0];
	[tilespmem:s3+$0x1ABD0] =	vst v7;
	v4 =	vmul.f32 v4, v1  }
0x1cc: {  	v58 =	vld [tilespmem:s3+$0x183E0];
	[tilespmem:s3+$0x1ABE0] =	vst v5;
	v3 =	vmul.f32 v3, v1  }
0x1cd: {  	v59 =	vld [tilespmem:s3+$0x183D0];
	[tilespmem:s3+$0x18390] =	vst v4;
	v8 =	vmul.f32 v8, v1  }
0x1ce: {  	v60 =	vld [tilespmem:s3+$0x1AB90];
	v9 =	vmul.f32 v9, v1;
	[tilespmem:s3+$0x1ABC0] =	vst v3  }
0x1cf: {  	v61 =	vld [tilespmem:s3+$0x1ABB0];
	v10 =	vmul.f32 v10, v1;
	[tilespmem:s3+$0x183B0] =	vst v8  }
0x1d0: {  	v6 =	vmul.f32 v57, v1;
	v3 =	vld [tilespmem:s3+$0x18380];
	[tilespmem:s3+$0x183C0] =	vst v9  }
0x1d1: {  	v62 =	vld [tilespmem:s3+$0x1AB80];
	v7 =	vmul.f32 v58, v1;
	[tilespmem:s3+$0x1ABA0] =	vst v10  }
0x1d2: {  	v4 =	vmul.f32 v59, v1;
	[tilespmem:s3+$0x183A0] =	vst v6  }
0x1d3: {  	v5 =	vmul.f32 v60, v1;
	[tilespmem:s3+$0x183E0] =	vst v7  }
0x1d4: {  	v63 =	vmul.f32 v61, v1;
	[tilespmem:s3+$0x183D0] =	vst v4  }
0x1d5: {  	[tilespmem:s3+$0x1AB90] =	vst v5;
	v3 =	vmul.f32 v1, v3  }
0x1d6: {  	[tilespmem:s3+$0x1ABB0] =	vst v63;
	v1 =	vmul.f32 v62, v1  }
0x1d7: {  	[tilespmem:s3+$0x18380] =	vst v3  }
0x1d8: {  	[tilespmem:s3+$0x1AB80] =	vst v1  }
0x1d9: {  	_ =	swait.ge [sflag:s0], $0x1400  }
0x1da: {  	[sflag:s0] =	ssyncset.done $0x0  }
0x1db: {  	s3 =	simm.s32 @!p5 $0x1;
	[sflag:s0] =	ssyncadd.s32 $0xFFFFEC00  }
0x1dc: {  	_ =	swait.ge @!p5 [sflag:s3], $0x28  }
0x1dd: {  	[sflag:s3] =	ssyncset.done @!p5 $0x0  }
0x1de: {  	[sflag:s3] =	ssyncadd.s32 @!p5 $0xFFFFFFD8  }
0x1df: {  	_ =	swait.ge @!p5 [sflag:s3], $0x28  }
0x1e0: {  	[sflag:s3] =	ssyncset.done @!p5 $0x0  }
0x1e1: {  	[sflag:s3] =	ssyncadd.s32 @!p5 $0xFFFFFFD8  }
0x1e2: {  	_ =	swait.ge @!p5 [sflag:s3], $0x1400  }
0x1e3: {  	s4 =	simm.s32 @!p5 $0x16A80;
	s5 =	simm.s32 @!p5 $0x19780;
	[sflag:s3] =	ssyncset.done @!p5 $0x0  }
0x1e4: {  	s16 =	sadd.s32 $0x1, s16;
	[sflag:s3] =	ssyncadd.s32 @!p5 $0xFFFFEC00;
	s3 =	simm.s32 @!p5 $0x28  }
0x1e5: {  	[tilespmem:s5], [sflag:$0x3] =	stream.indirect.gather @!p5 [hbm4b:s7+s3], $0x80, s4, s3, $0xb8;
	[tilespmem:$0x1D380] =	vst v63  }
0x1e6: {  	p5 =	seq.s32 s16, $0xFA  }
.Ltmp6:
0x1e7: {  	_ = 	snop;
	(pc) =	sbr.rel @!p5 .LBB2_5-.Ltmp6, $4  }
0x1e8: {  	s20 =	sadd.s32 s20, s15  }
0x1e9: {  	[hbm4b:s20+s2] =	stream.linear.scatter [tilespmem:s30], [sflag:$0x6], $0x1400, $0x38;
	[tilespmem:$0x1D380] =	vst v63  }
0x1ea: {  	_ = 	snop  }
0x1eb: {  	[spmem:s11] =	stream.indirect.scatter.add.f32 [tilespmem:s25], [sflag:$0x8], $0x80, s24, s21, $0xb8;
	[tilespmem:$0x1D380] =	vst v63  }
.Ltmp7:
0x1ec: {  	(pc) =	sbr.rel .LBB2_18-.Ltmp7, $2  }
0x1ed: {  	_ =	sdelay $0x2  }
0x1ee: {  	s1 =	simm.s32 $0x6;
	s9 =	sld [smem:$0x7D8]  }
.LBB2_11:
0x1ef: {  	s1 =	sld [smem:$0x7D9];
	_ =	sdelay $0x1  }
0x1f0: {  	s20 =	simm.s32 $0x0;
	s4 =	rddreg [dreg:$0x1e]  }
0x1f1: {  	[tilespmem:s18], [sflag:$0x1] =	stream.linear.gather [hbm4b:s1+s20], $0x28, $0x38;
	[tilespmem:$0x1D380] =	vst v63  }
0x1f2: {  	s5 =	sld [smem:$0x7DA]  }
0x1f3: {  	[tilespmem:s19], [sflag:$0x1] =	stream.linear.gather [hbm4b:s4+s20], $0x1400, $0x38;
	[tilespmem:$0x1D380] =	vst v63  }
0x1f4: {  	s3 =	simm.s32 $0x16C80;
	s9 =	sld [smem:$0x7DB]  }
0x1f5: {  	[tilespmem:s3], [sflag:$0x1] =	stream.linear.gather [hbm4b:s5+s20], $0x28, $0x38;
	[tilespmem:$0x1D380] =	vst v63  }
0x1f6: {  	s12 =	simm.s32 $0x16D80;
	s16 =	simm.s32 $0x1  }
0x1f7: {  	[tilespmem:s12], [sflag:$0x1] =	stream.linear.gather [hbm4b:s9+s20], $0x28, $0x38;
	[tilespmem:$0x1D380] =	vst v63  }
0x1f8: {  	_ =	swait.ge [sflag:s16], $0x28  }
0x1f9: {  	[sflag:s16] =	ssyncset.done $0x0  }
0x1fa: {  	[sflag:s16] =	ssyncadd.s32 $0xFFFFFFD8  }
0x1fb: {  	_ =	swait.ge [sflag:s16], $0x28  }
0x1fc: {  	[sflag:s16] =	ssyncset.done $0x0  }
0x1fd: {  	[sflag:s16] =	ssyncadd.s32 $0xFFFFFFD8  }
0x1fe: {  	_ =	swait.ge [sflag:s16], $0x1400  }
0x1ff: {  	[sflag:s16] =	ssyncset.done $0x0  }
0x200: {  	[sflag:s16] =	ssyncadd.s32 $0xFFFFEC00  }
0x201: {  	_ =	swait.ge [sflag:s16], $0x28  }
0x202: {  	[sflag:s16] =	ssyncset.done $0x0  }
0x203: {  	[sflag:s16] =	ssyncadd.s32 $0xFFFFFFD8  }
0x204: {  	_ =	swait.ge [sflag:s16], $0x28  }
0x205: {  	[sflag:s16] =	ssyncset.done $0x0  }
0x206: {  	[sflag:s16] =	ssyncadd.s32 $0xFFFFFFD8;
	s16 =	simm.s32 $0x0  }
0x207: {  	[tilespmem:s22], [sflag:$0x3] =	stream.indirect.gather [hbm4b:s7+s21], $0x80, s18, s21, $0xb8;
	[tilespmem:$0x1D380] =	vst v63  }
.LBB2_12:
0x208: {  	p5 =	seq.s32 s16, $0x0  }
0x209: {  	s1 =	simm.s32 @!p5 $0x8  }
0x20a: {  	_ =	swait.ge @!p5 [sflag:s1], $0x1400  }
0x20b: {  	s3 =	smul.u32 $0x50, s16;
	[sflag:s1] =	ssyncset.done @!p5 $0x0  }
0x20c: {  	[sflag:s1] =	ssyncadd.s32 @!p5 $0xFFFFEC00  }
0x20d: {  	s4 =	sadd.s32 s3, s13;
	_ =	swait.ge @!p5 [sflag:s1], $0x1400  }
0x20e: {  	s5 =	sshrl.u32 s4, $0x3;
	[sflag:s1] =	ssyncset.done @!p5 $0x0  }
0x20f: {  	s9 =	simm.s32 $0x16F00;
	s12 =	sadd.s32 s6, s5;
	[sflag:s1] =	ssyncadd.s32 @!p5 $0xFFFFEC00  }
0x210: {  	[tilespmem:s9], [sflag:$0x2] =	stream.linear.gather [hbm4b:s12+s20], $0x28, $0x38;
	[tilespmem:$0x1D380] =	vst v63  }
0x211: {  	s12 =	rddreg [dreg:$0x0]  }
0x212: {  	s1 =	sadd.s32 s12, s5  }
0x213: {  	[tilespmem:s24], [sflag:$0x2] =	stream.linear.gather [hbm4b:s1+s20], $0x28, $0x38;
	[tilespmem:$0x1D380] =	vst v63  }
0x214: {  	s1 =	sshll.u32 s4, $0x4  }
0x215: {  	s9 =	rddreg [dreg:$0x1];
	s4 =	sadd.s32 s8, s1  }
0x216: {  	[tilespmem:s25], [sflag:$0x2] =	stream.linear.gather [hbm4b:s4+s20], $0x1400, $0x38;
	[tilespmem:$0x1D380] =	vst v63  }
0x217: {  	s12 =	simm.s32 $0x16D00;
	s4 =	sadd.s32 s9, s5;
	s9 =	rddreg [dreg:$0x3]  }
0x218: {  	[tilespmem:s12], [sflag:$0x2] =	stream.linear.gather [hbm4b:s4+s20], $0x28, $0x38;
	[tilespmem:$0x1D380] =	vst v63  }
0x219: {  	s4 =	sadd.s32 s9, s5;
	s12 =	simm.s32 $0x16E00  }
0x21a: {  	[tilespmem:s12], [sflag:$0x2] =	stream.linear.gather [hbm4b:s4+s20], $0x28, $0x38;
	[tilespmem:$0x1D380] =	vst v63  }
0x21b: {  	v1 =	vld [tilespmem:$0x16C80]  }
0x21c: {  	v2 =	vld [tilespmem:$0x16D80]  }
0x21d: {  	v3 =	vld [tilespmem:$0x16D90]  }
0x21e: {  	v4 =	vld [tilespmem:$0x16D98]  }
0x21f: {  	v5 =	vld [tilespmem:$0x16C90]  }
0x220: {  	v6 =	vld [tilespmem:$0x16C98]  }
0x221: {  	v2 =	vmul.u32 $0xC8, v2  }
0x222: {  	v3 =	vmul.u32 $0xC8, v3  }
0x223: {  	v1 =	vadd.s32 v1, v2;
	v2 =	vmul.u32 $0xC8, v4  }
0x224: {  	[tilespmem:$0x16B80] =	vst v1;
	v1 =	vadd.s32 v5, v3  }
0x225: {  	[tilespmem:$0x16B90] =	vst v1;
	v1 =	vadd.s32 v6, v2  }
0x226: {  	[tilespmem:$0x16B98] =	vst v1  }
0x227: {  	_ =	swait.ge [sflag:s26], $0x1400  }
0x228: {  	[sflag:s26] =	ssyncset.done $0x0  }
0x229: {  	s4 =	simm.s32 $0x0;
	[sflag:s26] =	ssyncadd.s32 $0xFFFFEC00  }
0x22a: {  	s5 =	simm.s32 $0x16E80;
	v6 =	vld [tilespmem:s4+$0x197F0]  }
0x22b: {  	v1 =	vld.msk [tilespmem:s5+$0x0 ss:$0x0], $0xffff  }
0x22c: {  	v2 =	vld [tilespmem:s4+$0x16FF0]  }
0x22d: {  	v7 =	vld [tilespmem:s4+$0x197D0]  }
0x22e: {  	v5 =	vld [tilespmem:s4+$0x197E0]  }
0x22f: {  	v4 =	vld [tilespmem:s4+$0x16F90]  }
0x230: {  	s12 =	simm.s32 $0x200;
	v3 =	vld [tilespmem:s4+$0x197C0]  }
.LBB2_13:
0x231: {  	p6 =	sne.s32 s12, $0x4E00  }
0x232: {  	v8 =	vld [tilespmem:s4+$0x16FB0];
	v6 =	vmul.f32 v6, v1;
	s5 =	sadd.s32 $0x1, s5;
	s9 =	smov.u32 s12;
	s12 =	sadd.s32 $0x200, s12  }
0x233: {  	v9 =	vld [tilespmem:s4+$0x16FC0];
	v7 =	vmul.f32 v7, v1  }
0x234: {  	v10 =	vld [tilespmem:s4+$0x197A0];
	v5 =	vmul.f32 v5, v1;
	[tilespmem:s4+$0x197F0] =	vst v6  }
0x235: {  	v4 =	vmul.f32 v4, v1;
	v6 =	vld [tilespmem:s4+$0x16FA0];
	[tilespmem:s4+$0x197D0] =	vst v7  }
0x236: {  	v3 =	vmul.f32 v3, v1;
	v7 =	vld [tilespmem:s4+$0x16FE0];
	[tilespmem:s4+$0x197E0] =	vst v5  }
0x237: {  	[tilespmem:s4+$0x16F90] =	vst v4;
	v4 =	vmul.f32 v8, v1;
	v5 =	vld [tilespmem:s4+$0x16FD0]  }
0x238: {  	v8 =	vld [tilespmem:s4+$0x19790];
	v9 =	vmul.f32 v9, v1;
	[tilespmem:s4+$0x197C0] =	vst v3  }
0x239: {  	v3 =	vld [tilespmem:s4+$0x16F80];
	v10 =	vmul.f32 v10, v1;
	[tilespmem:s4+$0x16FB0] =	vst v4  }
0x23a: {  	v4 =	vmul.f32 v6, v1;
	v6 =	vld [tilespmem:s4+$0x197B0];
	[tilespmem:s4+$0x16FC0] =	vst v9  }
0x23b: {  	v9 =	vld [tilespmem:s4+$0x19780];
	[tilespmem:s4+$0x197A0] =	vst v10;
	v7 =	vmul.f32 v7, v1  }
0x23c: {  	[tilespmem:s4+$0x16FA0] =	vst v4;
	v4 =	vmul.f32 v5, v1  }
0x23d: {  	v5 =	vmul.f32 v8, v1;
	[tilespmem:s4+$0x16FE0] =	vst v7  }
0x23e: {  	v3 =	vmul.f32 v1, v3;
	[tilespmem:s4+$0x16FD0] =	vst v4  }
0x23f: {  	[tilespmem:s4+$0x19790] =	vst v5;
	v4 =	vmul.f32 v6, v1  }
0x240: {  	[tilespmem:s4+$0x16F80] =	vst v3;
	v3 =	vmul.f32 v9, v1;
	v1 =	vmul.f32 v2, v1  }
0x241: {  	[tilespmem:s4+$0x197B0] =	vst v4  }
0x242: {  	s9 =	sshra.s32 s9, $0x2;
	[tilespmem:s4+$0x16FF0] =	vst v1  }
0x243: {  	v6 =	vld [tilespmem:s9+$0x197F0];
	[tilespmem:s4+$0x19780] =	vst v3;
	s4 =	smov.u32 s9  }
0x244: {  	v1 =	vld.msk [tilespmem:s5+$0x0 ss:$0x0], $0xffff  }
.Ltmp8:
0x245: {  	v2 =	vld [tilespmem:s4+$0x16FF0];
	(pc) =	sbr.rel @p6 .LBB2_13-.Ltmp8, $4  }
0x246: {  	v7 =	vld [tilespmem:s4+$0x197D0]  }
0x247: {  	v5 =	vld [tilespmem:s4+$0x197E0]  }
0x248: {  	v4 =	vld [tilespmem:s4+$0x16F90]  }
0x249: {  	v3 =	vld [tilespmem:s4+$0x197C0]  }
0x24a: {  	v6 =	vmul.f32 v6, v1  }
0x24b: {  	v8 =	vld [tilespmem:s4+$0x16FB0];
	v2 =	vmul.f32 v2, v1  }
0x24c: {  	v9 =	vld [tilespmem:s4+$0x16FC0];
	v7 =	vmul.f32 v7, v1;
	[tilespmem:s4+$0x197F0] =	vst v6  }
0x24d: {  	v10 =	vld [tilespmem:s4+$0x197A0];
	v5 =	vmul.f32 v5, v1;
	[tilespmem:s4+$0x16FF0] =	vst v2  }
0x24e: {  	v6 =	vld [tilespmem:s4+$0x16FA0];
	[tilespmem:s4+$0x197D0] =	vst v7;
	v4 =	vmul.f32 v4, v1  }
0x24f: {  	v7 =	vld [tilespmem:s4+$0x16FE0];
	[tilespmem:s4+$0x197E0] =	vst v5;
	v3 =	vmul.f32 v3, v1  }
0x250: {  	v5 =	vld [tilespmem:s4+$0x19790];
	[tilespmem:s4+$0x16F90] =	vst v4;
	v8 =	vmul.f32 v8, v1  }
0x251: {  	v4 =	vld [tilespmem:s4+$0x16FD0];
	v9 =	vmul.f32 v9, v1;
	[tilespmem:s4+$0x197C0] =	vst v3  }
0x252: {  	v10 =	vmul.f32 v10, v1;
	v3 =	vld [tilespmem:s4+$0x16F80];
	[tilespmem:s4+$0x16FB0] =	vst v8  }
0x253: {  	v8 =	vld [tilespmem:s4+$0x197B0];
	[tilespmem:s4+$0x16FC0] =	vst v9;
	v6 =	vmul.f32 v6, v1  }
0x254: {  	v63 =	vld [tilespmem:s4+$0x19780];
	[tilespmem:s4+$0x197A0] =	vst v10;
	v7 =	vmul.f32 v7, v1  }
0x255: {  	[tilespmem:s4+$0x16FA0] =	vst v6;
	v5 =	vmul.f32 v5, v1  }
0x256: {  	v4 =	vmul.f32 v4, v1;
	[tilespmem:s4+$0x16FE0] =	vst v7  }
0x257: {  	v3 =	vmul.f32 v1, v3;
	[tilespmem:s4+$0x19790] =	vst v5  }
0x258: {  	[tilespmem:s4+$0x16FD0] =	vst v4;
	v4 =	vmul.f32 v8, v1  }
0x259: {  	v1 =	vmul.f32 v63, v1;
	[tilespmem:s4+$0x16F80] =	vst v3  }
0x25a: {  	[tilespmem:s4+$0x197B0] =	vst v4  }
0x25b: {  	[tilespmem:s4+$0x19780] =	vst v1;
	s4 =	simm.s32 @!p5 $0x6  }
0x25c: {  	_ =	swait.ge @!p5 [sflag:s4], $0x1400  }
0x25d: {  	[sflag:s4] =	ssyncset.done @!p5 $0x0  }
0x25e: {  	[sflag:s4] =	ssyncadd.s32 @!p5 $0xFFFFEC00  }
0x25f: {  	_ =	swait.ge [sflag:s28], $0x28  }
0x260: {  	[sflag:s28] =	ssyncset.done $0x0  }
0x261: {  	[sflag:s28] =	ssyncadd.s32 $0xFFFFFFD8  }
0x262: {  	_ =	swait.ge [sflag:s28], $0x28  }
0x263: {  	[sflag:s28] =	ssyncset.done $0x0  }
0x264: {  	[sflag:s28] =	ssyncadd.s32 $0xFFFFFFD8  }
0x265: {  	_ =	swait.ge [sflag:s28], $0x1400  }
0x266: {  	[sflag:s28] =	ssyncset.done $0x0  }
0x267: {  	[sflag:s28] =	ssyncadd.s32 $0xFFFFEC00  }
0x268: {  	_ =	swait.ge [sflag:s28], $0x28  }
0x269: {  	[sflag:s28] =	ssyncset.done $0x0  }
0x26a: {  	[sflag:s28] =	ssyncadd.s32 $0xFFFFFFD8  }
0x26b: {  	_ =	swait.ge [sflag:s28], $0x28  }
0x26c: {  	s9 =	sadd.s32 s29, s3;
	[sflag:s28] =	ssyncset.done $0x0  }
0x26d: {  	s4 =	sshll.u32 s9, $0x4;
	[sflag:s28] =	ssyncadd.s32 $0xFFFFFFD8  }
0x26e: {  	[tilespmem:s30], [sflag:$0x4] =	stream.indirect.gather [hbm4b:s7+s21], $0x80, s24, s21, $0xb8;
	[tilespmem:$0x1D380] =	vst v63  }
0x26f: {  	s4 =	sadd.s32 s23, s4  }
0x270: {  	[hbm4b:s4+s2] =	stream.linear.scatter [tilespmem:s22], [sflag:$0x5], $0x1400, $0x38;
	[tilespmem:$0x1D380] =	vst v63  }
0x271: {  	_ = 	snop  }
0x272: {  	[spmem:s11] =	stream.indirect.scatter.add.f32 [tilespmem:s19], [sflag:$0x7], $0x80, s18, s21, $0xb8;
	[tilespmem:$0x1D380] =	vst v63  }
0x273: {  	s5 =	simm.s32 $0x16B80;
	s12 =	rddreg [dreg:$0x9]  }
0x274: {  	[spmem:s12] =	stream.indirect.scatter.add.f32 [tilespmem:s19], [sflag:$0x7], $0x80, s5, s21, $0xb8;
	[tilespmem:$0x1D380] =	vst v63  }
0x275: {  	_ =	swait.ge [sflag:s31], $0x1400  }
0x276: {  	[sflag:s31] =	ssyncset.done $0x0  }
0x277: {  	p5 =	seq.s32 s16, $0xF9;
	[sflag:s31] =	ssyncadd.s32 $0xFFFFEC00  }
0x278: {  	s3 =	sadd.s32 @!p5 s3, s14;
	_ =	swait.ge [sflag:s31], $0x1400  }
0x279: {  	s9 =	simm.s32 @!p5 $0x0;
	s4 =	sshrl.u32 @!p5 s3, $0x3;
	[sflag:s31] =	ssyncset.done $0x0  }
0x27a: {  	s5 =	sadd.s32 @!p5 s6, s4;
	s12 =	simm.s32 @!p5 $0x16E80;
	[sflag:s31] =	ssyncadd.s32 $0xFFFFEC00  }
0x27b: {  	[tilespmem:s12], [sflag:$0x1] =	stream.linear.gather @!p5 [hbm4b:s5+s9], $0x28, $0x38;
	[tilespmem:$0x1D380] =	vst v63  }
0x27c: {  	s5 =	rddreg [dreg:$0x0]  }
0x27d: {  	s3 =	sshll.u32 @!p5 s3, $0x4;
	s12 =	simm.s32 @!p5 $0x16A80;
	s5 =	sadd.s32 @!p5 s5, s4  }
0x27e: {  	[tilespmem:s12], [sflag:$0x1] =	stream.linear.gather @!p5 [hbm4b:s5+s9], $0x28, $0x38;
	[tilespmem:$0x1D380] =	vst v63  }
0x27f: {  	s3 =	sadd.s32 @!p5 s8, s3;
	s5 =	simm.s32 @!p5 $0x16F80  }
0x280: {  	[tilespmem:s5], [sflag:$0x1] =	stream.linear.gather @!p5 [hbm4b:s3+s9], $0x1400, $0x38;
	[tilespmem:$0x1D380] =	vst v63  }
0x281: {  	s3 =	rddreg [dreg:$0x1]  }
0x282: {  	s5 =	simm.s32 @!p5 $0x16C80;
	s3 =	sadd.s32 @!p5 s3, s4  }
0x283: {  	[tilespmem:s5], [sflag:$0x1] =	stream.linear.gather @!p5 [hbm4b:s3+s9], $0x28, $0x38;
	[tilespmem:$0x1D380] =	vst v63  }
0x284: {  	s3 =	rddreg [dreg:$0x3]  }
0x285: {  	s3 =	sadd.s32 @!p5 s3, s4;
	s4 =	simm.s32 @!p5 $0x16D80  }
0x286: {  	[tilespmem:s4], [sflag:$0x1] =	stream.linear.gather @!p5 [hbm4b:s3+s9], $0x28, $0x38;
	[tilespmem:$0x1D380] =	vst v63  }
0x287: {  	v1 =	vld [tilespmem:$0x16D00]  }
0x288: {  	v2 =	vld [tilespmem:$0x16E00]  }
0x289: {  	v3 =	vld [tilespmem:$0x16E10]  }
0x28a: {  	v4 =	vld [tilespmem:$0x16E18]  }
0x28b: {  	v5 =	vld [tilespmem:$0x16D10]  }
0x28c: {  	v6 =	vld [tilespmem:$0x16D18]  }
0x28d: {  	v2 =	vmul.u32 $0xC8, v2  }
0x28e: {  	v3 =	vmul.u32 $0xC8, v3  }
0x28f: {  	v1 =	vadd.s32 v1, v2;
	v2 =	vmul.u32 $0xC8, v4  }
0x290: {  	[tilespmem:$0x16C00] =	vst v1;
	v1 =	vadd.s32 v5, v3  }
0x291: {  	[tilespmem:$0x16C10] =	vst v1;
	v1 =	vadd.s32 v6, v2  }
0x292: {  	[tilespmem:$0x16C18] =	vst v1  }
0x293: {  	_ =	swait.ge [sflag:s10], $0x1400  }
0x294: {  	[sflag:s10] =	ssyncset.done $0x0  }
0x295: {  	s3 =	simm.s32 $0x0;
	[sflag:s10] =	ssyncadd.s32 $0xFFFFEC00  }
0x296: {  	s4 =	simm.s32 $0x16F00;
	v6 =	vld [tilespmem:s3+$0x1ABF0]  }
0x297: {  	v1 =	vld.msk [tilespmem:s4+$0x0 ss:$0x0], $0xffff  }
0x298: {  	v2 =	vld [tilespmem:s3+$0x183F0]  }
0x299: {  	v7 =	vld [tilespmem:s3+$0x1ABD0]  }
0x29a: {  	v5 =	vld [tilespmem:s3+$0x1ABE0]  }
0x29b: {  	v4 =	vld [tilespmem:s3+$0x18390]  }
0x29c: {  	s5 =	simm.s32 $0x200;
	v3 =	vld [tilespmem:s3+$0x1ABC0]  }
.LBB2_15:
0x29d: {  	p6 =	sne.s32 s5, $0x4E00  }
0x29e: {  	v8 =	vld [tilespmem:s3+$0x183B0];
	v6 =	vmul.f32 v6, v1;
	s4 =	sadd.s32 $0x1, s4;
	s9 =	smov.u32 s5;
	s5 =	sadd.s32 $0x200, s5  }
0x29f: {  	v9 =	vld [tilespmem:s3+$0x183C0];
	v7 =	vmul.f32 v7, v1  }
0x2a0: {  	v10 =	vld [tilespmem:s3+$0x1ABA0];
	v5 =	vmul.f32 v5, v1;
	[tilespmem:s3+$0x1ABF0] =	vst v6  }
0x2a1: {  	v4 =	vmul.f32 v4, v1;
	v6 =	vld [tilespmem:s3+$0x183A0];
	[tilespmem:s3+$0x1ABD0] =	vst v7  }
0x2a2: {  	v3 =	vmul.f32 v3, v1;
	v7 =	vld [tilespmem:s3+$0x183E0];
	[tilespmem:s3+$0x1ABE0] =	vst v5  }
0x2a3: {  	[tilespmem:s3+$0x18390] =	vst v4;
	v4 =	vmul.f32 v8, v1;
	v5 =	vld [tilespmem:s3+$0x183D0]  }
0x2a4: {  	v8 =	vld [tilespmem:s3+$0x1AB90];
	v9 =	vmul.f32 v9, v1;
	[tilespmem:s3+$0x1ABC0] =	vst v3  }
0x2a5: {  	v3 =	vld [tilespmem:s3+$0x18380];
	v10 =	vmul.f32 v10, v1;
	[tilespmem:s3+$0x183B0] =	vst v4  }
0x2a6: {  	v4 =	vmul.f32 v6, v1;
	v6 =	vld [tilespmem:s3+$0x1ABB0];
	[tilespmem:s3+$0x183C0] =	vst v9  }
0x2a7: {  	v9 =	vld [tilespmem:s3+$0x1AB80];
	[tilespmem:s3+$0x1ABA0] =	vst v10;
	v7 =	vmul.f32 v7, v1  }
0x2a8: {  	[tilespmem:s3+$0x183A0] =	vst v4;
	v4 =	vmul.f32 v5, v1  }
0x2a9: {  	v5 =	vmul.f32 v8, v1;
	[tilespmem:s3+$0x183E0] =	vst v7  }
0x2aa: {  	v3 =	vmul.f32 v1, v3;
	[tilespmem:s3+$0x183D0] =	vst v4  }
0x2ab: {  	[tilespmem:s3+$0x1AB90] =	vst v5;
	v4 =	vmul.f32 v6, v1  }
0x2ac: {  	[tilespmem:s3+$0x18380] =	vst v3;
	v3 =	vmul.f32 v9, v1;
	v1 =	vmul.f32 v2, v1  }
0x2ad: {  	[tilespmem:s3+$0x1ABB0] =	vst v4  }
0x2ae: {  	s9 =	sshra.s32 s9, $0x2;
	[tilespmem:s3+$0x183F0] =	vst v1  }
0x2af: {  	v6 =	vld [tilespmem:s9+$0x1ABF0];
	[tilespmem:s3+$0x1AB80] =	vst v3;
	s3 =	smov.u32 s9  }
0x2b0: {  	v1 =	vld.msk [tilespmem:s4+$0x0 ss:$0x0], $0xffff  }
.Ltmp9:
0x2b1: {  	v2 =	vld [tilespmem:s3+$0x183F0];
	(pc) =	sbr.rel @p6 .LBB2_15-.Ltmp9, $4  }
0x2b2: {  	v7 =	vld [tilespmem:s3+$0x1ABD0]  }
0x2b3: {  	v5 =	vld [tilespmem:s3+$0x1ABE0]  }
0x2b4: {  	v4 =	vld [tilespmem:s3+$0x18390]  }
0x2b5: {  	v3 =	vld [tilespmem:s3+$0x1ABC0]  }
0x2b6: {  	v6 =	vmul.f32 v6, v1  }
0x2b7: {  	v8 =	vld [tilespmem:s3+$0x183B0];
	v2 =	vmul.f32 v2, v1  }
0x2b8: {  	v9 =	vld [tilespmem:s3+$0x183C0];
	v7 =	vmul.f32 v7, v1;
	[tilespmem:s3+$0x1ABF0] =	vst v6  }
0x2b9: {  	v10 =	vld [tilespmem:s3+$0x1ABA0];
	v5 =	vmul.f32 v5, v1;
	[tilespmem:s3+$0x183F0] =	vst v2  }
0x2ba: {  	v57 =	vld [tilespmem:s3+$0x183A0];
	[tilespmem:s3+$0x1ABD0] =	vst v7;
	v4 =	vmul.f32 v4, v1  }
0x2bb: {  	v58 =	vld [tilespmem:s3+$0x183E0];
	[tilespmem:s3+$0x1ABE0] =	vst v5;
	v3 =	vmul.f32 v3, v1  }
0x2bc: {  	v59 =	vld [tilespmem:s3+$0x183D0];
	[tilespmem:s3+$0x18390] =	vst v4;
	v8 =	vmul.f32 v8, v1  }
0x2bd: {  	v60 =	vld [tilespmem:s3+$0x1AB90];
	v9 =	vmul.f32 v9, v1;
	[tilespmem:s3+$0x1ABC0] =	vst v3  }
0x2be: {  	v61 =	vld [tilespmem:s3+$0x1ABB0];
	v10 =	vmul.f32 v10, v1;
	[tilespmem:s3+$0x183B0] =	vst v8  }
0x2bf: {  	v6 =	vmul.f32 v57, v1;
	v3 =	vld [tilespmem:s3+$0x18380];
	[tilespmem:s3+$0x183C0] =	vst v9  }
0x2c0: {  	v62 =	vld [tilespmem:s3+$0x1AB80];
	v7 =	vmul.f32 v58, v1;
	[tilespmem:s3+$0x1ABA0] =	vst v10  }
0x2c1: {  	v4 =	vmul.f32 v59, v1;
	[tilespmem:s3+$0x183A0] =	vst v6  }
0x2c2: {  	v5 =	vmul.f32 v60, v1;
	[tilespmem:s3+$0x183E0] =	vst v7  }
0x2c3: {  	v63 =	vmul.f32 v61, v1;
	[tilespmem:s3+$0x183D0] =	vst v4  }
0x2c4: {  	[tilespmem:s3+$0x1AB90] =	vst v5;
	v3 =	vmul.f32 v1, v3  }
0x2c5: {  	[tilespmem:s3+$0x1ABB0] =	vst v63;
	v1 =	vmul.f32 v62, v1  }
0x2c6: {  	[tilespmem:s3+$0x18380] =	vst v3  }
0x2c7: {  	[tilespmem:s3+$0x1AB80] =	vst v1  }
0x2c8: {  	_ =	swait.ge [sflag:s0], $0x1400  }
0x2c9: {  	[sflag:s0] =	ssyncset.done $0x0  }
0x2ca: {  	s3 =	simm.s32 @!p5 $0x1;
	[sflag:s0] =	ssyncadd.s32 $0xFFFFEC00  }
0x2cb: {  	_ =	swait.ge @!p5 [sflag:s3], $0x28  }
0x2cc: {  	[sflag:s3] =	ssyncset.done @!p5 $0x0  }
0x2cd: {  	[sflag:s3] =	ssyncadd.s32 @!p5 $0xFFFFFFD8  }
0x2ce: {  	_ =	swait.ge @!p5 [sflag:s3], $0x28  }
0x2cf: {  	[sflag:s3] =	ssyncset.done @!p5 $0x0  }
0x2d0: {  	[sflag:s3] =	ssyncadd.s32 @!p5 $0xFFFFFFD8  }
0x2d1: {  	_ =	swait.ge @!p5 [sflag:s3], $0x1400  }
0x2d2: {  	[sflag:s3] =	ssyncset.done @!p5 $0x0  }
0x2d3: {  	[sflag:s3] =	ssyncadd.s32 @!p5 $0xFFFFEC00  }
0x2d4: {  	_ =	swait.ge @!p5 [sflag:s3], $0x28  }
0x2d5: {  	[sflag:s3] =	ssyncset.done @!p5 $0x0  }
0x2d6: {  	[sflag:s3] =	ssyncadd.s32 @!p5 $0xFFFFFFD8  }
0x2d7: {  	_ =	swait.ge @!p5 [sflag:s3], $0x28  }
0x2d8: {  	s4 =	simm.s32 @!p5 $0x16A80;
	s5 =	simm.s32 @!p5 $0x19780;
	[sflag:s3] =	ssyncset.done @!p5 $0x0  }
0x2d9: {  	s16 =	sadd.s32 $0x1, s16;
	[sflag:s3] =	ssyncadd.s32 @!p5 $0xFFFFFFD8;
	s3 =	simm.s32 @!p5 $0x28  }
0x2da: {  	[tilespmem:s5], [sflag:$0x3] =	stream.indirect.gather @!p5 [hbm4b:s7+s3], $0x80, s4, s3, $0xb8;
	[tilespmem:$0x1D380] =	vst v63  }
0x2db: {  	s1 =	sadd.s32 s23, s1;
	p5 =	sne.s32 s16, $0xFA  }
0x2dc: {  	[hbm4b:s1+s2] =	stream.linear.scatter [tilespmem:s30], [sflag:$0x6], $0x1400, $0x38;
	[tilespmem:$0x1D380] =	vst v63  }
.Ltmp10:
0x2dd: {  	_ = 	snop;
	(pc) =	sbr.rel @p5 .LBB2_12-.Ltmp10, $4  }
0x2de: {  	_ = 	snop  }
0x2df: {  	[spmem:s11] =	stream.indirect.scatter.add.f32 [tilespmem:s25], [sflag:$0x8], $0x80, s24, s21, $0xb8;
	[tilespmem:$0x1D380] =	vst v63  }
0x2e0: {  	s12 =	simm.s32 $0x16C00;
	s9 =	rddreg [dreg:$0x9]  }
0x2e1: {  	[spmem:s9] =	stream.indirect.scatter.add.f32 [tilespmem:s25], [sflag:$0x8], $0x80, s12, s21, $0xb8;
	[tilespmem:$0x1D380] =	vst v63  }
.Ltmp11:
0x2e2: {  	(pc) =	sbr.rel .LBB2_18-.Ltmp11, $4  }
0x2e3: {  	s1 =	simm.s32 $0x6  }
0x2e4: {  	_ =	swait.ge [sflag:s1], $0x1400  }
0x2e5: {  	[sflag:s1] =	ssyncset.done $0x0  }
0x2e6: {  	s9 =	sld [smem:$0x7D8];
	[sflag:s1] =	ssyncadd.s32 $0xFFFFEC00;
	s1 =	simm.s32 $0x8  }
.LBB2_19:
0x2e7: {  	_ =	sfence.sel $0x180000  }
0x2e8: {  	[bflag:$0x0] =	sbarrier.arrive $0xFFFF  }
0x2e9: {  	_ =	strace $0x90000047  }
0x2ea: {  	s0 =	stileid.u32;
	[bflag:$0x2] =	sbarrier.arrive $0xFFFF  }
0x2eb: {  	p0 =	sne.s32 s0, $0x0;
	s0 =	rddreg [dreg:$0xa]  }
0x2ec: {  	s0 =	sadd.s32 @!p0 $0x100000, s0  }
0x2ed: {  	[sflag:s0] =	ssyncadd.tile.s32 @!p0 $0x1;
	_ =	shalt  }
.Lfunc_end2:
_tile_overlayer_lowered:
.L_overlay_start_2:
0x2ee: {  	(tag) =	ssettag $0x2  }
0x2ef: {  	s0 =	rddreg [dreg:$0x0];
	s2 =	stileid.u32  }
0x2f0: {  	s1 =	rddreg [dreg:$0x1];
	p0 =	sne.s32 s2, $0x0  }
0x2f1: {  	s3 =	rddreg [dreg:$0x2];
	[bflag:$0x3] =	sbarrier.arrive $0xFFFF;
	s2 =	simm.s32 @!p0 $0x1C09  }
0x2f2: {  	[timem:s3], [sflag:s2] =	dma.local @!p0 [hbm:s0], s1  }
0x2f3: {  	s0 =	simm.s32 @!p0 $0x9  }
0x2f4: {  	_ =	swait.ge @!p0 [sflag:s0], s1  }
0x2f5: {  	s1 =	ssub.s32 @!p0 $0x0, s1;
	[sflag:s0] =	ssyncset.done @!p0 $0x0  }
0x2f6: {  	[sflag:s0] =	ssyncadd.s32 @!p0 s1  }
0x2f7: {  	[bflag:$0x3] =	sbarrier.arrive $0xFFFF  }
0x2f8: {  	_ =	shalt  }

</sc_bundles>
